<compile_context>
chip_gen: v7x
topology: tpu7x:2x2x1
jax: 0.10.2.dev20260603
libtpu: 0.0.44.dev20260713+nightly
codegen_flags: <defaults>
</compile_context>

<pallas_src>
import dataclasses
import functools

import jax
import jax.numpy as jnp
from jax import lax
from jax.experimental import pallas as pl
from jax.experimental.pallas import tpu as pltpu
from jax.experimental.pallas import tpu_sc as plsc

N = 10000
E = 320000
D = 128
DE = 16
NP = 10240
NW = 32
E16 = E // 16
EW = E // NW
CHA = 80
CHT = 200
NBT = 40
KBT = CHT // NBT
NCHT = EW // CHT
CHS = 400
NCHS = EW // CHS
NCH16 = E16 // CHA
RPT = NP // 16
ZR = 40
BT = 640
R = 1280

_mesh = plsc.VectorSubcoreMesh(core_axis_name="c", subcore_axis_name="s")

_cp = pltpu.CompilerParams()
if "needs_layout_passes" in pltpu.CompilerParams.__dataclass_fields__:
    _cp = dataclasses.replace(_cp, needs_layout_passes=False)


def _zero2d(ref, nrows, ncols):
    @pl.loop(0, nrows)
    def _(r):
        for t in range(ncols // 16):
            ref[r, pl.ds(t * 16, 16)] = jnp.zeros((16,), jnp.float32)


def _zero_acc(src_rows, acc, base):
    @pl.loop(0, RPT // ZR)
    def _(i):
        pltpu.sync_copy(src_rows.at[pl.ds(0, ZR)],
                        acc.at[pl.ds(base + i * ZR, ZR)])


@functools.partial(
    pl.kernel,
    mesh=_mesh,
    compiler_params=_cp,
    out_type=jax.ShapeDtypeStruct((2, NP, D), jnp.float32),
    scratch_types=[
        pltpu.VMEM((1, CHA), jnp.int32),
        pltpu.VMEM((1, CHA), jnp.int32),
        pltpu.VMEM((CHA, D), jnp.float32),
        pltpu.VMEM((CHA, DE), jnp.float32),
        pltpu.VMEM_SHARED((NP, D), jnp.float32),
        pltpu.SemaphoreType.DMA,
    ],
)
def _sc_a1(mem_hbm, ea_hbm, src_hbm, dst_hbm, out, sidx, didx, rows, earows,
           acc, sem):
    c = lax.axis_index("c")
    s = lax.axis_index("s")
    base = s * RPT
    one0 = jnp.where(lax.iota(jnp.int32, 16) == 0, 1.0, 0.0).astype(jnp.float32)

    _zero2d(rows, CHA, D)
    _zero_acc(rows, acc, base)
    plsc.subcore_barrier()

    @pl.loop(0, NCH16)
    def _(k):
        e0 = s * E16 + k * CHA
        pltpu.sync_copy(dst_hbm.at[pl.ds(e0, CHA)], didx.at[0])

        @pl.when(c == 0)
        def _():
            pltpu.sync_copy(src_hbm.at[pl.ds(e0, CHA)], sidx.at[0])
            pltpu.async_copy(mem_hbm.at[sidx.at[0]], rows, sem).wait()

        @pl.when(c == 1)
        def _():
            pltpu.sync_copy(ea_hbm.at[pl.ds(e0, CHA)], earows)

            @pl.loop(0, CHA)
            def _(r):
                rows[r, pl.ds(0, 16)] = earows[r, pl.ds(0, 16)]
                rows[r, pl.ds(16, 16)] = one0

        pltpu.sync_copy(rows, acc.at[didx.at[0]], add=True)

    plsc.subcore_barrier()
    pltpu.sync_copy(acc.at[pl.ds(base, RPT)], out.at[c, pl.ds(base, RPT)])


@functools.partial(
    pl.kernel,
    mesh=_mesh,
    out_type=jax.ShapeDtypeStruct((2, NP, D), jnp.float32),
    scratch_types=[
        pltpu.VMEM((KBT, NBT), jnp.int32),
        pltpu.VMEM((CHT, D), jnp.float32),
        pltpu.VMEM_SHARED((NP, D), jnp.float32),
        pltpu.SemaphoreType.DMA,
    ],
)
def _sc_a2(te_hbm, dst_hbm, ste_out, didx, rows, acct, sem):
    c = lax.axis_index("c")
    s = lax.axis_index("s")
    w = c * 16 + s
    base = s * RPT

    _zero2d(rows, ZR, D)
    _zero_acc(rows, acct, base)
    plsc.subcore_barrier()

    @pl.loop(0, NCHT)
    def _(k):
        e0 = w * EW + k * CHT
        for j in range(KBT):
            pltpu.sync_copy(dst_hbm.at[pl.ds(e0 + j * NBT, NBT)], didx.at[j])
        pltpu.sync_copy(te_hbm.at[pl.ds(e0, CHT)], rows)
        for j in range(KBT):
            pltpu.sync_copy(rows.at[pl.ds(j * NBT, NBT)],
                            acct.at[didx.at[j]], add=True)

    plsc.subcore_barrier()
    pltpu.sync_copy(acct.at[pl.ds(base, RPT)], ste_out.at[c, pl.ds(base, RPT)])


@functools.partial(
    pl.kernel,
    mesh=_mesh,
    compiler_params=_cp,
    out_type=(
        jax.ShapeDtypeStruct((E,), jnp.float32),
        jax.ShapeDtypeStruct((NW * 16,), jnp.float32),
    ),
    scratch_types=[
        pltpu.VMEM((NP,), jnp.float32),
        pltpu.VMEM((NP,), jnp.float32),
        pltpu.VMEM((CHS,), jnp.int32),
        pltpu.VMEM((CHS,), jnp.int32),
        pltpu.VMEM((CHS,), jnp.float32),
        pltpu.VMEM((16,), jnp.float32),
    ],
)
def _sc_c1(s2_hbm, src_hbm, dst_hbm, score_out, mx_out,
           ssrc, sdst, sidx, didx, sbuf, mref):
    c = lax.axis_index("c")
    s = lax.axis_index("s")
    w = c * 16 + s

    pltpu.sync_copy(s2_hbm.at[0], ssrc)
    pltpu.sync_copy(s2_hbm.at[1], sdst)
    mref[...] = jnp.full((16,), -3.0e38, jnp.float32)

    @pl.loop(0, NCHS)
    def _(k):
        e0 = w * EW + k * CHS
        pltpu.sync_copy(src_hbm.at[pl.ds(e0, CHS)], sidx)
        pltpu.sync_copy(dst_hbm.at[pl.ds(e0, CHS)], didx)

        @pl.loop(0, CHS // 16)
        def _(t):
            vs = plsc.load_gather(ssrc, [sidx[pl.ds(t * 16, 16)]])
            vd = plsc.load_gather(sdst, [didx[pl.ds(t * 16, 16)]])
            sc = vs + vd
            sc = jnp.where(sc >= 0.0, sc, 0.2 * sc)
            sbuf[pl.ds(t * 16, 16)] = sc
            mref[...] = jnp.maximum(mref[...], sc)

        pltpu.sync_copy(sbuf, score_out.at[pl.ds(e0, CHS)])

    pltpu.sync_copy(mref, mx_out.at[pl.ds(w * 16, 16)])


@functools.partial(
    pl.kernel,
    mesh=_mesh,
    compiler_params=_cp,
    out_type=jax.ShapeDtypeStruct((2, NP, D), jnp.float32),
    scratch_types=[
        pltpu.VMEM((1, CHA), jnp.int32),
        pltpu.VMEM((1, CHA), jnp.int32),
        pltpu.VMEM((CHA, D), jnp.float32),
        pltpu.VMEM((CHA,), jnp.float32),
        pltpu.VMEM((CHA,), jnp.float32),
        pltpu.VMEM((NW * 16,), jnp.float32),
        pltpu.VMEM((16,), jnp.float32),
        pltpu.VMEM_SHARED((NP, D), jnp.float32),
        pltpu.SemaphoreType.DMA,
    ],
)
def _sc_c2(score_hbm, mx_hbm, src_hbm, dst_hbm, v_hbm, out,
           sidx, didx, rows, sbuf, exbuf, mxv, mtmp, acc, sem):
    c = lax.axis_index("c")
    s = lax.axis_index("s")
    base = s * RPT
    one0 = jnp.where(lax.iota(jnp.int32, 16) == 0, 1.0, 0.0).astype(jnp.float32)

    _zero2d(rows, CHA, D)
    _zero_acc(rows, acc, base)
    plsc.subcore_barrier()

    pltpu.sync_copy(mx_hbm, mxv)
    mtmp[...] = mxv[pl.ds(0, 16)]

    @pl.loop(1, NW)
    def _(r):
        mtmp[...] = jnp.maximum(mtmp[...], mxv[pl.ds(r * 16, 16)])

    M = jnp.max(mtmp[...])

    @pl.loop(0, NCH16)
    def _(k):
        e0 = s * E16 + k * CHA
        pltpu.sync_copy(dst_hbm.at[pl.ds(e0, CHA)], didx.at[0])
        pltpu.sync_copy(score_hbm.at[pl.ds(e0, CHA)], sbuf)

        @pl.loop(0, CHA // 16)
        def _(t):
            exbuf[pl.ds(t * 16, 16)] = jnp.exp(sbuf[pl.ds(t * 16, 16)] - M)

        @pl.when(c == 0)
        def _():
            pltpu.sync_copy(src_hbm.at[pl.ds(e0, CHA)], sidx.at[0])
            pltpu.async_copy(v_hbm.at[sidx.at[0]], rows, sem).wait()

            @pl.loop(0, CHA)
            def _(r):
                bv = plsc.load_gather(exbuf, [jnp.zeros((16,), jnp.int32) + r])
                for t in range(D // 16):
                    rows[r, pl.ds(t * 16, 16)] = rows[r, pl.ds(t * 16, 16)] * bv

        @pl.when(c == 1)
        def _():
            @pl.loop(0, CHA)
            def _(r):
                bv = plsc.load_gather(exbuf, [jnp.zeros((16,), jnp.int32) + r])
                rows[r, pl.ds(0, 16)] = one0 * bv

        pltpu.sync_copy(rows, acc.at[didx.at[0]], add=True)

    plsc.subcore_barrier()
    pltpu.sync_copy(acc.at[pl.ds(base, RPT)], out.at[c, pl.ds(base, RPT)])


def _te_body(t_ref, w_ref, b_ref, o_ref):
    o_ref[...] = jnp.cos(t_ref[...] * w_ref[...] + b_ref[...])


def _dense_body(ssrc_ref, ste_ref, mem_ref, x_ref,
                wi_ref, wh_ref, bi_ref, bh_ref, asrc_ref, adst_ref, wv_ref,
                h_ref, v_ref, s2_ref):
    f32 = jnp.float32
    hi = jax.lax.Precision.HIGHEST
    ssrc = ssrc_ref[0]
    sea = ssrc_ref[1][:, :DE]
    cnt = ssrc_ref[1][:, DE]
    ste = ste_ref[0] + ste_ref[1]
    inv = (1.0 / jnp.maximum(cnt, 1.0))[:, None]
    msk = (cnt > 0.0).astype(f32)[:, None]
    mem = mem_ref[...]
    wi = wi_ref[...]
    gi = (jnp.dot(ssrc * inv, wi[0:D], preferred_element_type=f32, precision=hi)
          + jnp.dot(mem * msk, wi[D:2 * D], preferred_element_type=f32,
                    precision=hi)
          + jnp.dot(sea * inv, wi[2 * D:2 * D + DE], preferred_element_type=f32,
                    precision=hi)
          + jnp.dot(ste * inv, wi[2 * D + DE:], preferred_element_type=f32,
                    precision=hi)
          + bi_ref[...])
    gh = jnp.dot(mem, wh_ref[...], preferred_element_type=f32,
                 precision=hi) + bh_ref[...]
    r = jax.nn.sigmoid(gi[:, :D] + gh[:, :D])
    z = jax.nn.sigmoid(gi[:, D:2 * D] + gh[:, D:2 * D])
    n = jnp.tanh(gi[:, 2 * D:] + r * gh[:, 2 * D:])
    h = x_ref[...] + (1.0 - z) * n + z * mem
    h_ref[...] = h
    v_ref[...] = jnp.dot(h, wv_ref[...], preferred_element_type=f32,
                         precision=hi)
    s_src = jnp.sum(h * asrc_ref[...], axis=1)
    s_dst = jnp.sum(h * adst_ref[...], axis=1)
    s2_ref[...] = jnp.stack([s_src, s_dst], axis=0)


def _final_body(sv_ref, h_ref, o_ref):
    sv = sv_ref[0]
    den = sv_ref[1][:, 0]
    o_ref[...] = sv / (den + 1e-16)[:, None] + h_ref[...]


def kernel(x, edge_attr, edge_time, memory, W_time, b_time, W_i, W_h,
           b_i, b_h, a_src, a_dst, W_v, edge_index):
    f32 = jnp.float32
    src = edge_index[0].astype(jnp.int32)
    dst = edge_index[1].astype(jnp.int32)
    xp = jnp.pad(x.astype(f32), ((0, NP - N), (0, 0)))
    memp = jnp.pad(memory.astype(f32), ((0, NP - N), (0, 0)))

    te = pl.pallas_call(
        _te_body,
        grid=(E // BT,),
        in_specs=[
            pl.BlockSpec((BT, 1), lambda i: (i, 0)),
            pl.BlockSpec((1, D), lambda i: (0, 0)),
            pl.BlockSpec((1, D), lambda i: (0, 0)),
        ],
        out_specs=pl.BlockSpec((BT, D), lambda i: (i, 0)),
        out_shape=jax.ShapeDtypeStruct((E, D), f32),
    )(edge_time.astype(f32).reshape(E, 1), W_time.astype(f32).reshape(1, D),
      b_time.astype(f32).reshape(1, D))

    ssrc_p = _sc_a1(memp, edge_attr.astype(f32), src, dst)
    ste_p = _sc_a2(te, dst)

    h, v, s2 = pl.pallas_call(
        _dense_body,
        grid=(NP // R,),
        in_specs=[
            pl.BlockSpec((2, R, D), lambda i: (0, i, 0)),
            pl.BlockSpec((2, R, D), lambda i: (0, i, 0)),
            pl.BlockSpec((R, D), lambda i: (i, 0)),
            pl.BlockSpec((R, D), lambda i: (i, 0)),
            pl.BlockSpec((2 * D + DE + D, 3 * D), lambda i: (0, 0)),
            pl.BlockSpec((D, 3 * D), lambda i: (0, 0)),
            pl.BlockSpec((1, 3 * D), lambda i: (0, 0)),
            pl.BlockSpec((1, 3 * D), lambda i: (0, 0)),
            pl.BlockSpec((1, D), lambda i: (0, 0)),
            pl.BlockSpec((1, D), lambda i: (0, 0)),
            pl.BlockSpec((D, D), lambda i: (0, 0)),
        ],
        out_specs=[
            pl.BlockSpec((R, D), lambda i: (i, 0)),
            pl.BlockSpec((R, D), lambda i: (i, 0)),
            pl.BlockSpec((2, R), lambda i: (0, i)),
        ],
        out_shape=[
            jax.ShapeDtypeStruct((NP, D), f32),
            jax.ShapeDtypeStruct((NP, D), f32),
            jax.ShapeDtypeStruct((2, NP), f32),
        ],
    )(ssrc_p, ste_p, memp, xp,
      W_i.astype(f32), W_h.astype(f32), b_i.astype(f32).reshape(1, 3 * D),
      b_h.astype(f32).reshape(1, 3 * D), a_src.astype(f32).reshape(1, D),
      a_dst.astype(f32).reshape(1, D), W_v.astype(f32))

    score, mx = _sc_c1(s2, src, dst)
    sv_p = _sc_c2(score, mx, src, dst, v)

    outp = pl.pallas_call(
        _final_body,
        grid=(NP // R,),
        in_specs=[
            pl.BlockSpec((2, R, D), lambda i: (0, i, 0)),
            pl.BlockSpec((R, D), lambda i: (i, 0)),
        ],
        out_specs=pl.BlockSpec((R, D), lambda i: (i, 0)),
        out_shape=jax.ShapeDtypeStruct((NP, D), f32),
    )(sv_p, h)

    return outp[:N]

# --- scband reference (transcript-rebuilt; emitter-appended) ---
"""Pipeline reference for scband-tige-16999480558369 (READ-ONLY COPY).

The authoritative reference and input builder live on the scoring server;
editing this copy changes nothing except your own understanding.
"""

import jax, jax.numpy as jnp
import numpy as np

N = 10000
E = 320000
D = 128
DE = 16


def setup_inputs(seed: int = 0):
    key = jax.random.key(seed)
    ks = jax.random.split(key, 12)
    x = jax.random.normal(ks[0], (N, D), dtype=jnp.float32)
    edge_index = jax.random.randint(ks[1], (2, E), 0, N)
    edge_attr = jax.random.normal(ks[2], (E, DE), dtype=jnp.float32)
    edge_time = jax.random.uniform(ks[3], (E,), dtype=jnp.float32)
    memory = jax.random.normal(ks[4], (N, D), dtype=jnp.float32)
    RM = 2 * D + DE + D
    s = 0.05
    W_time = jax.random.normal(ks[5], (D,), dtype=jnp.float32)
    b_time = jax.random.normal(ks[6], (D,), dtype=jnp.float32)
    W_i = jax.random.normal(ks[7], (RM, 3 * D), dtype=jnp.float32) * s
    W_h = jax.random.normal(ks[8], (D, 3 * D), dtype=jnp.float32) * s
    b_i = jnp.zeros((3 * D,), dtype=jnp.float32)
    b_h = jnp.zeros((3 * D,), dtype=jnp.float32)
    a_src = jax.random.normal(ks[9], (D,), dtype=jnp.float32) * s
    a_dst = jax.random.normal(ks[10], (D,), dtype=jnp.float32) * s
    W_v = jax.random.normal(ks[11], (D, D), dtype=jnp.float32) * s
    return {"x": x, "edge_attr": edge_attr, "edge_time": edge_time, "memory": memory,
            "W_time": W_time, "b_time": b_time, "W_i": W_i, "W_h": W_h, "b_i": b_i,
            "b_h": b_h, "a_src": a_src, "a_dst": a_dst, "W_v": W_v, "edge_index": edge_index}


def reference(x, edge_attr, edge_time, memory, W_time, b_time, W_i, W_h, b_i, b_h, a_src, a_dst, W_v, edge_index):
    src = edge_index[0]
    dst = edge_index[1]
    # TimeEncode: cos(t * w + b)
    te = jnp.cos(edge_time[:, None] * W_time[None, :] + b_time[None, :])
    # raw message: [mem(src), mem(dst), edge_feat, time_feat]  (raw_msg_dim = 2*D + DE + D)
    raw_msg = jnp.concatenate([jnp.take(memory, src, axis=0), jnp.take(memory, dst, axis=0), edge_attr, te], axis=1)
    # identity message transform (msg_tsfm_type='id'); aggregate messages per dst node
    ones = jnp.ones((E,), dtype=jnp.float32)
    counts = jax.ops.segment_sum(ones, dst, num_segments=N)
    agg = jax.ops.segment_sum(raw_msg, dst, num_segments=N) / jnp.maximum(counts, 1.0)[:, None]
    # GRU memory updater (mem_update_type='gru')
    gi = agg @ W_i + b_i
    gh = memory @ W_h + b_h
    i_r, i_z, i_n = jnp.split(gi, 3, axis=1)
    h_r, h_z, h_n = jnp.split(gh, 3, axis=1)
    r = jax.nn.sigmoid(i_r + h_r)
    z = jax.nn.sigmoid(i_z + h_z)
    n = jnp.tanh(i_n + r * h_n)
    new_mem = (1.0 - z) * n + z * memory
    # temporal graph attention embedding over updated memory + raw node features
    h = x + new_mem
    score = jax.nn.leaky_relu(jnp.take(h, src, axis=0) @ a_src + jnp.take(h, dst, axis=0) @ a_dst, negative_slope=0.2)
    m = jax.lax.stop_gradient(jax.ops.segment_max(score, dst, num_segments=N))
    m = jnp.where(jnp.isfinite(m), m, 0.0)
    ex = jnp.exp(score - jnp.take(m, dst))
    denom = jax.ops.segment_sum(ex, dst, num_segments=N)
    alpha = ex / (jnp.take(denom, dst) + 1e-16)
    v = jnp.take(h, src, axis=0) @ W_v
    out = jax.ops.segment_sum(alpha[:, None] * v, dst, num_segments=N)
    return out + h

if __name__ == "__main__":
    import jax
    _d = setup_inputs()
    print(jax.jit(kernel)(*tuple(_d.values())))

</pallas_src>

<mosaic_0001>
#map = affine_map<(d0, d1) -> (0, 0)>
#map1 = affine_map<(d0, d1) -> (0)>
#map2 = affine_map<(d0, d1) -> (0, 0, 0)>
module attributes {stable_mosaic.version = 14 : i64} {
  func.func @_sc_a2(%arg0: i32, %arg1: i32, %arg2: memref<320000x128xf32, #tpu.memory_space<hbm>>, %arg3: memref<320000xi32, #tpu.memory_space<hbm>>, %arg4: memref<2x10240x128xf32, #tpu.memory_space<hbm>>, %arg5: memref<5x40xi32, #tpu.memory_space<vmem>>, %arg6: memref<200x128xf32, #tpu.memory_space<vmem>>, %arg7: memref<10240x128xf32, #tpu.memory_space<vmem_shared>>, %arg8: memref<!tpu.dma_semaphore, #tpu.memory_space<semaphore_mem>>) attributes {dimension_semantics = [#tpu.dimension_semantics<core_parallel>, #tpu.dimension_semantics<subcore_parallel>], iteration_bounds = array<i64: 2, 16>, scalar_prefetch = 0 : i64, scratch_operands = 4 : i64, tpu.core_type = #tpu.core_type<sc_vector_subcore>, window_params = [{transform_indices = #map}, {transform_indices = #map1}, {transform_indices = #map2}]} {
    %mul3A = arith.constant 16 : i32
    %mul3A_0 = arith.muli %arg0, %mul3A : i32
    %add3A = arith.addi %mul3A_0, %arg1 : i32
    %mul3A_1 = arith.constant 640 : i32
    %mul3A_2 = arith.muli %arg1, %mul3A_1 : i32
    %scan3A = arith.constant 0 : i32
    %scan3A_3 = arith.constant 40 : i32
    %scan3A_4 = arith.addi %scan3A, %scan3A_3 : i32
    %scan3A_5 = arith.constant 1 : i32
    scf.for %scan3A_18 = %scan3A to %scan3A_4 step %scan3A_5  : i32 {
      %mul3A_19 = arith.constant 1 : i32
      %mul3A_20 = arith.muli %scan3A_18, %mul3A_19 : i32
      %add3A_21 = arith.constant 0 : i32
      %add3A_22 = arith.addi %add3A_21, %mul3A_20 : i32
      %broadcast_in_dim3A = arith.constant 0.000000e+00 : f32
      %broadcast_in_dim3A_23 = vector.broadcast %broadcast_in_dim3A : f32 to vector<16xf32>
      %swap3A = arith.index_cast %add3A_22 : i32 to index
      %swap3A_24 = arith.constant 0 : index
      %swap3A_25 = tpu.vector_load %arg6[%swap3A, %swap3A_24] {strides = array<i32>} : memref<200x128xf32, #tpu.memory_space<vmem>>, vector<1x16xf32>,
      %swap3A_26 = vector.shape_cast %swap3A_25 : vector<1x16xf32> to vector<16xf32>
      %swap3A_27 = vector.shape_cast %broadcast_in_dim3A_23 : vector<16xf32> to vector<1x16xf32>
      tpu.vector_store %arg6[%swap3A, %swap3A_24], %swap3A_27 {strides = array<i32>} : memref<200x128xf32, #tpu.memory_space<vmem>>, vector<1x16xf32>,
      %broadcast_in_dim3A_28 = arith.constant 0.000000e+00 : f32
      %broadcast_in_dim3A_29 = vector.broadcast %broadcast_in_dim3A_28 : f32 to vector<16xf32>
      %swap3A_30 = arith.index_cast %add3A_22 : i32 to index
      %swap3A_31 = arith.constant 16 : index
      %swap3A_32 = tpu.vector_load %arg6[%swap3A_30, %swap3A_31] {strides = array<i32>} : memref<200x128xf32, #tpu.memory_space<vmem>>, vector<1x16xf32>,
      %swap3A_33 = vector.shape_cast %swap3A_32 : vector<1x16xf32> to vector<16xf32>
      %swap3A_34 = vector.shape_cast %broadcast_in_dim3A_29 : vector<16xf32> to vector<1x16xf32>
      tpu.vector_store %arg6[%swap3A_30, %swap3A_31], %swap3A_34 {strides = array<i32>} : memref<200x128xf32, #tpu.memory_space<vmem>>, vector<1x16xf32>,
      %broadcast_in_dim3A_35 = arith.constant 0.000000e+00 : f32
      %broadcast_in_dim3A_36 = vector.broadcast %broadcast_in_dim3A_35 : f32 to vector<16xf32>
      %swap3A_37 = arith.index_cast %add3A_22 : i32 to index
      %swap3A_38 = arith.constant 32 : index
      %swap3A_39 = tpu.vector_load %arg6[%swap3A_37, %swap3A_38] {strides = array<i32>} : memref<200x128xf32, #tpu.memory_space<vmem>>, vector<1x16xf32>,
      %swap3A_40 = vector.shape_cast %swap3A_39 : vector<1x16xf32> to vector<16xf32>
      %swap3A_41 = vector.shape_cast %broadcast_in_dim3A_36 : vector<16xf32> to vector<1x16xf32>
      tpu.vector_store %arg6[%swap3A_37, %swap3A_38], %swap3A_41 {strides = array<i32>} : memref<200x128xf32, #tpu.memory_space<vmem>>, vector<1x16xf32>,
      %broadcast_in_dim3A_42 = arith.constant 0.000000e+00 : f32
      %broadcast_in_dim3A_43 = vector.broadcast %broadcast_in_dim3A_42 : f32 to vector<16xf32>
      %swap3A_44 = arith.index_cast %add3A_22 : i32 to index
      %swap3A_45 = arith.constant 48 : index
      %swap3A_46 = tpu.vector_load %arg6[%swap3A_44, %swap3A_45] {strides = array<i32>} : memref<200x128xf32, #tpu.memory_space<vmem>>, vector<1x16xf32>,
      %swap3A_47 = vector.shape_cast %swap3A_46 : vector<1x16xf32> to vector<16xf32>
      %swap3A_48 = vector.shape_cast %broadcast_in_dim3A_43 : vector<16xf32> to vector<1x16xf32>
      tpu.vector_store %arg6[%swap3A_44, %swap3A_45], %swap3A_48 {strides = array<i32>} : memref<200x128xf32, #tpu.memory_space<vmem>>, vector<1x16xf32>,
      %broadcast_in_dim3A_49 = arith.constant 0.000000e+00 : f32
      %broadcast_in_dim3A_50 = vector.broadcast %broadcast_in_dim3A_49 : f32 to vector<16xf32>
      %swap3A_51 = arith.index_cast %add3A_22 : i32 to index
      %swap3A_52 = arith.constant 64 : index
      %swap3A_53 = tpu.vector_load %arg6[%swap3A_51, %swap3A_52] {strides = array<i32>} : memref<200x128xf32, #tpu.memory_space<vmem>>, vector<1x16xf32>,
      %swap3A_54 = vector.shape_cast %swap3A_53 : vector<1x16xf32> to vector<16xf32>
      %swap3A_55 = vector.shape_cast %broadcast_in_dim3A_50 : vector<16xf32> to vector<1x16xf32>
      tpu.vector_store %arg6[%swap3A_51, %swap3A_52], %swap3A_55 {strides = array<i32>} : memref<200x128xf32, #tpu.memory_space<vmem>>, vector<1x16xf32>,
      %broadcast_in_dim3A_56 = arith.constant 0.000000e+00 : f32
      %broadcast_in_dim3A_57 = vector.broadcast %broadcast_in_dim3A_56 : f32 to vector<16xf32>
      %swap3A_58 = arith.index_cast %add3A_22 : i32 to index
      %swap3A_59 = arith.constant 80 : index
      %swap3A_60 = tpu.vector_load %arg6[%swap3A_58, %swap3A_59] {strides = array<i32>} : memref<200x128xf32, #tpu.memory_space<vmem>>, vector<1x16xf32>,
      %swap3A_61 = vector.shape_cast %swap3A_60 : vector<1x16xf32> to vector<16xf32>
      %swap3A_62 = vector.shape_cast %broadcast_in_dim3A_57 : vector<16xf32> to vector<1x16xf32>
      tpu.vector_store %arg6[%swap3A_58, %swap3A_59], %swap3A_62 {strides = array<i32>} : memref<200x128xf32, #tpu.memory_space<vmem>>, vector<1x16xf32>,
      %broadcast_in_dim3A_63 = arith.constant 0.000000e+00 : f32
      %broadcast_in_dim3A_64 = vector.broadcast %broadcast_in_dim3A_63 : f32 to vector<16xf32>
      %swap3A_65 = arith.index_cast %add3A_22 : i32 to index
      %swap3A_66 = arith.constant 96 : index
      %swap3A_67 = tpu.vector_load %arg6[%swap3A_65, %swap3A_66] {strides = array<i32>} : memref<200x128xf32, #tpu.memory_space<vmem>>, vector<1x16xf32>,
      %swap3A_68 = vector.shape_cast %swap3A_67 : vector<1x16xf32> to vector<16xf32>
      %swap3A_69 = vector.shape_cast %broadcast_in_dim3A_64 : vector<16xf32> to vector<1x16xf32>
      tpu.vector_store %arg6[%swap3A_65, %swap3A_66], %swap3A_69 {strides = array<i32>} : memref<200x128xf32, #tpu.memory_space<vmem>>, vector<1x16xf32>,
      %broadcast_in_dim3A_70 = arith.constant 0.000000e+00 : f32
      %broadcast_in_dim3A_71 = vector.broadcast %broadcast_in_dim3A_70 : f32 to vector<16xf32>
      %swap3A_72 = arith.index_cast %add3A_22 : i32 to index
      %swap3A_73 = arith.constant 112 : index
      %swap3A_74 = tpu.vector_load %arg6[%swap3A_72, %swap3A_73] {strides = array<i32>} : memref<200x128xf32, #tpu.memory_space<vmem>>, vector<1x16xf32>,
      %swap3A_75 = vector.shape_cast %swap3A_74 : vector<1x16xf32> to vector<16xf32>
      %swap3A_76 = vector.shape_cast %broadcast_in_dim3A_71 : vector<16xf32> to vector<1x16xf32>
      tpu.vector_store %arg6[%swap3A_72, %swap3A_73], %swap3A_76 {strides = array<i32>} : memref<200x128xf32, #tpu.memory_space<vmem>>, vector<1x16xf32>,
    }
    %scan3A_6 = arith.constant 40 : i32
    %scan3A_7 = arith.constant 0 : i32
    %scan3A_8 = arith.constant 16 : i32
    %scan3A_9 = arith.addi %scan3A_7, %scan3A_8 : i32
    %scan3A_10 = arith.constant 1 : i32
    scf.for %scan3A_18 = %scan3A_7 to %scan3A_9 step %scan3A_10  : i32 {
      %mul3A_19 = arith.constant 1 : i32
      %mul3A_20 = arith.muli %scan3A_18, %mul3A_19 : i32
      %add3A_21 = arith.constant 0 : i32
      %add3A_22 = arith.addi %add3A_21, %mul3A_20 : i32
      %mul3A_23 = arith.constant 40 : i32
      %mul3A_24 = arith.muli %add3A_22, %mul3A_23 : i32
      %add3A_25 = arith.addi %mul3A_2, %mul3A_24 : i32
      "tpu.region"() ({
        %run_scoped3A = tpu.sem_alloc : memref<!tpu.dma_semaphore, #tpu.memory_space<semaphore_mem>>
        %dma_start3A = arith.constant 0 : i32
        %dma_start3A_26 = arith.constant 0 : i32
        %dma_start3A_27 = tpu.memref_slice %arg6[%dma_start3A, %dma_start3A_26] : memref<200x128xf32, #tpu.memory_space<vmem>> -> memref<40x128xf32, #tpu.memory_space<vmem>>
        %dma_start3A_28 = arith.constant 0 : i32
        %dma_start3A_29 = tpu.memref_slice %arg7[%add3A_25, %dma_start3A_28] : memref<10240x128xf32, #tpu.memory_space<vmem_shared>> -> memref<40x128xf32, #tpu.memory_space<vmem_shared>>
        %dma_start3A_30 = arith.constant 0 : i32
        %dma_start3A_31 = tpu.memref_slice %arg7[%add3A_25, %dma_start3A_30] : memref<10240x128xf32, #tpu.memory_space<vmem_shared>> -> memref<40x128xf32, #tpu.memory_space<vmem_shared>>
        %dma_start3A_32 = arith.constant 0 : i32
        %dma_start3A_33 = arith.constant 0 : i32
        %dma_start3A_34 = tpu.memref_slice %arg6[%dma_start3A_32, %dma_start3A_33] : memref<200x128xf32, #tpu.memory_space<vmem>> -> memref<40x128xf32, #tpu.memory_space<vmem>>
        tpu.enqueue_dma source(%dma_start3A_34 : memref<40x128xf32, #tpu.memory_space<vmem>>) target(%dma_start3A_31 : memref<40x128xf32, #tpu.memory_space<vmem_shared>>) target_semaphore(%run_scoped3A : memref<!tpu.dma_semaphore, #tpu.memory_space<semaphore_mem>>)
        %dma_wait3A = arith.constant 0 : i32
        %dma_wait3A_35 = arith.constant 0 : i32
        %dma_wait3A_36 = tpu.memref_slice %arg6[%dma_wait3A, %dma_wait3A_35] : memref<200x128xf32, #tpu.memory_space<vmem>> -> memref<40x128xf32, #tpu.memory_space<vmem>>
        %dma_wait3A_37 = arith.constant 0 : i32
        %dma_wait3A_38 = tpu.memref_slice %arg7[%add3A_25, %dma_wait3A_37] : memref<10240x128xf32, #tpu.memory_space<vmem_shared>> -> memref<40x128xf32, #tpu.memory_space<vmem_shared>>
        %dma_wait3A_39 = arith.constant 0 : i32
        %dma_wait3A_40 = tpu.memref_slice %arg7[%add3A_25, %dma_wait3A_39] : memref<10240x128xf32, #tpu.memory_space<vmem_shared>> -> memref<40x128xf32, #tpu.memory_space<vmem_shared>>
        %dma_wait3A_41 = arith.constant 0 : i32
        %dma_wait3A_42 = arith.constant 0 : i32
        %dma_wait3A_43 = tpu.memref_slice %arg6[%dma_wait3A_41, %dma_wait3A_42] : memref<200x128xf32, #tpu.memory_space<vmem>> -> memref<40x128xf32, #tpu.memory_space<vmem>>
        tpu.wait_dma2 semaphore(%run_scoped3A : memref<!tpu.dma_semaphore, #tpu.memory_space<semaphore_mem>>) src(%dma_wait3A_43 : memref<40x128xf32, #tpu.memory_space<vmem>>) dst(%dma_wait3A_40 : memref<40x128xf32, #tpu.memory_space<vmem_shared>>)
        tpu.yield
      }) : () -> ()
    }
    %scan3A_11 = arith.constant 16 : i32
    %barrier3A = arith.constant 0 : index
    tpu.barrier barrier_id(%barrier3A)
    %scan3A_12 = arith.constant 0 : i32
    %scan3A_13 = arith.constant 50 : i32
    %scan3A_14 = arith.addi %scan3A_12, %scan3A_13 : i32
    %scan3A_15 = arith.constant 1 : i32
    scf.for %scan3A_18 = %scan3A_12 to %scan3A_14 step %scan3A_15  : i32 {
      %mul3A_19 = arith.constant 1 : i32
      %mul3A_20 = arith.muli %scan3A_18, %mul3A_19 : i32
      %add3A_21 = arith.constant 0 : i32
      %add3A_22 = arith.addi %add3A_21, %mul3A_20 : i32
      %mul3A_23 = arith.constant 10000 : i32
      %mul3A_24 = arith.muli %add3A, %mul3A_23 : i32
      %mul3A_25 = arith.constant 200 : i32
      %mul3A_26 = arith.muli %add3A_22, %mul3A_25 : i32
      %add3A_27 = arith.addi %mul3A_24, %mul3A_26 : i32
      %add3A_28 = arith.constant 0 : i32
      %add3A_29 = arith.addi %add3A_27, %add3A_28 : i32
      %run_scoped3A = arith.constant 0 : i32
      "tpu.region"() ({
        %run_scoped3A_47 = tpu.sem_alloc : memref<!tpu.dma_semaphore, #tpu.memory_space<semaphore_mem>>
        %dma_start3A = arith.constant 0 : i32
        %dma_start3A_48 = tpu.memref_slice %arg5[%run_scoped3A, %dma_start3A] : memref<5x40xi32, #tpu.memory_space<vmem>> -> memref<1x40xi32, #tpu.memory_space<vmem>>
        %dma_start3A_49 = tpu.memref_squeeze %dma_start3A_48 : memref<1x40xi32, #tpu.memory_space<vmem>> -> memref<40xi32, #tpu.memory_space<vmem>>
        %dma_start3A_50 = tpu.memref_slice %arg3[%add3A_29] : memref<320000xi32, #tpu.memory_space<hbm>> -> memref<40xi32, #tpu.memory_space<hbm>>
        %dma_start3A_51 = arith.constant 0 : i32
        %dma_start3A_52 = tpu.memref_slice %arg5[%run_scoped3A, %dma_start3A_51] : memref<5x40xi32, #tpu.memory_space<vmem>> -> memref<1x40xi32, #tpu.memory_space<vmem>>
        %dma_start3A_53 = tpu.memref_squeeze %dma_start3A_52 : memref<1x40xi32, #tpu.memory_space<vmem>> -> memref<40xi32, #tpu.memory_space<vmem>>
        %dma_start3A_54 = tpu.memref_slice %arg3[%add3A_29] : memref<320000xi32, #tpu.memory_space<hbm>> -> memref<40xi32, #tpu.memory_space<hbm>>
        tpu.enqueue_dma source(%dma_start3A_54 : memref<40xi32, #tpu.memory_space<hbm>>) target(%dma_start3A_53 : memref<40xi32, #tpu.memory_space<vmem>>) target_semaphore(%run_scoped3A_47 : memref<!tpu.dma_semaphore, #tpu.memory_space<semaphore_mem>>)
        %dma_wait3A = arith.constant 0 : i32
        %dma_wait3A_55 = tpu.memref_slice %arg5[%run_scoped3A, %dma_wait3A] : memref<5x40xi32, #tpu.memory_space<vmem>> -> memref<1x40xi32, #tpu.memory_space<vmem>>
        %dma_wait3A_56 = tpu.memref_squeeze %dma_wait3A_55 : memref<1x40xi32, #tpu.memory_space<vmem>> -> memref<40xi32, #tpu.memory_space<vmem>>
        %dma_wait3A_57 = tpu.memref_slice %arg3[%add3A_29] : memref<320000xi32, #tpu.memory_space<hbm>> -> memref<40xi32, #tpu.memory_space<hbm>>
        %dma_wait3A_58 = arith.constant 0 : i32
        %dma_wait3A_59 = tpu.memref_slice %arg5[%run_scoped3A, %dma_wait3A_58] : memref<5x40xi32, #tpu.memory_space<vmem>> -> memref<1x40xi32, #tpu.memory_space<vmem>>
        %dma_wait3A_60 = tpu.memref_squeeze %dma_wait3A_59 : memref<1x40xi32, #tpu.memory_space<vmem>> -> memref<40xi32, #tpu.memory_space<vmem>>
        %dma_wait3A_61 = tpu.memref_slice %arg3[%add3A_29] : memref<320000xi32, #tpu.memory_space<hbm>> -> memref<40xi32, #tpu.memory_space<hbm>>
        tpu.wait_dma2 semaphore(%run_scoped3A_47 : memref<!tpu.dma_semaphore, #tpu.memory_space<semaphore_mem>>) src(%dma_wait3A_61 : memref<40xi32, #tpu.memory_space<hbm>>) dst(%dma_wait3A_60 : memref<40xi32, #tpu.memory_space<vmem>>)
        tpu.yield
      }) : () -> ()
      %add3A_30 = arith.constant 40 : i32
      %add3A_31 = arith.addi %add3A_27, %add3A_30 : i32
      %run_scoped3A_32 = arith.constant 1 : i32
      "tpu.region"() ({
        %run_scoped3A_47 = tpu.sem_alloc : memref<!tpu.dma_semaphore, #tpu.memory_space<semaphore_mem>>
        %dma_start3A = arith.constant 0 : i32
        %dma_start3A_48 = tpu.memref_slice %arg5[%run_scoped3A_32, %dma_start3A] : memref<5x40xi32, #tpu.memory_space<vmem>> -> memref<1x40xi32, #tpu.memory_space<vmem>>
        %dma_start3A_49 = tpu.memref_squeeze %dma_start3A_48 : memref<1x40xi32, #tpu.memory_space<vmem>> -> memref<40xi32, #tpu.memory_space<vmem>>
        %dma_start3A_50 = tpu.memref_slice %arg3[%add3A_31] : memref<320000xi32, #tpu.memory_space<hbm>> -> memref<40xi32, #tpu.memory_space<hbm>>
        %dma_start3A_51 = arith.constant 0 : i32
        %dma_start3A_52 = tpu.memref_slice %arg5[%run_scoped3A_32, %dma_start3A_51] : memref<5x40xi32, #tpu.memory_space<vmem>> -> memref<1x40xi32, #tpu.memory_space<vmem>>
        %dma_start3A_53 = tpu.memref_squeeze %dma_start3A_52 : memref<1x40xi32, #tpu.memory_space<vmem>> -> memref<40xi32, #tpu.memory_space<vmem>>
        %dma_start3A_54 = tpu.memref_slice %arg3[%add3A_31] : memref<320000xi32, #tpu.memory_space<hbm>> -> memref<40xi32, #tpu.memory_space<hbm>>
        tpu.enqueue_dma source(%dma_start3A_54 : memref<40xi32, #tpu.memory_space<hbm>>) target(%dma_start3A_53 : memref<40xi32, #tpu.memory_space<vmem>>) target_semaphore(%run_scoped3A_47 : memref<!tpu.dma_semaphore, #tpu.memory_space<semaphore_mem>>)
        %dma_wait3A = arith.constant 0 : i32
        %dma_wait3A_55 = tpu.memref_slice %arg5[%run_scoped3A_32, %dma_wait3A] : memref<5x40xi32, #tpu.memory_space<vmem>> -> memref<1x40xi32, #tpu.memory_space<vmem>>
        %dma_wait3A_56 = tpu.memref_squeeze %dma_wait3A_55 : memref<1x40xi32, #tpu.memory_space<vmem>> -> memref<40xi32, #tpu.memory_space<vmem>>
        %dma_wait3A_57 = tpu.memref_slice %arg3[%add3A_31] : memref<320000xi32, #tpu.memory_space<hbm>> -> memref<40xi32, #tpu.memory_space<hbm>>
        %dma_wait3A_58 = arith.constant 0 : i32
        %dma_wait3A_59 = tpu.memref_slice %arg5[%run_scoped3A_32, %dma_wait3A_58] : memref<5x40xi32, #tpu.memory_space<vmem>> -> memref<1x40xi32, #tpu.memory_space<vmem>>
        %dma_wait3A_60 = tpu.memref_squeeze %dma_wait3A_59 : memref<1x40xi32, #tpu.memory_space<vmem>> -> memref<40xi32, #tpu.memory_space<vmem>>
        %dma_wait3A_61 = tpu.memref_slice %arg3[%add3A_31] : memref<320000xi32, #tpu.memory_space<hbm>> -> memref<40xi32, #tpu.memory_space<hbm>>
        tpu.wait_dma2 semaphore(%run_scoped3A_47 : memref<!tpu.dma_semaphore, #tpu.memory_space<semaphore_mem>>) src(%dma_wait3A_61 : memref<40xi32, #tpu.memory_space<hbm>>) dst(%dma_wait3A_60 : memref<40xi32, #tpu.memory_space<vmem>>)
        tpu.yield
      }) : () -> ()
      %add3A_33 = arith.constant 80 : i32
      %add3A_34 = arith.addi %add3A_27, %add3A_33 : i32
      %run_scoped3A_35 = arith.constant 2 : i32
      "tpu.region"() ({
        %run_scoped3A_47 = tpu.sem_alloc : memref<!tpu.dma_semaphore, #tpu.memory_space<semaphore_mem>>
        %dma_start3A = arith.constant 0 : i32
        %dma_start3A_48 = tpu.memref_slice %arg5[%run_scoped3A_35, %dma_start3A] : memref<5x40xi32, #tpu.memory_space<vmem>> -> memref<1x40xi32, #tpu.memory_space<vmem>>
        %dma_start3A_49 = tpu.memref_squeeze %dma_start3A_48 : memref<1x40xi32, #tpu.memory_space<vmem>> -> memref<40xi32, #tpu.memory_space<vmem>>
        %dma_start3A_50 = tpu.memref_slice %arg3[%add3A_34] : memref<320000xi32, #tpu.memory_space<hbm>> -> memref<40xi32, #tpu.memory_space<hbm>>
        %dma_start3A_51 = arith.constant 0 : i32
        %dma_start3A_52 = tpu.memref_slice %arg5[%run_scoped3A_35, %dma_start3A_51] : memref<5x40xi32, #tpu.memory_space<vmem>> -> memref<1x40xi32, #tpu.memory_space<vmem>>
        %dma_start3A_53 = tpu.memref_squeeze %dma_start3A_52 : memref<1x40xi32, #tpu.memory_space<vmem>> -> memref<40xi32, #tpu.memory_space<vmem>>
        %dma_start3A_54 = tpu.memref_slice %arg3[%add3A_34] : memref<320000xi32, #tpu.memory_space<hbm>> -> memref<40xi32, #tpu.memory_space<hbm>>
        tpu.enqueue_dma source(%dma_start3A_54 : memref<40xi32, #tpu.memory_space<hbm>>) target(%dma_start3A_53 : memref<40xi32, #tpu.memory_space<vmem>>) target_semaphore(%run_scoped3A_47 : memref<!tpu.dma_semaphore, #tpu.memory_space<semaphore_mem>>)
        %dma_wait3A = arith.constant 0 : i32
        %dma_wait3A_55 = tpu.memref_slice %arg5[%run_scoped3A_35, %dma_wait3A] : memref<5x40xi32, #tpu.memory_space<vmem>> -> memref<1x40xi32, #tpu.memory_space<vmem>>
        %dma_wait3A_56 = tpu.memref_squeeze %dma_wait3A_55 : memref<1x40xi32, #tpu.memory_space<vmem>> -> memref<40xi32, #tpu.memory_space<vmem>>
        %dma_wait3A_57 = tpu.memref_slice %arg3[%add3A_34] : memref<320000xi32, #tpu.memory_space<hbm>> -> memref<40xi32, #tpu.memory_space<hbm>>
        %dma_wait3A_58 = arith.constant 0 : i32
        %dma_wait3A_59 = tpu.memref_slice %arg5[%run_scoped3A_35, %dma_wait3A_58] : memref<5x40xi32, #tpu.memory_space<vmem>> -> memref<1x40xi32, #tpu.memory_space<vmem>>
        %dma_wait3A_60 = tpu.memref_squeeze %dma_wait3A_59 : memref<1x40xi32, #tpu.memory_space<vmem>> -> memref<40xi32, #tpu.memory_space<vmem>>
        %dma_wait3A_61 = tpu.memref_slice %arg3[%add3A_34] : memref<320000xi32, #tpu.memory_space<hbm>> -> memref<40xi32, #tpu.memory_space<hbm>>
        tpu.wait_dma2 semaphore(%run_scoped3A_47 : memref<!tpu.dma_semaphore, #tpu.memory_space<semaphore_mem>>) src(%dma_wait3A_61 : memref<40xi32, #tpu.memory_space<hbm>>) dst(%dma_wait3A_60 : memref<40xi32, #tpu.memory_space<vmem>>)
        tpu.yield
      }) : () -> ()
      %add3A_36 = arith.constant 120 : i32
      %add3A_37 = arith.addi %add3A_27, %add3A_36 : i32
      %run_scoped3A_38 = arith.constant 3 : i32
      "tpu.region"() ({
        %run_scoped3A_47 = tpu.sem_alloc : memref<!tpu.dma_semaphore, #tpu.memory_space<semaphore_mem>>
        %dma_start3A = arith.constant 0 : i32
        %dma_start3A_48 = tpu.memref_slice %arg5[%run_scoped3A_38, %dma_start3A] : memref<5x40xi32, #tpu.memory_space<vmem>> -> memref<1x40xi32, #tpu.memory_space<vmem>>
        %dma_start3A_49 = tpu.memref_squeeze %dma_start3A_48 : memref<1x40xi32, #tpu.memory_space<vmem>> -> memref<40xi32, #tpu.memory_space<vmem>>
        %dma_start3A_50 = tpu.memref_slice %arg3[%add3A_37] : memref<320000xi32, #tpu.memory_space<hbm>> -> memref<40xi32, #tpu.memory_space<hbm>>
        %dma_start3A_51 = arith.constant 0 : i32
        %dma_start3A_52 = tpu.memref_slice %arg5[%run_scoped3A_38, %dma_start3A_51] : memref<5x40xi32, #tpu.memory_space<vmem>> -> memref<1x40xi32, #tpu.memory_space<vmem>>
        %dma_start3A_53 = tpu.memref_squeeze %dma_start3A_52 : memref<1x40xi32, #tpu.memory_space<vmem>> -> memref<40xi32, #tpu.memory_space<vmem>>
        %dma_start3A_54 = tpu.memref_slice %arg3[%add3A_37] : memref<320000xi32, #tpu.memory_space<hbm>> -> memref<40xi32, #tpu.memory_space<hbm>>
        tpu.enqueue_dma source(%dma_start3A_54 : memref<40xi32, #tpu.memory_space<hbm>>) target(%dma_start3A_53 : memref<40xi32, #tpu.memory_space<vmem>>) target_semaphore(%run_scoped3A_47 : memref<!tpu.dma_semaphore, #tpu.memory_space<semaphore_mem>>)
        %dma_wait3A = arith.constant 0 : i32
        %dma_wait3A_55 = tpu.memref_slice %arg5[%run_scoped3A_38, %dma_wait3A] : memref<5x40xi32, #tpu.memory_space<vmem>> -> memref<1x40xi32, #tpu.memory_space<vmem>>
        %dma_wait3A_56 = tpu.memref_squeeze %dma_wait3A_55 : memref<1x40xi32, #tpu.memory_space<vmem>> -> memref<40xi32, #tpu.memory_space<vmem>>
        %dma_wait3A_57 = tpu.memref_slice %arg3[%add3A_37] : memref<320000xi32, #tpu.memory_space<hbm>> -> memref<40xi32, #tpu.memory_space<hbm>>
        %dma_wait3A_58 = arith.constant 0 : i32
        %dma_wait3A_59 = tpu.memref_slice %arg5[%run_scoped3A_38, %dma_wait3A_58] : memref<5x40xi32, #tpu.memory_space<vmem>> -> memref<1x40xi32, #tpu.memory_space<vmem>>
        %dma_wait3A_60 = tpu.memref_squeeze %dma_wait3A_59 : memref<1x40xi32, #tpu.memory_space<vmem>> -> memref<40xi32, #tpu.memory_space<vmem>>
        %dma_wait3A_61 = tpu.memref_slice %arg3[%add3A_37] : memref<320000xi32, #tpu.memory_space<hbm>> -> memref<40xi32, #tpu.memory_space<hbm>>
        tpu.wait_dma2 semaphore(%run_scoped3A_47 : memref<!tpu.dma_semaphore, #tpu.memory_space<semaphore_mem>>) src(%dma_wait3A_61 : memref<40xi32, #tpu.memory_space<hbm>>) dst(%dma_wait3A_60 : memref<40xi32, #tpu.memory_space<vmem>>)
        tpu.yield
      }) : () -> ()
      %add3A_39 = arith.constant 160 : i32
      %add3A_40 = arith.addi %add3A_27, %add3A_39 : i32
      %run_scoped3A_41 = arith.constant 4 : i32
      "tpu.region"() ({
        %run_scoped3A_47 = tpu.sem_alloc : memref<!tpu.dma_semaphore, #tpu.memory_space<semaphore_mem>>
        %dma_start3A = arith.constant 0 : i32
        %dma_start3A_48 = tpu.memref_slice %arg5[%run_scoped3A_41, %dma_start3A] : memref<5x40xi32, #tpu.memory_space<vmem>> -> memref<1x40xi32, #tpu.memory_space<vmem>>
        %dma_start3A_49 = tpu.memref_squeeze %dma_start3A_48 : memref<1x40xi32, #tpu.memory_space<vmem>> -> memref<40xi32, #tpu.memory_space<vmem>>
        %dma_start3A_50 = tpu.memref_slice %arg3[%add3A_40] : memref<320000xi32, #tpu.memory_space<hbm>> -> memref<40xi32, #tpu.memory_space<hbm>>
        %dma_start3A_51 = arith.constant 0 : i32
        %dma_start3A_52 = tpu.memref_slice %arg5[%run_scoped3A_41, %dma_start3A_51] : memref<5x40xi32, #tpu.memory_space<vmem>> -> memref<1x40xi32, #tpu.memory_space<vmem>>
        %dma_start3A_53 = tpu.memref_squeeze %dma_start3A_52 : memref<1x40xi32, #tpu.memory_space<vmem>> -> memref<40xi32, #tpu.memory_space<vmem>>
        %dma_start3A_54 = tpu.memref_slice %arg3[%add3A_40] : memref<320000xi32, #tpu.memory_space<hbm>> -> memref<40xi32, #tpu.memory_space<hbm>>
        tpu.enqueue_dma source(%dma_start3A_54 : memref<40xi32, #tpu.memory_space<hbm>>) target(%dma_start3A_53 : memref<40xi32, #tpu.memory_space<vmem>>) target_semaphore(%run_scoped3A_47 : memref<!tpu.dma_semaphore, #tpu.memory_space<semaphore_mem>>)
        %dma_wait3A = arith.constant 0 : i32
        %dma_wait3A_55 = tpu.memref_slice %arg5[%run_scoped3A_41, %dma_wait3A] : memref<5x40xi32, #tpu.memory_space<vmem>> -> memref<1x40xi32, #tpu.memory_space<vmem>>
        %dma_wait3A_56 = tpu.memref_squeeze %dma_wait3A_55 : memref<1x40xi32, #tpu.memory_space<vmem>> -> memref<40xi32, #tpu.memory_space<vmem>>
        %dma_wait3A_57 = tpu.memref_slice %arg3[%add3A_40] : memref<320000xi32, #tpu.memory_space<hbm>> -> memref<40xi32, #tpu.memory_space<hbm>>
        %dma_wait3A_58 = arith.constant 0 : i32
        %dma_wait3A_59 = tpu.memref_slice %arg5[%run_scoped3A_41, %dma_wait3A_58] : memref<5x40xi32, #tpu.memory_space<vmem>> -> memref<1x40xi32, #tpu.memory_space<vmem>>
        %dma_wait3A_60 = tpu.memref_squeeze %dma_wait3A_59 : memref<1x40xi32, #tpu.memory_space<vmem>> -> memref<40xi32, #tpu.memory_space<vmem>>
        %dma_wait3A_61 = tpu.memref_slice %arg3[%add3A_40] : memref<320000xi32, #tpu.memory_space<hbm>> -> memref<40xi32, #tpu.memory_space<hbm>>
        tpu.wait_dma2 semaphore(%run_scoped3A_47 : memref<!tpu.dma_semaphore, #tpu.memory_space<semaphore_mem>>) src(%dma_wait3A_61 : memref<40xi32, #tpu.memory_space<hbm>>) dst(%dma_wait3A_60 : memref<40xi32, #tpu.memory_space<vmem>>)
        tpu.yield
      }) : () -> ()
      "tpu.region"() ({
        %run_scoped3A_47 = tpu.sem_alloc : memref<!tpu.dma_semaphore, #tpu.memory_space<semaphore_mem>>
        %dma_start3A = arith.constant 0 : i32
        %dma_start3A_48 = tpu.memref_slice %arg2[%add3A_27, %dma_start3A] : memref<320000x128xf32, #tpu.memory_space<hbm>> -> memref<200x128xf32, #tpu.memory_space<hbm>>
        %dma_start3A_49 = arith.constant 0 : i32
        %dma_start3A_50 = tpu.memref_slice %arg2[%add3A_27, %dma_start3A_49] : memref<320000x128xf32, #tpu.memory_space<hbm>> -> memref<200x128xf32, #tpu.memory_space<hbm>>
        tpu.enqueue_dma source(%dma_start3A_50 : memref<200x128xf32, #tpu.memory_space<hbm>>) target(%arg6 : memref<200x128xf32, #tpu.memory_space<vmem>>) target_semaphore(%run_scoped3A_47 : memref<!tpu.dma_semaphore, #tpu.memory_space<semaphore_mem>>)
        %dma_wait3A = arith.constant 0 : i32
        %dma_wait3A_51 = tpu.memref_slice %arg2[%add3A_27, %dma_wait3A] : memref<320000x128xf32, #tpu.memory_space<hbm>> -> memref<200x128xf32, #tpu.memory_space<hbm>>
        %dma_wait3A_52 = arith.constant 0 : i32
        %dma_wait3A_53 = tpu.memref_slice %arg2[%add3A_27, %dma_wait3A_52] : memref<320000x128xf32, #tpu.memory_space<hbm>> -> memref<200x128xf32, #tpu.memory_space<hbm>>
        tpu.wait_dma2 semaphore(%run_scoped3A_47 : memref<!tpu.dma_semaphore, #tpu.memory_space<semaphore_mem>>) src(%dma_wait3A_53 : memref<200x128xf32, #tpu.memory_space<hbm>>) dst(%arg6 : memref<200x128xf32, #tpu.memory_space<vmem>>)
        tpu.yield
      }) : () -> ()
      %run_scoped3A_42 = arith.constant 0 : i32
      "tpu.region"() ({
        %run_scoped3A_47 = tpu.sem_alloc : memref<!tpu.dma_semaphore, #tpu.memory_space<semaphore_mem>>
        %dma_start3A = arith.constant 0 : i32
        %dma_start3A_48 = arith.constant 0 : i32
        %dma_start3A_49 = tpu.memref_slice %arg6[%dma_start3A, %dma_start3A_48] : memref<200x128xf32, #tpu.memory_space<vmem>> -> memref<40x128xf32, #tpu.memory_space<vmem>>
        %dma_start3A_50 = arith.constant 0 : i32
        %dma_start3A_51 = tpu.memref_slice %arg5[%run_scoped3A_42, %dma_start3A_50] : memref<5x40xi32, #tpu.memory_space<vmem>> -> memref<1x40xi32, #tpu.memory_space<vmem>>
        %dma_start3A_52 = tpu.memref_squeeze %dma_start3A_51 : memref<1x40xi32, #tpu.memory_space<vmem>> -> memref<40xi32, #tpu.memory_space<vmem>>
        %dma_start3A_53 = arith.constant 0 : i32
        %dma_start3A_54 = arith.constant 0 : i32
        %dma_start3A_55 = tpu.memref_slice %arg7[%dma_start3A_53, %dma_start3A_54] : memref<10240x128xf32, #tpu.memory_space<vmem_shared>> -> memref<10240x128xf32, #tpu.memory_space<vmem_shared>>
        tpu.enqueue_indirect_dma source(%dma_start3A_49 : memref<40x128xf32, #tpu.memory_space<vmem>>) target(%dma_start3A_55 : memref<10240x128xf32, #tpu.memory_space<vmem_shared>>) offsets(%dma_start3A_52 : memref<40xi32, #tpu.memory_space<vmem>>) semaphore(%run_scoped3A_47 : memref<!tpu.dma_semaphore, #tpu.memory_space<semaphore_mem>>) {add = true}
        %dma_wait3A = arith.constant 0 : i32
        %dma_wait3A_56 = arith.constant 0 : i32
        %dma_wait3A_57 = tpu.memref_slice %arg6[%dma_wait3A, %dma_wait3A_56] : memref<200x128xf32, #tpu.memory_space<vmem>> -> memref<40x128xf32, #tpu.memory_space<vmem>>
        %dma_wait3A_58 = arith.constant 0 : i32
        %dma_wait3A_59 = tpu.memref_slice %arg5[%run_scoped3A_42, %dma_wait3A_58] : memref<5x40xi32, #tpu.memory_space<vmem>> -> memref<1x40xi32, #tpu.memory_space<vmem>>
        %dma_wait3A_60 = tpu.memref_squeeze %dma_wait3A_59 : memref<1x40xi32, #tpu.memory_space<vmem>> -> memref<40xi32, #tpu.memory_space<vmem>>
        %dma_wait3A_61 = arith.constant 0 : i32
        %dma_wait3A_62 = arith.constant 0 : i32
        %dma_wait3A_63 = tpu.memref_slice %arg7[%dma_wait3A_61, %dma_wait3A_62] : memref<10240x128xf32, #tpu.memory_space<vmem_shared>> -> memref<10240x128xf32, #tpu.memory_space<vmem_shared>>
        tpu.wait_indirect_dma semaphore(%run_scoped3A_47 : memref<!tpu.dma_semaphore, #tpu.memory_space<semaphore_mem>>) src(%dma_wait3A_57 : memref<40x128xf32, #tpu.memory_space<vmem>>) dst(%dma_wait3A_63 : memref<10240x128xf32, #tpu.memory_space<vmem_shared>>)
        tpu.yield
      }) : () -> ()
      %run_scoped3A_43 = arith.constant 1 : i32
      "tpu.region"() ({
        %run_scoped3A_47 = tpu.sem_alloc : memref<!tpu.dma_semaphore, #tpu.memory_space<semaphore_mem>>
        %dma_start3A = arith.constant 40 : i32
        %dma_start3A_48 = arith.constant 0 : i32
        %dma_start3A_49 = tpu.memref_slice %arg6[%dma_start3A, %dma_start3A_48] : memref<200x128xf32, #tpu.memory_space<vmem>> -> memref<40x128xf32, #tpu.memory_space<vmem>>
        %dma_start3A_50 = arith.constant 0 : i32
        %dma_start3A_51 = tpu.memref_slice %arg5[%run_scoped3A_43, %dma_start3A_50] : memref<5x40xi32, #tpu.memory_space<vmem>> -> memref<1x40xi32, #tpu.memory_space<vmem>>
        %dma_start3A_52 = tpu.memref_squeeze %dma_start3A_51 : memref<1x40xi32, #tpu.memory_space<vmem>> -> memref<40xi32, #tpu.memory_space<vmem>>
        %dma_start3A_53 = arith.constant 0 : i32
        %dma_start3A_54 = arith.constant 0 : i32
        %dma_start3A_55 = tpu.memref_slice %arg7[%dma_start3A_53, %dma_start3A_54] : memref<10240x128xf32, #tpu.memory_space<vmem_shared>> -> memref<10240x128xf32, #tpu.memory_space<vmem_shared>>
        tpu.enqueue_indirect_dma source(%dma_start3A_49 : memref<40x128xf32, #tpu.memory_space<vmem>>) target(%dma_start3A_55 : memref<10240x128xf32, #tpu.memory_space<vmem_shared>>) offsets(%dma_start3A_52 : memref<40xi32, #tpu.memory_space<vmem>>) semaphore(%run_scoped3A_47 : memref<!tpu.dma_semaphore, #tpu.memory_space<semaphore_mem>>) {add = true}
        %dma_wait3A = arith.constant 40 : i32
        %dma_wait3A_56 = arith.constant 0 : i32
        %dma_wait3A_57 = tpu.memref_slice %arg6[%dma_wait3A, %dma_wait3A_56] : memref<200x128xf32, #tpu.memory_space<vmem>> -> memref<40x128xf32, #tpu.memory_space<vmem>>
        %dma_wait3A_58 = arith.constant 0 : i32
        %dma_wait3A_59 = tpu.memref_slice %arg5[%run_scoped3A_43, %dma_wait3A_58] : memref<5x40xi32, #tpu.memory_space<vmem>> -> memref<1x40xi32, #tpu.memory_space<vmem>>
        %dma_wait3A_60 = tpu.memref_squeeze %dma_wait3A_59 : memref<1x40xi32, #tpu.memory_space<vmem>> -> memref<40xi32, #tpu.memory_space<vmem>>
        %dma_wait3A_61 = arith.constant 0 : i32
        %dma_wait3A_62 = arith.constant 0 : i32
        %dma_wait3A_63 = tpu.memref_slice %arg7[%dma_wait3A_61, %dma_wait3A_62] : memref<10240x128xf32, #tpu.memory_space<vmem_shared>> -> memref<10240x128xf32, #tpu.memory_space<vmem_shared>>
        tpu.wait_indirect_dma semaphore(%run_scoped3A_47 : memref<!tpu.dma_semaphore, #tpu.memory_space<semaphore_mem>>) src(%dma_wait3A_57 : memref<40x128xf32, #tpu.memory_space<vmem>>) dst(%dma_wait3A_63 : memref<10240x128xf32, #tpu.memory_space<vmem_shared>>)
        tpu.yield
      }) : () -> ()
      %run_scoped3A_44 = arith.constant 2 : i32
      "tpu.region"() ({
        %run_scoped3A_47 = tpu.sem_alloc : memref<!tpu.dma_semaphore, #tpu.memory_space<semaphore_mem>>
        %dma_start3A = arith.constant 80 : i32
        %dma_start3A_48 = arith.constant 0 : i32
        %dma_start3A_49 = tpu.memref_slice %arg6[%dma_start3A, %dma_start3A_48] : memref<200x128xf32, #tpu.memory_space<vmem>> -> memref<40x128xf32, #tpu.memory_space<vmem>>
        %dma_start3A_50 = arith.constant 0 : i32
        %dma_start3A_51 = tpu.memref_slice %arg5[%run_scoped3A_44, %dma_start3A_50] : memref<5x40xi32, #tpu.memory_space<vmem>> -> memref<1x40xi32, #tpu.memory_space<vmem>>
        %dma_start3A_52 = tpu.memref_squeeze %dma_start3A_51 : memref<1x40xi32, #tpu.memory_space<vmem>> -> memref<40xi32, #tpu.memory_space<vmem>>
        %dma_start3A_53 = arith.constant 0 : i32
        %dma_start3A_54 = arith.constant 0 : i32
        %dma_start3A_55 = tpu.memref_slice %arg7[%dma_start3A_53, %dma_start3A_54] : memref<10240x128xf32, #tpu.memory_space<vmem_shared>> -> memref<10240x128xf32, #tpu.memory_space<vmem_shared>>
        tpu.enqueue_indirect_dma source(%dma_start3A_49 : memref<40x128xf32, #tpu.memory_space<vmem>>) target(%dma_start3A_55 : memref<10240x128xf32, #tpu.memory_space<vmem_shared>>) offsets(%dma_start3A_52 : memref<40xi32, #tpu.memory_space<vmem>>) semaphore(%run_scoped3A_47 : memref<!tpu.dma_semaphore, #tpu.memory_space<semaphore_mem>>) {add = true}
        %dma_wait3A = arith.constant 80 : i32
        %dma_wait3A_56 = arith.constant 0 : i32
        %dma_wait3A_57 = tpu.memref_slice %arg6[%dma_wait3A, %dma_wait3A_56] : memref<200x128xf32, #tpu.memory_space<vmem>> -> memref<40x128xf32, #tpu.memory_space<vmem>>
        %dma_wait3A_58 = arith.constant 0 : i32
        %dma_wait3A_59 = tpu.memref_slice %arg5[%run_scoped3A_44, %dma_wait3A_58] : memref<5x40xi32, #tpu.memory_space<vmem>> -> memref<1x40xi32, #tpu.memory_space<vmem>>
        %dma_wait3A_60 = tpu.memref_squeeze %dma_wait3A_59 : memref<1x40xi32, #tpu.memory_space<vmem>> -> memref<40xi32, #tpu.memory_space<vmem>>
        %dma_wait3A_61 = arith.constant 0 : i32
        %dma_wait3A_62 = arith.constant 0 : i32
        %dma_wait3A_63 = tpu.memref_slice %arg7[%dma_wait3A_61, %dma_wait3A_62] : memref<10240x128xf32, #tpu.memory_space<vmem_shared>> -> memref<10240x128xf32, #tpu.memory_space<vmem_shared>>
        tpu.wait_indirect_dma semaphore(%run_scoped3A_47 : memref<!tpu.dma_semaphore, #tpu.memory_space<semaphore_mem>>) src(%dma_wait3A_57 : memref<40x128xf32, #tpu.memory_space<vmem>>) dst(%dma_wait3A_63 : memref<10240x128xf32, #tpu.memory_space<vmem_shared>>)
        tpu.yield
      }) : () -> ()
      %run_scoped3A_45 = arith.constant 3 : i32
      "tpu.region"() ({
        %run_scoped3A_47 = tpu.sem_alloc : memref<!tpu.dma_semaphore, #tpu.memory_space<semaphore_mem>>
        %dma_start3A = arith.constant 120 : i32
        %dma_start3A_48 = arith.constant 0 : i32
        %dma_start3A_49 = tpu.memref_slice %arg6[%dma_start3A, %dma_start3A_48] : memref<200x128xf32, #tpu.memory_space<vmem>> -> memref<40x128xf32, #tpu.memory_space<vmem>>
        %dma_start3A_50 = arith.constant 0 : i32
        %dma_start3A_51 = tpu.memref_slice %arg5[%run_scoped3A_45, %dma_start3A_50] : memref<5x40xi32, #tpu.memory_space<vmem>> -> memref<1x40xi32, #tpu.memory_space<vmem>>
        %dma_start3A_52 = tpu.memref_squeeze %dma_start3A_51 : memref<1x40xi32, #tpu.memory_space<vmem>> -> memref<40xi32, #tpu.memory_space<vmem>>
        %dma_start3A_53 = arith.constant 0 : i32
        %dma_start3A_54 = arith.constant 0 : i32
        %dma_start3A_55 = tpu.memref_slice %arg7[%dma_start3A_53, %dma_start3A_54] : memref<10240x128xf32, #tpu.memory_space<vmem_shared>> -> memref<10240x128xf32, #tpu.memory_space<vmem_shared>>
        tpu.enqueue_indirect_dma source(%dma_start3A_49 : memref<40x128xf32, #tpu.memory_space<vmem>>) target(%dma_start3A_55 : memref<10240x128xf32, #tpu.memory_space<vmem_shared>>) offsets(%dma_start3A_52 : memref<40xi32, #tpu.memory_space<vmem>>) semaphore(%run_scoped3A_47 : memref<!tpu.dma_semaphore, #tpu.memory_space<semaphore_mem>>) {add = true}
        %dma_wait3A = arith.constant 120 : i32
        %dma_wait3A_56 = arith.constant 0 : i32
        %dma_wait3A_57 = tpu.memref_slice %arg6[%dma_wait3A, %dma_wait3A_56] : memref<200x128xf32, #tpu.memory_space<vmem>> -> memref<40x128xf32, #tpu.memory_space<vmem>>
        %dma_wait3A_58 = arith.constant 0 : i32
        %dma_wait3A_59 = tpu.memref_slice %arg5[%run_scoped3A_45, %dma_wait3A_58] : memref<5x40xi32, #tpu.memory_space<vmem>> -> memref<1x40xi32, #tpu.memory_space<vmem>>
        %dma_wait3A_60 = tpu.memref_squeeze %dma_wait3A_59 : memref<1x40xi32, #tpu.memory_space<vmem>> -> memref<40xi32, #tpu.memory_space<vmem>>
        %dma_wait3A_61 = arith.constant 0 : i32
        %dma_wait3A_62 = arith.constant 0 : i32
        %dma_wait3A_63 = tpu.memref_slice %arg7[%dma_wait3A_61, %dma_wait3A_62] : memref<10240x128xf32, #tpu.memory_space<vmem_shared>> -> memref<10240x128xf32, #tpu.memory_space<vmem_shared>>
        tpu.wait_indirect_dma semaphore(%run_scoped3A_47 : memref<!tpu.dma_semaphore, #tpu.memory_space<semaphore_mem>>) src(%dma_wait3A_57 : memref<40x128xf32, #tpu.memory_space<vmem>>) dst(%dma_wait3A_63 : memref<10240x128xf32, #tpu.memory_space<vmem_shared>>)
        tpu.yield
      }) : () -> ()
      %run_scoped3A_46 = arith.constant 4 : i32
      "tpu.region"() ({
        %run_scoped3A_47 = tpu.sem_alloc : memref<!tpu.dma_semaphore, #tpu.memory_space<semaphore_mem>>
        %dma_start3A = arith.constant 160 : i32
        %dma_start3A_48 = arith.constant 0 : i32
        %dma_start3A_49 = tpu.memref_slice %arg6[%dma_start3A, %dma_start3A_48] : memref<200x128xf32, #tpu.memory_space<vmem>> -> memref<40x128xf32, #tpu.memory_space<vmem>>
        %dma_start3A_50 = arith.constant 0 : i32
        %dma_start3A_51 = tpu.memref_slice %arg5[%run_scoped3A_46, %dma_start3A_50] : memref<5x40xi32, #tpu.memory_space<vmem>> -> memref<1x40xi32, #tpu.memory_space<vmem>>
        %dma_start3A_52 = tpu.memref_squeeze %dma_start3A_51 : memref<1x40xi32, #tpu.memory_space<vmem>> -> memref<40xi32, #tpu.memory_space<vmem>>
        %dma_start3A_53 = arith.constant 0 : i32
        %dma_start3A_54 = arith.constant 0 : i32
        %dma_start3A_55 = tpu.memref_slice %arg7[%dma_start3A_53, %dma_start3A_54] : memref<10240x128xf32, #tpu.memory_space<vmem_shared>> -> memref<10240x128xf32, #tpu.memory_space<vmem_shared>>
        tpu.enqueue_indirect_dma source(%dma_start3A_49 : memref<40x128xf32, #tpu.memory_space<vmem>>) target(%dma_start3A_55 : memref<10240x128xf32, #tpu.memory_space<vmem_shared>>) offsets(%dma_start3A_52 : memref<40xi32, #tpu.memory_space<vmem>>) semaphore(%run_scoped3A_47 : memref<!tpu.dma_semaphore, #tpu.memory_space<semaphore_mem>>) {add = true}
        %dma_wait3A = arith.constant 160 : i32
        %dma_wait3A_56 = arith.constant 0 : i32
        %dma_wait3A_57 = tpu.memref_slice %arg6[%dma_wait3A, %dma_wait3A_56] : memref<200x128xf32, #tpu.memory_space<vmem>> -> memref<40x128xf32, #tpu.memory_space<vmem>>
        %dma_wait3A_58 = arith.constant 0 : i32
        %dma_wait3A_59 = tpu.memref_slice %arg5[%run_scoped3A_46, %dma_wait3A_58] : memref<5x40xi32, #tpu.memory_space<vmem>> -> memref<1x40xi32, #tpu.memory_space<vmem>>
        %dma_wait3A_60 = tpu.memref_squeeze %dma_wait3A_59 : memref<1x40xi32, #tpu.memory_space<vmem>> -> memref<40xi32, #tpu.memory_space<vmem>>
        %dma_wait3A_61 = arith.constant 0 : i32
        %dma_wait3A_62 = arith.constant 0 : i32
        %dma_wait3A_63 = tpu.memref_slice %arg7[%dma_wait3A_61, %dma_wait3A_62] : memref<10240x128xf32, #tpu.memory_space<vmem_shared>> -> memref<10240x128xf32, #tpu.memory_space<vmem_shared>>
        tpu.wait_indirect_dma semaphore(%run_scoped3A_47 : memref<!tpu.dma_semaphore, #tpu.memory_space<semaphore_mem>>) src(%dma_wait3A_57 : memref<40x128xf32, #tpu.memory_space<vmem>>) dst(%dma_wait3A_63 : memref<10240x128xf32, #tpu.memory_space<vmem_shared>>)
        tpu.yield
      }) : () -> ()
    }
    %scan3A_16 = arith.constant 50 : i32
    %barrier3A_17 = arith.constant 0 : index
    tpu.barrier barrier_id(%barrier3A_17)
    "tpu.region"() ({
      %run_scoped3A = tpu.sem_alloc : memref<!tpu.dma_semaphore, #tpu.memory_space<semaphore_mem>>
      %dma_start3A = arith.constant 0 : i32
      %dma_start3A_18 = tpu.memref_slice %arg4[%arg0, %mul3A_2, %dma_start3A] : memref<2x10240x128xf32, #tpu.memory_space<hbm>> -> memref<1x640x128xf32, #tpu.memory_space<hbm>>
      %dma_start3A_19 = tpu.memref_squeeze %dma_start3A_18 : memref<1x640x128xf32, #tpu.memory_space<hbm>> -> memref<640x128xf32, #tpu.memory_space<hbm>>
      %dma_start3A_20 = arith.constant 0 : i32
      %dma_start3A_21 = tpu.memref_slice %arg7[%mul3A_2, %dma_start3A_20] : memref<10240x128xf32, #tpu.memory_space<vmem_shared>> -> memref<640x128xf32, #tpu.memory_space<vmem_shared>>
      tpu.enqueue_dma source(%dma_start3A_21 : memref<640x128xf32, #tpu.memory_space<vmem_shared>>) target(%dma_start3A_19 : memref<640x128xf32, #tpu.memory_space<hbm>>) target_semaphore(%run_scoped3A : memref<!tpu.dma_semaphore, #tpu.memory_space<semaphore_mem>>)
      %dma_wait3A = arith.constant 0 : i32
      %dma_wait3A_22 = tpu.memref_slice %arg4[%arg0, %mul3A_2, %dma_wait3A] : memref<2x10240x128xf32, #tpu.memory_space<hbm>> -> memref<1x640x128xf32, #tpu.memory_space<hbm>>
      %dma_wait3A_23 = tpu.memref_squeeze %dma_wait3A_22 : memref<1x640x128xf32, #tpu.memory_space<hbm>> -> memref<640x128xf32, #tpu.memory_space<hbm>>
      %dma_wait3A_24 = arith.constant 0 : i32
      %dma_wait3A_25 = tpu.memref_slice %arg7[%mul3A_2, %dma_wait3A_24] : memref<10240x128xf32, #tpu.memory_space<vmem_shared>> -> memref<640x128xf32, #tpu.memory_space<vmem_shared>>
      tpu.wait_dma2 semaphore(%run_scoped3A : memref<!tpu.dma_semaphore, #tpu.memory_space<semaphore_mem>>) src(%dma_wait3A_25 : memref<640x128xf32, #tpu.memory_space<vmem_shared>>) dst(%dma_wait3A_23 : memref<640x128xf32, #tpu.memory_space<hbm>>)
      tpu.yield
    }) : () -> ()
    return
  }
}

#map = affine_map<(d0, d1) -> (0, 0)>
#map1 = affine_map<(d0, d1) -> (0)>
module attributes {stable_mosaic.version = 14 : i64} {
  func.func @_sc_c1(%arg0: i32, %arg1: i32, %arg2: memref<2x10240xf32, #tpu.memory_space<hbm>>, %arg3: memref<320000xi32, #tpu.memory_space<hbm>>, %arg4: memref<320000xi32, #tpu.memory_space<hbm>>, %arg5: memref<320000xf32, #tpu.memory_space<hbm>>, %arg6: memref<512xf32, #tpu.memory_space<hbm>>, %arg7: memref<10240xf32, #tpu.memory_space<vmem>>, %arg8: memref<10240xf32, #tpu.memory_space<vmem>>, %arg9: memref<400xi32, #tpu.memory_space<vmem>>, %arg10: memref<400xi32, #tpu.memory_space<vmem>>, %arg11: memref<400xf32, #tpu.memory_space<vmem>>, %arg12: memref<16xf32, #tpu.memory_space<vmem>>) attributes {dimension_semantics = [#tpu.dimension_semantics<core_parallel>, #tpu.dimension_semantics<subcore_parallel>], iteration_bounds = array<i64: 2, 16>, scalar_prefetch = 0 : i64, scratch_operands = 6 : i64, tpu.core_type = #tpu.core_type<sc_vector_subcore>, window_params = [{transform_indices = #map}, {transform_indices = #map1}, {transform_indices = #map1}, {transform_indices = #map1}, {transform_indices = #map1}]} {
    %mul3A = arith.constant 16 : i32
    %mul3A_0 = arith.muli %arg0, %mul3A : i32
    %add3A = arith.addi %mul3A_0, %arg1 : i32
    %run_scoped3A = arith.constant 0 : i32
    "tpu.region"() ({
      %run_scoped3A_10 = tpu.sem_alloc : memref<!tpu.dma_semaphore, #tpu.memory_space<semaphore_mem>>
      %dma_start3A = arith.constant 0 : i32
      %dma_start3A_11 = tpu.memref_slice %arg2[%run_scoped3A, %dma_start3A] : memref<2x10240xf32, #tpu.memory_space<hbm>> -> memref<1x10240xf32, #tpu.memory_space<hbm>>
      %dma_start3A_12 = tpu.memref_squeeze %dma_start3A_11 : memref<1x10240xf32, #tpu.memory_space<hbm>> -> memref<10240xf32, #tpu.memory_space<hbm>>
      %dma_start3A_13 = arith.constant 0 : i32
      %dma_start3A_14 = tpu.memref_slice %arg2[%run_scoped3A, %dma_start3A_13] : memref<2x10240xf32, #tpu.memory_space<hbm>> -> memref<1x10240xf32, #tpu.memory_space<hbm>>
      %dma_start3A_15 = tpu.memref_squeeze %dma_start3A_14 : memref<1x10240xf32, #tpu.memory_space<hbm>> -> memref<10240xf32, #tpu.memory_space<hbm>>
      tpu.enqueue_dma source(%dma_start3A_15 : memref<10240xf32, #tpu.memory_space<hbm>>) target(%arg7 : memref<10240xf32, #tpu.memory_space<vmem>>) target_semaphore(%run_scoped3A_10 : memref<!tpu.dma_semaphore, #tpu.memory_space<semaphore_mem>>)
      %dma_wait3A = arith.constant 0 : i32
      %dma_wait3A_16 = tpu.memref_slice %arg2[%run_scoped3A, %dma_wait3A] : memref<2x10240xf32, #tpu.memory_space<hbm>> -> memref<1x10240xf32, #tpu.memory_space<hbm>>
      %dma_wait3A_17 = tpu.memref_squeeze %dma_wait3A_16 : memref<1x10240xf32, #tpu.memory_space<hbm>> -> memref<10240xf32, #tpu.memory_space<hbm>>
      %dma_wait3A_18 = arith.constant 0 : i32
      %dma_wait3A_19 = tpu.memref_slice %arg2[%run_scoped3A, %dma_wait3A_18] : memref<2x10240xf32, #tpu.memory_space<hbm>> -> memref<1x10240xf32, #tpu.memory_space<hbm>>
      %dma_wait3A_20 = tpu.memref_squeeze %dma_wait3A_19 : memref<1x10240xf32, #tpu.memory_space<hbm>> -> memref<10240xf32, #tpu.memory_space<hbm>>
      tpu.wait_dma2 semaphore(%run_scoped3A_10 : memref<!tpu.dma_semaphore, #tpu.memory_space<semaphore_mem>>) src(%dma_wait3A_20 : memref<10240xf32, #tpu.memory_space<hbm>>) dst(%arg7 : memref<10240xf32, #tpu.memory_space<vmem>>)
      tpu.yield
    }) : () -> ()
    %run_scoped3A_1 = arith.constant 1 : i32
    "tpu.region"() ({
      %run_scoped3A_10 = tpu.sem_alloc : memref<!tpu.dma_semaphore, #tpu.memory_space<semaphore_mem>>
      %dma_start3A = arith.constant 0 : i32
      %dma_start3A_11 = tpu.memref_slice %arg2[%run_scoped3A_1, %dma_start3A] : memref<2x10240xf32, #tpu.memory_space<hbm>> -> memref<1x10240xf32, #tpu.memory_space<hbm>>
      %dma_start3A_12 = tpu.memref_squeeze %dma_start3A_11 : memref<1x10240xf32, #tpu.memory_space<hbm>> -> memref<10240xf32, #tpu.memory_space<hbm>>
      %dma_start3A_13 = arith.constant 0 : i32
      %dma_start3A_14 = tpu.memref_slice %arg2[%run_scoped3A_1, %dma_start3A_13] : memref<2x10240xf32, #tpu.memory_space<hbm>> -> memref<1x10240xf32, #tpu.memory_space<hbm>>
      %dma_start3A_15 = tpu.memref_squeeze %dma_start3A_14 : memref<1x10240xf32, #tpu.memory_space<hbm>> -> memref<10240xf32, #tpu.memory_space<hbm>>
      tpu.enqueue_dma source(%dma_start3A_15 : memref<10240xf32, #tpu.memory_space<hbm>>) target(%arg8 : memref<10240xf32, #tpu.memory_space<vmem>>) target_semaphore(%run_scoped3A_10 : memref<!tpu.dma_semaphore, #tpu.memory_space<semaphore_mem>>)
      %dma_wait3A = arith.constant 0 : i32
      %dma_wait3A_16 = tpu.memref_slice %arg2[%run_scoped3A_1, %dma_wait3A] : memref<2x10240xf32, #tpu.memory_space<hbm>> -> memref<1x10240xf32, #tpu.memory_space<hbm>>
      %dma_wait3A_17 = tpu.memref_squeeze %dma_wait3A_16 : memref<1x10240xf32, #tpu.memory_space<hbm>> -> memref<10240xf32, #tpu.memory_space<hbm>>
      %dma_wait3A_18 = arith.constant 0 : i32
      %dma_wait3A_19 = tpu.memref_slice %arg2[%run_scoped3A_1, %dma_wait3A_18] : memref<2x10240xf32, #tpu.memory_space<hbm>> -> memref<1x10240xf32, #tpu.memory_space<hbm>>
      %dma_wait3A_20 = tpu.memref_squeeze %dma_wait3A_19 : memref<1x10240xf32, #tpu.memory_space<hbm>> -> memref<10240xf32, #tpu.memory_space<hbm>>
      tpu.wait_dma2 semaphore(%run_scoped3A_10 : memref<!tpu.dma_semaphore, #tpu.memory_space<semaphore_mem>>) src(%dma_wait3A_20 : memref<10240xf32, #tpu.memory_space<hbm>>) dst(%arg8 : memref<10240xf32, #tpu.memory_space<vmem>>)
      tpu.yield
    }) : () -> ()
    %broadcast_in_dim3A = arith.constant -3.000000e+38 : f32
    %broadcast_in_dim3A_2 = vector.broadcast %broadcast_in_dim3A : f32 to vector<16xf32>
    %swap3A = arith.constant 0 : index
    %swap3A_3 = tpu.vector_load %arg12[%swap3A] {strides = array<i32>} : memref<16xf32, #tpu.memory_space<vmem>>, vector<16xf32>,
    tpu.vector_store %arg12[%swap3A], %broadcast_in_dim3A_2 {strides = array<i32>} : memref<16xf32, #tpu.memory_space<vmem>>, vector<16xf32>,
    %scan3A = arith.constant 0 : i32
    %scan3A_4 = arith.constant 25 : i32
    %scan3A_5 = arith.addi %scan3A, %scan3A_4 : i32
    %scan3A_6 = arith.constant 1 : i32
    scf.for %scan3A_10 = %scan3A to %scan3A_5 step %scan3A_6  : i32 {
      %mul3A_11 = arith.constant 1 : i32
      %mul3A_12 = arith.muli %scan3A_10, %mul3A_11 : i32
      %add3A_13 = arith.constant 0 : i32
      %add3A_14 = arith.addi %add3A_13, %mul3A_12 : i32
      %mul3A_15 = arith.constant 10000 : i32
      %mul3A_16 = arith.muli %add3A, %mul3A_15 : i32
      %mul3A_17 = arith.constant 400 : i32
      %mul3A_18 = arith.muli %add3A_14, %mul3A_17 : i32
      %add3A_19 = arith.addi %mul3A_16, %mul3A_18 : i32
      "tpu.region"() ({
        %run_scoped3A_25 = tpu.sem_alloc : memref<!tpu.dma_semaphore, #tpu.memory_space<semaphore_mem>>
        %dma_start3A = tpu.memref_slice %arg3[%add3A_19] : memref<320000xi32, #tpu.memory_space<hbm>> -> memref<400xi32, #tpu.memory_space<hbm>>
        %dma_start3A_26 = tpu.memref_slice %arg3[%add3A_19] : memref<320000xi32, #tpu.memory_space<hbm>> -> memref<400xi32, #tpu.memory_space<hbm>>
        tpu.enqueue_dma source(%dma_start3A_26 : memref<400xi32, #tpu.memory_space<hbm>>) target(%arg9 : memref<400xi32, #tpu.memory_space<vmem>>) target_semaphore(%run_scoped3A_25 : memref<!tpu.dma_semaphore, #tpu.memory_space<semaphore_mem>>)
        %dma_wait3A = tpu.memref_slice %arg3[%add3A_19] : memref<320000xi32, #tpu.memory_space<hbm>> -> memref<400xi32, #tpu.memory_space<hbm>>
        %dma_wait3A_27 = tpu.memref_slice %arg3[%add3A_19] : memref<320000xi32, #tpu.memory_space<hbm>> -> memref<400xi32, #tpu.memory_space<hbm>>
        tpu.wait_dma2 semaphore(%run_scoped3A_25 : memref<!tpu.dma_semaphore, #tpu.memory_space<semaphore_mem>>) src(%dma_wait3A_27 : memref<400xi32, #tpu.memory_space<hbm>>) dst(%arg9 : memref<400xi32, #tpu.memory_space<vmem>>)
        tpu.yield
      }) : () -> ()
      "tpu.region"() ({
        %run_scoped3A_25 = tpu.sem_alloc : memref<!tpu.dma_semaphore, #tpu.memory_space<semaphore_mem>>
        %dma_start3A = tpu.memref_slice %arg4[%add3A_19] : memref<320000xi32, #tpu.memory_space<hbm>> -> memref<400xi32, #tpu.memory_space<hbm>>
        %dma_start3A_26 = tpu.memref_slice %arg4[%add3A_19] : memref<320000xi32, #tpu.memory_space<hbm>> -> memref<400xi32, #tpu.memory_space<hbm>>
        tpu.enqueue_dma source(%dma_start3A_26 : memref<400xi32, #tpu.memory_space<hbm>>) target(%arg10 : memref<400xi32, #tpu.memory_space<vmem>>) target_semaphore(%run_scoped3A_25 : memref<!tpu.dma_semaphore, #tpu.memory_space<semaphore_mem>>)
        %dma_wait3A = tpu.memref_slice %arg4[%add3A_19] : memref<320000xi32, #tpu.memory_space<hbm>> -> memref<400xi32, #tpu.memory_space<hbm>>
        %dma_wait3A_27 = tpu.memref_slice %arg4[%add3A_19] : memref<320000xi32, #tpu.memory_space<hbm>> -> memref<400xi32, #tpu.memory_space<hbm>>
        tpu.wait_dma2 semaphore(%run_scoped3A_25 : memref<!tpu.dma_semaphore, #tpu.memory_space<semaphore_mem>>) src(%dma_wait3A_27 : memref<400xi32, #tpu.memory_space<hbm>>) dst(%arg10 : memref<400xi32, #tpu.memory_space<vmem>>)
        tpu.yield
      }) : () -> ()
      %scan3A_20 = arith.constant 0 : i32
      %scan3A_21 = arith.constant 25 : i32
      %scan3A_22 = arith.addi %scan3A_20, %scan3A_21 : i32
      %scan3A_23 = arith.constant 1 : i32
      scf.for %scan3A_25 = %scan3A_20 to %scan3A_22 step %scan3A_23  : i32 {
        %mul3A_26 = arith.constant 1 : i32
        %mul3A_27 = arith.muli %scan3A_25, %mul3A_26 : i32
        %add3A_28 = arith.constant 0 : i32
        %add3A_29 = arith.addi %add3A_28, %mul3A_27 : i32
        %mul3A_30 = arith.constant 16 : i32
        %mul3A_31 = arith.muli %add3A_29, %mul3A_30 : i32
        %get3A = arith.index_cast %mul3A_31 : i32 to index
        %get3A_32 = tpu.vector_load %arg9[%get3A] {strides = array<i32>} : memref<400xi32, #tpu.memory_space<vmem>>, vector<16xi32>,
        %gather3A = tpu.vector_load_idx %arg7[%get3A_32] : memref<10240xf32, #tpu.memory_space<vmem>>[vector<16xi32>], vector<16xf32>,
        %mul3A_33 = arith.constant 16 : i32
        %mul3A_34 = arith.muli %add3A_29, %mul3A_33 : i32
        %get3A_35 = arith.index_cast %mul3A_34 : i32 to index
        %get3A_36 = tpu.vector_load %arg10[%get3A_35] {strides = array<i32>} : memref<400xi32, #tpu.memory_space<vmem>>, vector<16xi32>,
        %gather3A_37 = tpu.vector_load_idx %arg8[%get3A_36] : memref<10240xf32, #tpu.memory_space<vmem>>[vector<16xi32>], vector<16xf32>,
        %add3A_38 = arith.addf %gather3A, %gather3A_37 : vector<16xf32>
        %ge3A = arith.constant 0.000000e+00 : f32
        %ge3A_39 = vector.broadcast %ge3A : f32 to vector<16xf32>
        %ge3A_40 = arith.cmpf oge, %add3A_38, %ge3A_39 : vector<16xf32>
        %mul3A_41 = arith.constant 2.000000e-01 : f32
        %mul3A_42 = vector.broadcast %mul3A_41 : f32 to vector<16xf32>
        %mul3A_43 = arith.mulf %mul3A_42, %add3A_38 : vector<16xf32>
        %select_n3A = arith.select %ge3A_40, %add3A_38, %mul3A_43 : vector<16xi1>, vector<16xf32>
        %mul3A_44 = arith.constant 16 : i32
        %mul3A_45 = arith.muli %add3A_29, %mul3A_44 : i32
        %swap3A_46 = arith.index_cast %mul3A_45 : i32 to index
        %swap3A_47 = tpu.vector_load %arg11[%swap3A_46] {strides = array<i32>} : memref<400xf32, #tpu.memory_space<vmem>>, vector<16xf32>,
        tpu.vector_store %arg11[%swap3A_46], %select_n3A {strides = array<i32>} : memref<400xf32, #tpu.memory_space<vmem>>, vector<16xf32>,
        %get3A_48 = arith.constant 0 : index
        %get3A_49 = tpu.vector_load %arg12[%get3A_48] {strides = array<i32>} : memref<16xf32, #tpu.memory_space<vmem>>, vector<16xf32>,
        %max3A = arith.maximumf %get3A_49, %select_n3A : vector<16xf32>
        %swap3A_50 = arith.constant 0 : index
        %swap3A_51 = tpu.vector_load %arg12[%swap3A_50] {strides = array<i32>} : memref<16xf32, #tpu.memory_space<vmem>>, vector<16xf32>,
        tpu.vector_store %arg12[%swap3A_50], %max3A {strides = array<i32>} : memref<16xf32, #tpu.memory_space<vmem>>, vector<16xf32>,
      }
      %scan3A_24 = arith.constant 25 : i32
      "tpu.region"() ({
        %run_scoped3A_25 = tpu.sem_alloc : memref<!tpu.dma_semaphore, #tpu.memory_space<semaphore_mem>>
        %dma_start3A = tpu.memref_slice %arg5[%add3A_19] : memref<320000xf32, #tpu.memory_space<hbm>> -> memref<400xf32, #tpu.memory_space<hbm>>
        %dma_start3A_26 = tpu.memref_slice %arg5[%add3A_19] : memref<320000xf32, #tpu.memory_space<hbm>> -> memref<400xf32, #tpu.memory_space<hbm>>
        tpu.enqueue_dma source(%arg11 : memref<400xf32, #tpu.memory_space<vmem>>) target(%dma_start3A_26 : memref<400xf32, #tpu.memory_space<hbm>>) target_semaphore(%run_scoped3A_25 : memref<!tpu.dma_semaphore, #tpu.memory_space<semaphore_mem>>)
        %dma_wait3A = tpu.memref_slice %arg5[%add3A_19] : memref<320000xf32, #tpu.memory_space<hbm>> -> memref<400xf32, #tpu.memory_space<hbm>>
        %dma_wait3A_27 = tpu.memref_slice %arg5[%add3A_19] : memref<320000xf32, #tpu.memory_space<hbm>> -> memref<400xf32, #tpu.memory_space<hbm>>
        tpu.wait_dma2 semaphore(%run_scoped3A_25 : memref<!tpu.dma_semaphore, #tpu.memory_space<semaphore_mem>>) src(%arg11 : memref<400xf32, #tpu.memory_space<vmem>>) dst(%dma_wait3A_27 : memref<400xf32, #tpu.memory_space<hbm>>)
        tpu.yield
      }) : () -> ()
    }
    %scan3A_7 = arith.constant 25 : i32
    %mul3A_8 = arith.constant 16 : i32
    %mul3A_9 = arith.muli %add3A, %mul3A_8 : i32
    "tpu.region"() ({
      %run_scoped3A_10 = tpu.sem_alloc : memref<!tpu.dma_semaphore, #tpu.memory_space<semaphore_mem>>
      %dma_start3A = tpu.memref_slice %arg6[%mul3A_9] : memref<512xf32, #tpu.memory_space<hbm>> -> memref<16xf32, #tpu.memory_space<hbm>>
      %dma_start3A_11 = tpu.memref_slice %arg6[%mul3A_9] : memref<512xf32, #tpu.memory_space<hbm>> -> memref<16xf32, #tpu.memory_space<hbm>>
      tpu.enqueue_dma source(%arg12 : memref<16xf32, #tpu.memory_space<vmem>>) target(%dma_start3A_11 : memref<16xf32, #tpu.memory_space<hbm>>) target_semaphore(%run_scoped3A_10 : memref<!tpu.dma_semaphore, #tpu.memory_space<semaphore_mem>>)
      %dma_wait3A = tpu.memref_slice %arg6[%mul3A_9] : memref<512xf32, #tpu.memory_space<hbm>> -> memref<16xf32, #tpu.memory_space<hbm>>
      %dma_wait3A_12 = tpu.memref_slice %arg6[%mul3A_9] : memref<512xf32, #tpu.memory_space<hbm>> -> memref<16xf32, #tpu.memory_space<hbm>>
      tpu.wait_dma2 semaphore(%run_scoped3A_10 : memref<!tpu.dma_semaphore, #tpu.memory_space<semaphore_mem>>) src(%arg12 : memref<16xf32, #tpu.memory_space<vmem>>) dst(%dma_wait3A_12 : memref<16xf32, #tpu.memory_space<hbm>>)
      tpu.yield
    }) : () -> ()
    return
  }
}

#map = affine_map<(d0, d1) -> (0, 0)>
#map1 = affine_map<(d0, d1) -> (0)>
#map2 = affine_map<(d0, d1) -> (0, 0, 0)>
module attributes {stable_mosaic.version = 14 : i64} {
  func.func @_sc_a1(%arg0: i32, %arg1: i32, %arg2: memref<10240x128xf32, #tpu.memory_space<hbm>>, %arg3: memref<320000x16xf32, #tpu.memory_space<hbm>>, %arg4: memref<320000xi32, #tpu.memory_space<hbm>>, %arg5: memref<320000xi32, #tpu.memory_space<hbm>>, %arg6: memref<2x10240x128xf32, #tpu.memory_space<hbm>>, %arg7: memref<1x80xi32, #tpu.memory_space<vmem>>, %arg8: memref<1x80xi32, #tpu.memory_space<vmem>>, %arg9: memref<80x128xf32, #tpu.memory_space<vmem>>, %arg10: memref<80x16xf32, #tpu.memory_space<vmem>>, %arg11: memref<10240x128xf32, #tpu.memory_space<vmem_shared>>, %arg12: memref<!tpu.dma_semaphore, #tpu.memory_space<semaphore_mem>>) attributes {dimension_semantics = [#tpu.dimension_semantics<core_parallel>, #tpu.dimension_semantics<subcore_parallel>], iteration_bounds = array<i64: 2, 16>, scalar_prefetch = 0 : i64, scratch_operands = 6 : i64, tpu.core_type = #tpu.core_type<sc_vector_subcore>, window_params = [{transform_indices = #map}, {transform_indices = #map}, {transform_indices = #map1}, {transform_indices = #map1}, {transform_indices = #map2}]} {
    %mul3A = arith.constant 640 : i32
    %mul3A_0 = arith.muli %arg1, %mul3A : i32
    %iota3A = tpu.iota {dimensions = array<i32: 0>} : vector<16xi32>
    %eq3A = arith.constant 0 : i32
    %eq3A_1 = vector.broadcast %eq3A : i32 to vector<16xi32>
    %eq3A_2 = arith.cmpi eq, %iota3A, %eq3A_1 : vector<16xi32>
    %jit3A = arith.constant 1.000000e+00 : f32
    %jit3A_3 = arith.constant 0.000000e+00 : f32
    %broadcast_in_dim3A = vector.broadcast %jit3A : f32 to vector<16xf32>
    %broadcast_in_dim3A_4 = vector.broadcast %jit3A_3 : f32 to vector<16xf32>
    %select_n3A = arith.select %eq3A_2, %broadcast_in_dim3A, %broadcast_in_dim3A_4 : vector<16xi1>, vector<16xf32>
    %scan3A = arith.constant 0 : i32
    %scan3A_5 = arith.constant 80 : i32
    %scan3A_6 = arith.addi %scan3A, %scan3A_5 : i32
    %scan3A_7 = arith.constant 1 : i32
    scf.for %scan3A_20 = %scan3A to %scan3A_6 step %scan3A_7  : i32 {
      %mul3A_21 = arith.constant 1 : i32
      %mul3A_22 = arith.muli %scan3A_20, %mul3A_21 : i32
      %add3A = arith.constant 0 : i32
      %add3A_23 = arith.addi %add3A, %mul3A_22 : i32
      %broadcast_in_dim3A_24 = arith.constant 0.000000e+00 : f32
      %broadcast_in_dim3A_25 = vector.broadcast %broadcast_in_dim3A_24 : f32 to vector<16xf32>
      %swap3A = arith.index_cast %add3A_23 : i32 to index
      %swap3A_26 = arith.constant 0 : index
      %swap3A_27 = tpu.vector_load %arg9[%swap3A, %swap3A_26] {strides = array<i32>} : memref<80x128xf32, #tpu.memory_space<vmem>>, vector<16xf32>,
      tpu.vector_store %arg9[%swap3A, %swap3A_26], %broadcast_in_dim3A_25 {strides = array<i32>} : memref<80x128xf32, #tpu.memory_space<vmem>>, vector<16xf32>,
      %broadcast_in_dim3A_28 = arith.constant 0.000000e+00 : f32
      %broadcast_in_dim3A_29 = vector.broadcast %broadcast_in_dim3A_28 : f32 to vector<16xf32>
      %swap3A_30 = arith.index_cast %add3A_23 : i32 to index
      %swap3A_31 = arith.constant 16 : index
      %swap3A_32 = tpu.vector_load %arg9[%swap3A_30, %swap3A_31] {strides = array<i32>} : memref<80x128xf32, #tpu.memory_space<vmem>>, vector<16xf32>,
      tpu.vector_store %arg9[%swap3A_30, %swap3A_31], %broadcast_in_dim3A_29 {strides = array<i32>} : memref<80x128xf32, #tpu.memory_space<vmem>>, vector<16xf32>,
      %broadcast_in_dim3A_33 = arith.constant 0.000000e+00 : f32
      %broadcast_in_dim3A_34 = vector.broadcast %broadcast_in_dim3A_33 : f32 to vector<16xf32>
      %swap3A_35 = arith.index_cast %add3A_23 : i32 to index
      %swap3A_36 = arith.constant 32 : index
      %swap3A_37 = tpu.vector_load %arg9[%swap3A_35, %swap3A_36] {strides = array<i32>} : memref<80x128xf32, #tpu.memory_space<vmem>>, vector<16xf32>,
      tpu.vector_store %arg9[%swap3A_35, %swap3A_36], %broadcast_in_dim3A_34 {strides = array<i32>} : memref<80x128xf32, #tpu.memory_space<vmem>>, vector<16xf32>,
      %broadcast_in_dim3A_38 = arith.constant 0.000000e+00 : f32
      %broadcast_in_dim3A_39 = vector.broadcast %broadcast_in_dim3A_38 : f32 to vector<16xf32>
      %swap3A_40 = arith.index_cast %add3A_23 : i32 to index
      %swap3A_41 = arith.constant 48 : index
      %swap3A_42 = tpu.vector_load %arg9[%swap3A_40, %swap3A_41] {strides = array<i32>} : memref<80x128xf32, #tpu.memory_space<vmem>>, vector<16xf32>,
      tpu.vector_store %arg9[%swap3A_40, %swap3A_41], %broadcast_in_dim3A_39 {strides = array<i32>} : memref<80x128xf32, #tpu.memory_space<vmem>>, vector<16xf32>,
      %broadcast_in_dim3A_43 = arith.constant 0.000000e+00 : f32
      %broadcast_in_dim3A_44 = vector.broadcast %broadcast_in_dim3A_43 : f32 to vector<16xf32>
      %swap3A_45 = arith.index_cast %add3A_23 : i32 to index
      %swap3A_46 = arith.constant 64 : index
      %swap3A_47 = tpu.vector_load %arg9[%swap3A_45, %swap3A_46] {strides = array<i32>} : memref<80x128xf32, #tpu.memory_space<vmem>>, vector<16xf32>,
      tpu.vector_store %arg9[%swap3A_45, %swap3A_46], %broadcast_in_dim3A_44 {strides = array<i32>} : memref<80x128xf32, #tpu.memory_space<vmem>>, vector<16xf32>,
      %broadcast_in_dim3A_48 = arith.constant 0.000000e+00 : f32
      %broadcast_in_dim3A_49 = vector.broadcast %broadcast_in_dim3A_48 : f32 to vector<16xf32>
      %swap3A_50 = arith.index_cast %add3A_23 : i32 to index
      %swap3A_51 = arith.constant 80 : index
      %swap3A_52 = tpu.vector_load %arg9[%swap3A_50, %swap3A_51] {strides = array<i32>} : memref<80x128xf32, #tpu.memory_space<vmem>>, vector<16xf32>,
      tpu.vector_store %arg9[%swap3A_50, %swap3A_51], %broadcast_in_dim3A_49 {strides = array<i32>} : memref<80x128xf32, #tpu.memory_space<vmem>>, vector<16xf32>,
      %broadcast_in_dim3A_53 = arith.constant 0.000000e+00 : f32
      %broadcast_in_dim3A_54 = vector.broadcast %broadcast_in_dim3A_53 : f32 to vector<16xf32>
      %swap3A_55 = arith.index_cast %add3A_23 : i32 to index
      %swap3A_56 = arith.constant 96 : index
      %swap3A_57 = tpu.vector_load %arg9[%swap3A_55, %swap3A_56] {strides = array<i32>} : memref<80x128xf32, #tpu.memory_space<vmem>>, vector<16xf32>,
      tpu.vector_store %arg9[%swap3A_55, %swap3A_56], %broadcast_in_dim3A_54 {strides = array<i32>} : memref<80x128xf32, #tpu.memory_space<vmem>>, vector<16xf32>,
      %broadcast_in_dim3A_58 = arith.constant 0.000000e+00 : f32
      %broadcast_in_dim3A_59 = vector.broadcast %broadcast_in_dim3A_58 : f32 to vector<16xf32>
      %swap3A_60 = arith.index_cast %add3A_23 : i32 to index
      %swap3A_61 = arith.constant 112 : index
      %swap3A_62 = tpu.vector_load %arg9[%swap3A_60, %swap3A_61] {strides = array<i32>} : memref<80x128xf32, #tpu.memory_space<vmem>>, vector<16xf32>,
      tpu.vector_store %arg9[%swap3A_60, %swap3A_61], %broadcast_in_dim3A_59 {strides = array<i32>} : memref<80x128xf32, #tpu.memory_space<vmem>>, vector<16xf32>,
    }
    %scan3A_8 = arith.constant 80 : i32
    %scan3A_9 = arith.constant 0 : i32
    %scan3A_10 = arith.constant 16 : i32
    %scan3A_11 = arith.addi %scan3A_9, %scan3A_10 : i32
    %scan3A_12 = arith.constant 1 : i32
    scf.for %scan3A_20 = %scan3A_9 to %scan3A_11 step %scan3A_12  : i32 {
      %mul3A_21 = arith.constant 1 : i32
      %mul3A_22 = arith.muli %scan3A_20, %mul3A_21 : i32
      %add3A = arith.constant 0 : i32
      %add3A_23 = arith.addi %add3A, %mul3A_22 : i32
      %mul3A_24 = arith.constant 40 : i32
      %mul3A_25 = arith.muli %add3A_23, %mul3A_24 : i32
      %add3A_26 = arith.addi %mul3A_0, %mul3A_25 : i32
      "tpu.region"() ({
        %run_scoped3A = tpu.sem_alloc : memref<!tpu.dma_semaphore, #tpu.memory_space<semaphore_mem>>
        %dma_start3A = arith.constant 0 : i32
        %dma_start3A_27 = arith.constant 0 : i32
        %dma_start3A_28 = tpu.memref_slice %arg9[%dma_start3A, %dma_start3A_27] : memref<80x128xf32, #tpu.memory_space<vmem>> -> memref<40x128xf32, #tpu.memory_space<vmem>>
        %dma_start3A_29 = arith.constant 0 : i32
        %dma_start3A_30 = tpu.memref_slice %arg11[%add3A_26, %dma_start3A_29] : memref<10240x128xf32, #tpu.memory_space<vmem_shared>> -> memref<40x128xf32, #tpu.memory_space<vmem_shared>>
        %dma_start3A_31 = arith.constant 0 : i32
        %dma_start3A_32 = tpu.memref_slice %arg11[%add3A_26, %dma_start3A_31] : memref<10240x128xf32, #tpu.memory_space<vmem_shared>> -> memref<40x128xf32, #tpu.memory_space<vmem_shared>>
        %dma_start3A_33 = arith.constant 0 : i32
        %dma_start3A_34 = arith.constant 0 : i32
        %dma_start3A_35 = tpu.memref_slice %arg9[%dma_start3A_33, %dma_start3A_34] : memref<80x128xf32, #tpu.memory_space<vmem>> -> memref<40x128xf32, #tpu.memory_space<vmem>>
        tpu.enqueue_dma source(%dma_start3A_35 : memref<40x128xf32, #tpu.memory_space<vmem>>) target(%dma_start3A_32 : memref<40x128xf32, #tpu.memory_space<vmem_shared>>) target_semaphore(%run_scoped3A : memref<!tpu.dma_semaphore, #tpu.memory_space<semaphore_mem>>)
        %dma_wait3A = arith.constant 0 : i32
        %dma_wait3A_36 = arith.constant 0 : i32
        %dma_wait3A_37 = tpu.memref_slice %arg9[%dma_wait3A, %dma_wait3A_36] : memref<80x128xf32, #tpu.memory_space<vmem>> -> memref<40x128xf32, #tpu.memory_space<vmem>>
        %dma_wait3A_38 = arith.constant 0 : i32
        %dma_wait3A_39 = tpu.memref_slice %arg11[%add3A_26, %dma_wait3A_38] : memref<10240x128xf32, #tpu.memory_space<vmem_shared>> -> memref<40x128xf32, #tpu.memory_space<vmem_shared>>
        %dma_wait3A_40 = arith.constant 0 : i32
        %dma_wait3A_41 = tpu.memref_slice %arg11[%add3A_26, %dma_wait3A_40] : memref<10240x128xf32, #tpu.memory_space<vmem_shared>> -> memref<40x128xf32, #tpu.memory_space<vmem_shared>>
        %dma_wait3A_42 = arith.constant 0 : i32
        %dma_wait3A_43 = arith.constant 0 : i32
        %dma_wait3A_44 = tpu.memref_slice %arg9[%dma_wait3A_42, %dma_wait3A_43] : memref<80x128xf32, #tpu.memory_space<vmem>> -> memref<40x128xf32, #tpu.memory_space<vmem>>
        tpu.wait_dma2 semaphore(%run_scoped3A : memref<!tpu.dma_semaphore, #tpu.memory_space<semaphore_mem>>) src(%dma_wait3A_44 : memref<40x128xf32, #tpu.memory_space<vmem>>) dst(%dma_wait3A_41 : memref<40x128xf32, #tpu.memory_space<vmem_shared>>)
        tpu.yield
      }) : () -> ()
    }
    %scan3A_13 = arith.constant 16 : i32
    %barrier3A = arith.constant 0 : index
    tpu.barrier barrier_id(%barrier3A)
    %scan3A_14 = arith.constant 0 : i32
    %scan3A_15 = arith.constant 250 : i32
    %scan3A_16 = arith.addi %scan3A_14, %scan3A_15 : i32
    %scan3A_17 = arith.constant 1 : i32
    scf.for %scan3A_20 = %scan3A_14 to %scan3A_16 step %scan3A_17  : i32 {
      %mul3A_21 = arith.constant 1 : i32
      %mul3A_22 = arith.muli %scan3A_20, %mul3A_21 : i32
      %add3A = arith.constant 0 : i32
      %add3A_23 = arith.addi %add3A, %mul3A_22 : i32
      %mul3A_24 = arith.constant 20000 : i32
      %mul3A_25 = arith.muli %arg1, %mul3A_24 : i32
      %mul3A_26 = arith.constant 80 : i32
      %mul3A_27 = arith.muli %add3A_23, %mul3A_26 : i32
      %add3A_28 = arith.addi %mul3A_25, %mul3A_27 : i32
      %run_scoped3A = arith.constant 0 : i32
      "tpu.region"() ({
        %run_scoped3A_38 = tpu.sem_alloc : memref<!tpu.dma_semaphore, #tpu.memory_space<semaphore_mem>>
        %dma_start3A = arith.constant 0 : i32
        %dma_start3A_39 = tpu.memref_slice %arg8[%run_scoped3A, %dma_start3A] : memref<1x80xi32, #tpu.memory_space<vmem>> -> memref<1x80xi32, #tpu.memory_space<vmem>>
        %dma_start3A_40 = tpu.memref_squeeze %dma_start3A_39 : memref<1x80xi32, #tpu.memory_space<vmem>> -> memref<80xi32, #tpu.memory_space<vmem>>
        %dma_start3A_41 = tpu.memref_slice %arg5[%add3A_28] : memref<320000xi32, #tpu.memory_space<hbm>> -> memref<80xi32, #tpu.memory_space<hbm>>
        %dma_start3A_42 = arith.constant 0 : i32
        %dma_start3A_43 = tpu.memref_slice %arg8[%run_scoped3A, %dma_start3A_42] : memref<1x80xi32, #tpu.memory_space<vmem>> -> memref<1x80xi32, #tpu.memory_space<vmem>>
        %dma_start3A_44 = tpu.memref_squeeze %dma_start3A_43 : memref<1x80xi32, #tpu.memory_space<vmem>> -> memref<80xi32, #tpu.memory_space<vmem>>
        %dma_start3A_45 = tpu.memref_slice %arg5[%add3A_28] : memref<320000xi32, #tpu.memory_space<hbm>> -> memref<80xi32, #tpu.memory_space<hbm>>
        tpu.enqueue_dma source(%dma_start3A_45 : memref<80xi32, #tpu.memory_space<hbm>>) target(%dma_start3A_44 : memref<80xi32, #tpu.memory_space<vmem>>) target_semaphore(%run_scoped3A_38 : memref<!tpu.dma_semaphore, #tpu.memory_space<semaphore_mem>>)
        %dma_wait3A = arith.constant 0 : i32
        %dma_wait3A_46 = tpu.memref_slice %arg8[%run_scoped3A, %dma_wait3A] : memref<1x80xi32, #tpu.memory_space<vmem>> -> memref<1x80xi32, #tpu.memory_space<vmem>>
        %dma_wait3A_47 = tpu.memref_squeeze %dma_wait3A_46 : memref<1x80xi32, #tpu.memory_space<vmem>> -> memref<80xi32, #tpu.memory_space<vmem>>
        %dma_wait3A_48 = tpu.memref_slice %arg5[%add3A_28] : memref<320000xi32, #tpu.memory_space<hbm>> -> memref<80xi32, #tpu.memory_space<hbm>>
        %dma_wait3A_49 = arith.constant 0 : i32
        %dma_wait3A_50 = tpu.memref_slice %arg8[%run_scoped3A, %dma_wait3A_49] : memref<1x80xi32, #tpu.memory_space<vmem>> -> memref<1x80xi32, #tpu.memory_space<vmem>>
        %dma_wait3A_51 = tpu.memref_squeeze %dma_wait3A_50 : memref<1x80xi32, #tpu.memory_space<vmem>> -> memref<80xi32, #tpu.memory_space<vmem>>
        %dma_wait3A_52 = tpu.memref_slice %arg5[%add3A_28] : memref<320000xi32, #tpu.memory_space<hbm>> -> memref<80xi32, #tpu.memory_space<hbm>>
        tpu.wait_dma2 semaphore(%run_scoped3A_38 : memref<!tpu.dma_semaphore, #tpu.memory_space<semaphore_mem>>) src(%dma_wait3A_52 : memref<80xi32, #tpu.memory_space<hbm>>) dst(%dma_wait3A_51 : memref<80xi32, #tpu.memory_space<vmem>>)
        tpu.yield
      }) : () -> ()
      %eq3A_29 = arith.constant 0 : i32
      %eq3A_30 = arith.cmpi eq, %arg0, %eq3A_29 : i32
      %convert_element_type3A = arith.extui %eq3A_30 : i1 to i32
      %cond3A = arith.constant 0 : i32
      %cond3A_31 = arith.cmpi ne, %convert_element_type3A, %cond3A : i32
      scf.if %cond3A_31 {
        %run_scoped3A_38 = arith.constant 0 : i32
        "tpu.region"() ({
          %run_scoped3A_51 = tpu.sem_alloc : memref<!tpu.dma_semaphore, #tpu.memory_space<semaphore_mem>>
          %dma_start3A_52 = arith.constant 0 : i32
          %dma_start3A_53 = tpu.memref_slice %arg7[%run_scoped3A_38, %dma_start3A_52] : memref<1x80xi32, #tpu.memory_space<vmem>> -> memref<1x80xi32, #tpu.memory_space<vmem>>
          %dma_start3A_54 = tpu.memref_squeeze %dma_start3A_53 : memref<1x80xi32, #tpu.memory_space<vmem>> -> memref<80xi32, #tpu.memory_space<vmem>>
          %dma_start3A_55 = tpu.memref_slice %arg4[%add3A_28] : memref<320000xi32, #tpu.memory_space<hbm>> -> memref<80xi32, #tpu.memory_space<hbm>>
          %dma_start3A_56 = arith.constant 0 : i32
          %dma_start3A_57 = tpu.memref_slice %arg7[%run_scoped3A_38, %dma_start3A_56] : memref<1x80xi32, #tpu.memory_space<vmem>> -> memref<1x80xi32, #tpu.memory_space<vmem>>
          %dma_start3A_58 = tpu.memref_squeeze %dma_start3A_57 : memref<1x80xi32, #tpu.memory_space<vmem>> -> memref<80xi32, #tpu.memory_space<vmem>>
          %dma_start3A_59 = tpu.memref_slice %arg4[%add3A_28] : memref<320000xi32, #tpu.memory_space<hbm>> -> memref<80xi32, #tpu.memory_space<hbm>>
          tpu.enqueue_dma source(%dma_start3A_59 : memref<80xi32, #tpu.memory_space<hbm>>) target(%dma_start3A_58 : memref<80xi32, #tpu.memory_space<vmem>>) target_semaphore(%run_scoped3A_51 : memref<!tpu.dma_semaphore, #tpu.memory_space<semaphore_mem>>)
          %dma_wait3A_60 = arith.constant 0 : i32
          %dma_wait3A_61 = tpu.memref_slice %arg7[%run_scoped3A_38, %dma_wait3A_60] : memref<1x80xi32, #tpu.memory_space<vmem>> -> memref<1x80xi32, #tpu.memory_space<vmem>>
          %dma_wait3A_62 = tpu.memref_squeeze %dma_wait3A_61 : memref<1x80xi32, #tpu.memory_space<vmem>> -> memref<80xi32, #tpu.memory_space<vmem>>
          %dma_wait3A_63 = tpu.memref_slice %arg4[%add3A_28] : memref<320000xi32, #tpu.memory_space<hbm>> -> memref<80xi32, #tpu.memory_space<hbm>>
          %dma_wait3A_64 = arith.constant 0 : i32
          %dma_wait3A_65 = tpu.memref_slice %arg7[%run_scoped3A_38, %dma_wait3A_64] : memref<1x80xi32, #tpu.memory_space<vmem>> -> memref<1x80xi32, #tpu.memory_space<vmem>>
          %dma_wait3A_66 = tpu.memref_squeeze %dma_wait3A_65 : memref<1x80xi32, #tpu.memory_space<vmem>> -> memref<80xi32, #tpu.memory_space<vmem>>
          %dma_wait3A_67 = tpu.memref_slice %arg4[%add3A_28] : memref<320000xi32, #tpu.memory_space<hbm>> -> memref<80xi32, #tpu.memory_space<hbm>>
          tpu.wait_dma2 semaphore(%run_scoped3A_51 : memref<!tpu.dma_semaphore, #tpu.memory_space<semaphore_mem>>) src(%dma_wait3A_67 : memref<80xi32, #tpu.memory_space<hbm>>) dst(%dma_wait3A_66 : memref<80xi32, #tpu.memory_space<vmem>>)
          tpu.yield
        }) : () -> ()
        %dma_start3A = arith.constant 0 : i32
        %dma_start3A_39 = arith.constant 0 : i32
        %dma_start3A_40 = tpu.memref_slice %arg7[%dma_start3A, %dma_start3A_39] : memref<1x80xi32, #tpu.memory_space<vmem>> -> memref<1x80xi32, #tpu.memory_space<vmem>>
        %dma_start3A_41 = tpu.memref_squeeze %dma_start3A_40 : memref<1x80xi32, #tpu.memory_space<vmem>> -> memref<80xi32, #tpu.memory_space<vmem>>
        %dma_start3A_42 = arith.constant 0 : i32
        %dma_start3A_43 = arith.constant 0 : i32
        %dma_start3A_44 = tpu.memref_slice %arg2[%dma_start3A_42, %dma_start3A_43] : memref<10240x128xf32, #tpu.memory_space<hbm>> -> memref<10240x128xf32, #tpu.memory_space<hbm>>
        tpu.enqueue_indirect_dma source(%dma_start3A_44 : memref<10240x128xf32, #tpu.memory_space<hbm>>) target(%arg9 : memref<80x128xf32, #tpu.memory_space<vmem>>) offsets(%dma_start3A_41 : memref<80xi32, #tpu.memory_space<vmem>>) semaphore(%arg12 : memref<!tpu.dma_semaphore, #tpu.memory_space<semaphore_mem>>)
        %dma_wait3A = arith.constant 0 : i32
        %dma_wait3A_45 = arith.constant 0 : i32
        %dma_wait3A_46 = tpu.memref_slice %arg7[%dma_wait3A, %dma_wait3A_45] : memref<1x80xi32, #tpu.memory_space<vmem>> -> memref<1x80xi32, #tpu.memory_space<vmem>>
        %dma_wait3A_47 = tpu.memref_squeeze %dma_wait3A_46 : memref<1x80xi32, #tpu.memory_space<vmem>> -> memref<80xi32, #tpu.memory_space<vmem>>
        %dma_wait3A_48 = arith.constant 0 : i32
        %dma_wait3A_49 = arith.constant 0 : i32
        %dma_wait3A_50 = tpu.memref_slice %arg2[%dma_wait3A_48, %dma_wait3A_49] : memref<10240x128xf32, #tpu.memory_space<hbm>> -> memref<10240x128xf32, #tpu.memory_space<hbm>>
        tpu.wait_indirect_dma semaphore(%arg12 : memref<!tpu.dma_semaphore, #tpu.memory_space<semaphore_mem>>) src(%dma_wait3A_50 : memref<10240x128xf32, #tpu.memory_space<hbm>>) dst(%arg9 : memref<80x128xf32, #tpu.memory_space<vmem>>)
      } else {
      }
      %eq3A_32 = arith.constant 1 : i32
      %eq3A_33 = arith.cmpi eq, %arg0, %eq3A_32 : i32
      %convert_element_type3A_34 = arith.extui %eq3A_33 : i1 to i32
      %cond3A_35 = arith.constant 0 : i32
      %cond3A_36 = arith.cmpi ne, %convert_element_type3A_34, %cond3A_35 : i32
      scf.if %cond3A_36 {
        "tpu.region"() ({
          %run_scoped3A_43 = tpu.sem_alloc : memref<!tpu.dma_semaphore, #tpu.memory_space<semaphore_mem>>
          %dma_start3A = arith.constant 0 : i32
          %dma_start3A_44 = tpu.memref_slice %arg3[%add3A_28, %dma_start3A] : memref<320000x16xf32, #tpu.memory_space<hbm>> -> memref<80x16xf32, #tpu.memory_space<hbm>>
          %dma_start3A_45 = arith.constant 0 : i32
          %dma_start3A_46 = tpu.memref_slice %arg3[%add3A_28, %dma_start3A_45] : memref<320000x16xf32, #tpu.memory_space<hbm>> -> memref<80x16xf32, #tpu.memory_space<hbm>>
          tpu.enqueue_dma source(%dma_start3A_46 : memref<80x16xf32, #tpu.memory_space<hbm>>) target(%arg10 : memref<80x16xf32, #tpu.memory_space<vmem>>) target_semaphore(%run_scoped3A_43 : memref<!tpu.dma_semaphore, #tpu.memory_space<semaphore_mem>>)
          %dma_wait3A = arith.constant 0 : i32
          %dma_wait3A_47 = tpu.memref_slice %arg3[%add3A_28, %dma_wait3A] : memref<320000x16xf32, #tpu.memory_space<hbm>> -> memref<80x16xf32, #tpu.memory_space<hbm>>
          %dma_wait3A_48 = arith.constant 0 : i32
          %dma_wait3A_49 = tpu.memref_slice %arg3[%add3A_28, %dma_wait3A_48] : memref<320000x16xf32, #tpu.memory_space<hbm>> -> memref<80x16xf32, #tpu.memory_space<hbm>>
          tpu.wait_dma2 semaphore(%run_scoped3A_43 : memref<!tpu.dma_semaphore, #tpu.memory_space<semaphore_mem>>) src(%dma_wait3A_49 : memref<80x16xf32, #tpu.memory_space<hbm>>) dst(%arg10 : memref<80x16xf32, #tpu.memory_space<vmem>>)
          tpu.yield
        }) : () -> ()
        %scan3A_38 = arith.constant 0 : i32
        %scan3A_39 = arith.constant 80 : i32
        %scan3A_40 = arith.addi %scan3A_38, %scan3A_39 : i32
        %scan3A_41 = arith.constant 1 : i32
        scf.for %scan3A_43 = %scan3A_38 to %scan3A_40 step %scan3A_41  : i32 {
          %mul3A_44 = arith.constant 1 : i32
          %mul3A_45 = arith.muli %scan3A_43, %mul3A_44 : i32
          %add3A_46 = arith.constant 0 : i32
          %add3A_47 = arith.addi %add3A_46, %mul3A_45 : i32
          %get3A = arith.index_cast %add3A_47 : i32 to index
          %get3A_48 = arith.constant 0 : index
          %get3A_49 = tpu.vector_load %arg10[%get3A, %get3A_48] {strides = array<i32>} : memref<80x16xf32, #tpu.memory_space<vmem>>, vector<16xf32>,
          %swap3A = arith.index_cast %add3A_47 : i32 to index
          %swap3A_50 = arith.constant 0 : index
          %swap3A_51 = tpu.vector_load %arg9[%swap3A, %swap3A_50] {strides = array<i32>} : memref<80x128xf32, #tpu.memory_space<vmem>>, vector<16xf32>,
          tpu.vector_store %arg9[%swap3A, %swap3A_50], %get3A_49 {strides = array<i32>} : memref<80x128xf32, #tpu.memory_space<vmem>>, vector<16xf32>,
          %swap3A_52 = arith.index_cast %add3A_47 : i32 to index
          %swap3A_53 = arith.constant 16 : index
          %swap3A_54 = tpu.vector_load %arg9[%swap3A_52, %swap3A_53] {strides = array<i32>} : memref<80x128xf32, #tpu.memory_space<vmem>>, vector<16xf32>,
          tpu.vector_store %arg9[%swap3A_52, %swap3A_53], %select_n3A {strides = array<i32>} : memref<80x128xf32, #tpu.memory_space<vmem>>, vector<16xf32>,
        }
        %scan3A_42 = arith.constant 80 : i32
      } else {
      }
      %run_scoped3A_37 = arith.constant 0 : i32
      "tpu.region"() ({
        %run_scoped3A_38 = tpu.sem_alloc : memref<!tpu.dma_semaphore, #tpu.memory_space<semaphore_mem>>
        %dma_start3A = arith.constant 0 : i32
        %dma_start3A_39 = tpu.memref_slice %arg8[%run_scoped3A_37, %dma_start3A] : memref<1x80xi32, #tpu.memory_space<vmem>> -> memref<1x80xi32, #tpu.memory_space<vmem>>
        %dma_start3A_40 = tpu.memref_squeeze %dma_start3A_39 : memref<1x80xi32, #tpu.memory_space<vmem>> -> memref<80xi32, #tpu.memory_space<vmem>>
        %dma_start3A_41 = arith.constant 0 : i32
        %dma_start3A_42 = arith.constant 0 : i32
        %dma_start3A_43 = tpu.memref_slice %arg11[%dma_start3A_41, %dma_start3A_42] : memref<10240x128xf32, #tpu.memory_space<vmem_shared>> -> memref<10240x128xf32, #tpu.memory_space<vmem_shared>>
        tpu.enqueue_indirect_dma source(%arg9 : memref<80x128xf32, #tpu.memory_space<vmem>>) target(%dma_start3A_43 : memref<10240x128xf32, #tpu.memory_space<vmem_shared>>) offsets(%dma_start3A_40 : memref<80xi32, #tpu.memory_space<vmem>>) semaphore(%run_scoped3A_38 : memref<!tpu.dma_semaphore, #tpu.memory_space<semaphore_mem>>) {add = true}
        %dma_wait3A = arith.constant 0 : i32
        %dma_wait3A_44 = tpu.memref_slice %arg8[%run_scoped3A_37, %dma_wait3A] : memref<1x80xi32, #tpu.memory_space<vmem>> -> memref<1x80xi32, #tpu.memory_space<vmem>>
        %dma_wait3A_45 = tpu.memref_squeeze %dma_wait3A_44 : memref<1x80xi32, #tpu.memory_space<vmem>> -> memref<80xi32, #tpu.memory_space<vmem>>
        %dma_wait3A_46 = arith.constant 0 : i32
        %dma_wait3A_47 = arith.constant 0 : i32
        %dma_wait3A_48 = tpu.memref_slice %arg11[%dma_wait3A_46, %dma_wait3A_47] : memref<10240x128xf32, #tpu.memory_space<vmem_shared>> -> memref<10240x128xf32, #tpu.memory_space<vmem_shared>>
        tpu.wait_indirect_dma semaphore(%run_scoped3A_38 : memref<!tpu.dma_semaphore, #tpu.memory_space<semaphore_mem>>) src(%arg9 : memref<80x128xf32, #tpu.memory_space<vmem>>) dst(%dma_wait3A_48 : memref<10240x128xf32, #tpu.memory_space<vmem_shared>>)
        tpu.yield
      }) : () -> ()
    }
    %scan3A_18 = arith.constant 250 : i32
    %barrier3A_19 = arith.constant 0 : index
    tpu.barrier barrier_id(%barrier3A_19)
    "tpu.region"() ({
      %run_scoped3A = tpu.sem_alloc : memref<!tpu.dma_semaphore, #tpu.memory_space<semaphore_mem>>
      %dma_start3A = arith.constant 0 : i32
      %dma_start3A_20 = tpu.memref_slice %arg6[%arg0, %mul3A_0, %dma_start3A] : memref<2x10240x128xf32, #tpu.memory_space<hbm>> -> memref<1x640x128xf32, #tpu.memory_space<hbm>>
      %dma_start3A_21 = tpu.memref_squeeze %dma_start3A_20 : memref<1x640x128xf32, #tpu.memory_space<hbm>> -> memref<640x128xf32, #tpu.memory_space<hbm>>
      %dma_start3A_22 = arith.constant 0 : i32
      %dma_start3A_23 = tpu.memref_slice %arg11[%mul3A_0, %dma_start3A_22] : memref<10240x128xf32, #tpu.memory_space<vmem_shared>> -> memref<640x128xf32, #tpu.memory_space<vmem_shared>>
      tpu.enqueue_dma source(%dma_start3A_23 : memref<640x128xf32, #tpu.memory_space<vmem_shared>>) target(%dma_start3A_21 : memref<640x128xf32, #tpu.memory_space<hbm>>) target_semaphore(%run_scoped3A : memref<!tpu.dma_semaphore, #tpu.memory_space<semaphore_mem>>)
      %dma_wait3A = arith.constant 0 : i32
      %dma_wait3A_24 = tpu.memref_slice %arg6[%arg0, %mul3A_0, %dma_wait3A] : memref<2x10240x128xf32, #tpu.memory_space<hbm>> -> memref<1x640x128xf32, #tpu.memory_space<hbm>>
      %dma_wait3A_25 = tpu.memref_squeeze %dma_wait3A_24 : memref<1x640x128xf32, #tpu.memory_space<hbm>> -> memref<640x128xf32, #tpu.memory_space<hbm>>
      %dma_wait3A_26 = arith.constant 0 : i32
      %dma_wait3A_27 = tpu.memref_slice %arg11[%mul3A_0, %dma_wait3A_26] : memref<10240x128xf32, #tpu.memory_space<vmem_shared>> -> memref<640x128xf32, #tpu.memory_space<vmem_shared>>
      tpu.wait_dma2 semaphore(%run_scoped3A : memref<!tpu.dma_semaphore, #tpu.memory_space<semaphore_mem>>) src(%dma_wait3A_27 : memref<640x128xf32, #tpu.memory_space<vmem_shared>>) dst(%dma_wait3A_25 : memref<640x128xf32, #tpu.memory_space<hbm>>)
      tpu.yield
    }) : () -> ()
    return
  }
}

#map = affine_map<(d0, d1) -> (0)>
#map1 = affine_map<(d0, d1) -> (0, 0)>
#map2 = affine_map<(d0, d1) -> (0, 0, 0)>
module attributes {stable_mosaic.version = 14 : i64} {
  func.func @_sc_c2(%arg0: i32, %arg1: i32, %arg2: memref<320000xf32, #tpu.memory_space<hbm>>, %arg3: memref<512xf32, #tpu.memory_space<hbm>>, %arg4: memref<320000xi32, #tpu.memory_space<hbm>>, %arg5: memref<320000xi32, #tpu.memory_space<hbm>>, %arg6: memref<10240x128xf32, #tpu.memory_space<hbm>>, %arg7: memref<2x10240x128xf32, #tpu.memory_space<hbm>>, %arg8: memref<1x80xi32, #tpu.memory_space<vmem>>, %arg9: memref<1x80xi32, #tpu.memory_space<vmem>>, %arg10: memref<80x128xf32, #tpu.memory_space<vmem>>, %arg11: memref<80xf32, #tpu.memory_space<vmem>>, %arg12: memref<80xf32, #tpu.memory_space<vmem>>, %arg13: memref<512xf32, #tpu.memory_space<vmem>>, %arg14: memref<16xf32, #tpu.memory_space<vmem>>, %arg15: memref<10240x128xf32, #tpu.memory_space<vmem_shared>>, %arg16: memref<!tpu.dma_semaphore, #tpu.memory_space<semaphore_mem>>) attributes {dimension_semantics = [#tpu.dimension_semantics<core_parallel>, #tpu.dimension_semantics<subcore_parallel>], iteration_bounds = array<i64: 2, 16>, scalar_prefetch = 0 : i64, scratch_operands = 9 : i64, tpu.core_type = #tpu.core_type<sc_vector_subcore>, window_params = [{transform_indices = #map}, {transform_indices = #map}, {transform_indices = #map}, {transform_indices = #map}, {transform_indices = #map1}, {transform_indices = #map2}]} {
    %mul3A = arith.constant 640 : i32
    %mul3A_0 = arith.muli %arg1, %mul3A : i32
    %iota3A = tpu.iota {dimensions = array<i32: 0>} : vector<16xi32>
    %eq3A = arith.constant 0 : i32
    %eq3A_1 = vector.broadcast %eq3A : i32 to vector<16xi32>
    %eq3A_2 = arith.cmpi eq, %iota3A, %eq3A_1 : vector<16xi32>
    %jit3A = arith.constant 1.000000e+00 : f32
    %jit3A_3 = arith.constant 0.000000e+00 : f32
    %broadcast_in_dim3A = vector.broadcast %jit3A : f32 to vector<16xf32>
    %broadcast_in_dim3A_4 = vector.broadcast %jit3A_3 : f32 to vector<16xf32>
    %select_n3A = arith.select %eq3A_2, %broadcast_in_dim3A, %broadcast_in_dim3A_4 : vector<16xi1>, vector<16xf32>
    %scan3A = arith.constant 0 : i32
    %scan3A_5 = arith.constant 80 : i32
    %scan3A_6 = arith.addi %scan3A, %scan3A_5 : i32
    %scan3A_7 = arith.constant 1 : i32
    scf.for %scan3A_32 = %scan3A to %scan3A_6 step %scan3A_7  : i32 {
      %mul3A_33 = arith.constant 1 : i32
      %mul3A_34 = arith.muli %scan3A_32, %mul3A_33 : i32
      %add3A = arith.constant 0 : i32
      %add3A_35 = arith.addi %add3A, %mul3A_34 : i32
      %broadcast_in_dim3A_36 = arith.constant 0.000000e+00 : f32
      %broadcast_in_dim3A_37 = vector.broadcast %broadcast_in_dim3A_36 : f32 to vector<16xf32>
      %swap3A_38 = arith.index_cast %add3A_35 : i32 to index
      %swap3A_39 = arith.constant 0 : index
      %swap3A_40 = tpu.vector_load %arg10[%swap3A_38, %swap3A_39] {strides = array<i32>} : memref<80x128xf32, #tpu.memory_space<vmem>>, vector<16xf32>,
      tpu.vector_store %arg10[%swap3A_38, %swap3A_39], %broadcast_in_dim3A_37 {strides = array<i32>} : memref<80x128xf32, #tpu.memory_space<vmem>>, vector<16xf32>,
      %broadcast_in_dim3A_41 = arith.constant 0.000000e+00 : f32
      %broadcast_in_dim3A_42 = vector.broadcast %broadcast_in_dim3A_41 : f32 to vector<16xf32>
      %swap3A_43 = arith.index_cast %add3A_35 : i32 to index
      %swap3A_44 = arith.constant 16 : index
      %swap3A_45 = tpu.vector_load %arg10[%swap3A_43, %swap3A_44] {strides = array<i32>} : memref<80x128xf32, #tpu.memory_space<vmem>>, vector<16xf32>,
      tpu.vector_store %arg10[%swap3A_43, %swap3A_44], %broadcast_in_dim3A_42 {strides = array<i32>} : memref<80x128xf32, #tpu.memory_space<vmem>>, vector<16xf32>,
      %broadcast_in_dim3A_46 = arith.constant 0.000000e+00 : f32
      %broadcast_in_dim3A_47 = vector.broadcast %broadcast_in_dim3A_46 : f32 to vector<16xf32>
      %swap3A_48 = arith.index_cast %add3A_35 : i32 to index
      %swap3A_49 = arith.constant 32 : index
      %swap3A_50 = tpu.vector_load %arg10[%swap3A_48, %swap3A_49] {strides = array<i32>} : memref<80x128xf32, #tpu.memory_space<vmem>>, vector<16xf32>,
      tpu.vector_store %arg10[%swap3A_48, %swap3A_49], %broadcast_in_dim3A_47 {strides = array<i32>} : memref<80x128xf32, #tpu.memory_space<vmem>>, vector<16xf32>,
      %broadcast_in_dim3A_51 = arith.constant 0.000000e+00 : f32
      %broadcast_in_dim3A_52 = vector.broadcast %broadcast_in_dim3A_51 : f32 to vector<16xf32>
      %swap3A_53 = arith.index_cast %add3A_35 : i32 to index
      %swap3A_54 = arith.constant 48 : index
      %swap3A_55 = tpu.vector_load %arg10[%swap3A_53, %swap3A_54] {strides = array<i32>} : memref<80x128xf32, #tpu.memory_space<vmem>>, vector<16xf32>,
      tpu.vector_store %arg10[%swap3A_53, %swap3A_54], %broadcast_in_dim3A_52 {strides = array<i32>} : memref<80x128xf32, #tpu.memory_space<vmem>>, vector<16xf32>,
      %broadcast_in_dim3A_56 = arith.constant 0.000000e+00 : f32
      %broadcast_in_dim3A_57 = vector.broadcast %broadcast_in_dim3A_56 : f32 to vector<16xf32>
      %swap3A_58 = arith.index_cast %add3A_35 : i32 to index
      %swap3A_59 = arith.constant 64 : index
      %swap3A_60 = tpu.vector_load %arg10[%swap3A_58, %swap3A_59] {strides = array<i32>} : memref<80x128xf32, #tpu.memory_space<vmem>>, vector<16xf32>,
      tpu.vector_store %arg10[%swap3A_58, %swap3A_59], %broadcast_in_dim3A_57 {strides = array<i32>} : memref<80x128xf32, #tpu.memory_space<vmem>>, vector<16xf32>,
      %broadcast_in_dim3A_61 = arith.constant 0.000000e+00 : f32
      %broadcast_in_dim3A_62 = vector.broadcast %broadcast_in_dim3A_61 : f32 to vector<16xf32>
      %swap3A_63 = arith.index_cast %add3A_35 : i32 to index
      %swap3A_64 = arith.constant 80 : index
      %swap3A_65 = tpu.vector_load %arg10[%swap3A_63, %swap3A_64] {strides = array<i32>} : memref<80x128xf32, #tpu.memory_space<vmem>>, vector<16xf32>,
      tpu.vector_store %arg10[%swap3A_63, %swap3A_64], %broadcast_in_dim3A_62 {strides = array<i32>} : memref<80x128xf32, #tpu.memory_space<vmem>>, vector<16xf32>,
      %broadcast_in_dim3A_66 = arith.constant 0.000000e+00 : f32
      %broadcast_in_dim3A_67 = vector.broadcast %broadcast_in_dim3A_66 : f32 to vector<16xf32>
      %swap3A_68 = arith.index_cast %add3A_35 : i32 to index
      %swap3A_69 = arith.constant 96 : index
      %swap3A_70 = tpu.vector_load %arg10[%swap3A_68, %swap3A_69] {strides = array<i32>} : memref<80x128xf32, #tpu.memory_space<vmem>>, vector<16xf32>,
      tpu.vector_store %arg10[%swap3A_68, %swap3A_69], %broadcast_in_dim3A_67 {strides = array<i32>} : memref<80x128xf32, #tpu.memory_space<vmem>>, vector<16xf32>,
      %broadcast_in_dim3A_71 = arith.constant 0.000000e+00 : f32
      %broadcast_in_dim3A_72 = vector.broadcast %broadcast_in_dim3A_71 : f32 to vector<16xf32>
      %swap3A_73 = arith.index_cast %add3A_35 : i32 to index
      %swap3A_74 = arith.constant 112 : index
      %swap3A_75 = tpu.vector_load %arg10[%swap3A_73, %swap3A_74] {strides = array<i32>} : memref<80x128xf32, #tpu.memory_space<vmem>>, vector<16xf32>,
      tpu.vector_store %arg10[%swap3A_73, %swap3A_74], %broadcast_in_dim3A_72 {strides = array<i32>} : memref<80x128xf32, #tpu.memory_space<vmem>>, vector<16xf32>,
    }
    %scan3A_8 = arith.constant 80 : i32
    %scan3A_9 = arith.constant 0 : i32
    %scan3A_10 = arith.constant 16 : i32
    %scan3A_11 = arith.addi %scan3A_9, %scan3A_10 : i32
    %scan3A_12 = arith.constant 1 : i32
    scf.for %scan3A_32 = %scan3A_9 to %scan3A_11 step %scan3A_12  : i32 {
      %mul3A_33 = arith.constant 1 : i32
      %mul3A_34 = arith.muli %scan3A_32, %mul3A_33 : i32
      %add3A = arith.constant 0 : i32
      %add3A_35 = arith.addi %add3A, %mul3A_34 : i32
      %mul3A_36 = arith.constant 40 : i32
      %mul3A_37 = arith.muli %add3A_35, %mul3A_36 : i32
      %add3A_38 = arith.addi %mul3A_0, %mul3A_37 : i32
      "tpu.region"() ({
        %run_scoped3A = tpu.sem_alloc : memref<!tpu.dma_semaphore, #tpu.memory_space<semaphore_mem>>
        %dma_start3A = arith.constant 0 : i32
        %dma_start3A_39 = arith.constant 0 : i32
        %dma_start3A_40 = tpu.memref_slice %arg10[%dma_start3A, %dma_start3A_39] : memref<80x128xf32, #tpu.memory_space<vmem>> -> memref<40x128xf32, #tpu.memory_space<vmem>>
        %dma_start3A_41 = arith.constant 0 : i32
        %dma_start3A_42 = tpu.memref_slice %arg15[%add3A_38, %dma_start3A_41] : memref<10240x128xf32, #tpu.memory_space<vmem_shared>> -> memref<40x128xf32, #tpu.memory_space<vmem_shared>>
        %dma_start3A_43 = arith.constant 0 : i32
        %dma_start3A_44 = tpu.memref_slice %arg15[%add3A_38, %dma_start3A_43] : memref<10240x128xf32, #tpu.memory_space<vmem_shared>> -> memref<40x128xf32, #tpu.memory_space<vmem_shared>>
        %dma_start3A_45 = arith.constant 0 : i32
        %dma_start3A_46 = arith.constant 0 : i32
        %dma_start3A_47 = tpu.memref_slice %arg10[%dma_start3A_45, %dma_start3A_46] : memref<80x128xf32, #tpu.memory_space<vmem>> -> memref<40x128xf32, #tpu.memory_space<vmem>>
        tpu.enqueue_dma source(%dma_start3A_47 : memref<40x128xf32, #tpu.memory_space<vmem>>) target(%dma_start3A_44 : memref<40x128xf32, #tpu.memory_space<vmem_shared>>) target_semaphore(%run_scoped3A : memref<!tpu.dma_semaphore, #tpu.memory_space<semaphore_mem>>)
        %dma_wait3A = arith.constant 0 : i32
        %dma_wait3A_48 = arith.constant 0 : i32
        %dma_wait3A_49 = tpu.memref_slice %arg10[%dma_wait3A, %dma_wait3A_48] : memref<80x128xf32, #tpu.memory_space<vmem>> -> memref<40x128xf32, #tpu.memory_space<vmem>>
        %dma_wait3A_50 = arith.constant 0 : i32
        %dma_wait3A_51 = tpu.memref_slice %arg15[%add3A_38, %dma_wait3A_50] : memref<10240x128xf32, #tpu.memory_space<vmem_shared>> -> memref<40x128xf32, #tpu.memory_space<vmem_shared>>
        %dma_wait3A_52 = arith.constant 0 : i32
        %dma_wait3A_53 = tpu.memref_slice %arg15[%add3A_38, %dma_wait3A_52] : memref<10240x128xf32, #tpu.memory_space<vmem_shared>> -> memref<40x128xf32, #tpu.memory_space<vmem_shared>>
        %dma_wait3A_54 = arith.constant 0 : i32
        %dma_wait3A_55 = arith.constant 0 : i32
        %dma_wait3A_56 = tpu.memref_slice %arg10[%dma_wait3A_54, %dma_wait3A_55] : memref<80x128xf32, #tpu.memory_space<vmem>> -> memref<40x128xf32, #tpu.memory_space<vmem>>
        tpu.wait_dma2 semaphore(%run_scoped3A : memref<!tpu.dma_semaphore, #tpu.memory_space<semaphore_mem>>) src(%dma_wait3A_56 : memref<40x128xf32, #tpu.memory_space<vmem>>) dst(%dma_wait3A_53 : memref<40x128xf32, #tpu.memory_space<vmem_shared>>)
        tpu.yield
      }) : () -> ()
    }
    %scan3A_13 = arith.constant 16 : i32
    %barrier3A = arith.constant 0 : index
    tpu.barrier barrier_id(%barrier3A)
    "tpu.region"() ({
      %run_scoped3A = tpu.sem_alloc : memref<!tpu.dma_semaphore, #tpu.memory_space<semaphore_mem>>
      tpu.enqueue_dma source(%arg3 : memref<512xf32, #tpu.memory_space<hbm>>) target(%arg13 : memref<512xf32, #tpu.memory_space<vmem>>) target_semaphore(%run_scoped3A : memref<!tpu.dma_semaphore, #tpu.memory_space<semaphore_mem>>)
      tpu.wait_dma2 semaphore(%run_scoped3A : memref<!tpu.dma_semaphore, #tpu.memory_space<semaphore_mem>>) src(%arg3 : memref<512xf32, #tpu.memory_space<hbm>>) dst(%arg13 : memref<512xf32, #tpu.memory_space<vmem>>)
      tpu.yield
    }) : () -> ()
    %get3A = arith.constant 0 : index
    %get3A_14 = tpu.vector_load %arg13[%get3A] {strides = array<i32>} : memref<512xf32, #tpu.memory_space<vmem>>, vector<16xf32>,
    %swap3A = arith.constant 0 : index
    %swap3A_15 = tpu.vector_load %arg14[%swap3A] {strides = array<i32>} : memref<16xf32, #tpu.memory_space<vmem>>, vector<16xf32>,
    tpu.vector_store %arg14[%swap3A], %get3A_14 {strides = array<i32>} : memref<16xf32, #tpu.memory_space<vmem>>, vector<16xf32>,
    %scan3A_16 = arith.constant 0 : i32
    %scan3A_17 = arith.constant 31 : i32
    %scan3A_18 = arith.addi %scan3A_16, %scan3A_17 : i32
    %scan3A_19 = arith.constant 1 : i32
    scf.for %scan3A_32 = %scan3A_16 to %scan3A_18 step %scan3A_19  : i32 {
      %mul3A_33 = arith.constant 1 : i32
      %mul3A_34 = arith.muli %scan3A_32, %mul3A_33 : i32
      %add3A = arith.constant 1 : i32
      %add3A_35 = arith.addi %add3A, %mul3A_34 : i32
      %get3A_36 = arith.constant 0 : index
      %get3A_37 = tpu.vector_load %arg14[%get3A_36] {strides = array<i32>} : memref<16xf32, #tpu.memory_space<vmem>>, vector<16xf32>,
      %mul3A_38 = arith.constant 16 : i32
      %mul3A_39 = arith.muli %add3A_35, %mul3A_38 : i32
      %get3A_40 = arith.index_cast %mul3A_39 : i32 to index
      %get3A_41 = tpu.vector_load %arg13[%get3A_40] {strides = array<i32>} : memref<512xf32, #tpu.memory_space<vmem>>, vector<16xf32>,
      %max3A = arith.maximumf %get3A_37, %get3A_41 : vector<16xf32>
      %swap3A_42 = arith.constant 0 : index
      %swap3A_43 = tpu.vector_load %arg14[%swap3A_42] {strides = array<i32>} : memref<16xf32, #tpu.memory_space<vmem>>, vector<16xf32>,
      tpu.vector_store %arg14[%swap3A_42], %max3A {strides = array<i32>} : memref<16xf32, #tpu.memory_space<vmem>>, vector<16xf32>,
    }
    %scan3A_20 = arith.constant 31 : i32
    %get3A_21 = arith.constant 0 : index
    %get3A_22 = tpu.vector_load %arg14[%get3A_21] {strides = array<i32>} : memref<16xf32, #tpu.memory_space<vmem>>, vector<16xf32>,
    %reduce_max3A = arith.constant true
    %reduce_max3A_23 = vector.broadcast %reduce_max3A : i1 to vector<16xi1>
    %reduce_max3A_24 = tpu.scan <max>, %get3A_22 masked %reduce_max3A_23 : vector<16xf32>, vector<16xi1> -> vector<16xf32>
    %reduce_max3A_25 = vector.extract %reduce_max3A_24[15] : f32 from vector<16xf32>
    %scan3A_26 = arith.constant 0 : i32
    %scan3A_27 = arith.constant 250 : i32
    %scan3A_28 = arith.addi %scan3A_26, %scan3A_27 : i32
    %scan3A_29 = arith.constant 1 : i32
    scf.for %scan3A_32 = %scan3A_26 to %scan3A_28 step %scan3A_29  : i32 {
      %mul3A_33 = arith.constant 1 : i32
      %mul3A_34 = arith.muli %scan3A_32, %mul3A_33 : i32
      %add3A = arith.constant 0 : i32
      %add3A_35 = arith.addi %add3A, %mul3A_34 : i32
      %mul3A_36 = arith.constant 20000 : i32
      %mul3A_37 = arith.muli %arg1, %mul3A_36 : i32
      %mul3A_38 = arith.constant 80 : i32
      %mul3A_39 = arith.muli %add3A_35, %mul3A_38 : i32
      %add3A_40 = arith.addi %mul3A_37, %mul3A_39 : i32
      %run_scoped3A = arith.constant 0 : i32
      "tpu.region"() ({
        %run_scoped3A_55 = tpu.sem_alloc : memref<!tpu.dma_semaphore, #tpu.memory_space<semaphore_mem>>
        %dma_start3A = arith.constant 0 : i32
        %dma_start3A_56 = tpu.memref_slice %arg9[%run_scoped3A, %dma_start3A] : memref<1x80xi32, #tpu.memory_space<vmem>> -> memref<1x80xi32, #tpu.memory_space<vmem>>
        %dma_start3A_57 = tpu.memref_squeeze %dma_start3A_56 : memref<1x80xi32, #tpu.memory_space<vmem>> -> memref<80xi32, #tpu.memory_space<vmem>>
        %dma_start3A_58 = tpu.memref_slice %arg5[%add3A_40] : memref<320000xi32, #tpu.memory_space<hbm>> -> memref<80xi32, #tpu.memory_space<hbm>>
        %dma_start3A_59 = arith.constant 0 : i32
        %dma_start3A_60 = tpu.memref_slice %arg9[%run_scoped3A, %dma_start3A_59] : memref<1x80xi32, #tpu.memory_space<vmem>> -> memref<1x80xi32, #tpu.memory_space<vmem>>
        %dma_start3A_61 = tpu.memref_squeeze %dma_start3A_60 : memref<1x80xi32, #tpu.memory_space<vmem>> -> memref<80xi32, #tpu.memory_space<vmem>>
        %dma_start3A_62 = tpu.memref_slice %arg5[%add3A_40] : memref<320000xi32, #tpu.memory_space<hbm>> -> memref<80xi32, #tpu.memory_space<hbm>>
        tpu.enqueue_dma source(%dma_start3A_62 : memref<80xi32, #tpu.memory_space<hbm>>) target(%dma_start3A_61 : memref<80xi32, #tpu.memory_space<vmem>>) target_semaphore(%run_scoped3A_55 : memref<!tpu.dma_semaphore, #tpu.memory_space<semaphore_mem>>)
        %dma_wait3A = arith.constant 0 : i32
        %dma_wait3A_63 = tpu.memref_slice %arg9[%run_scoped3A, %dma_wait3A] : memref<1x80xi32, #tpu.memory_space<vmem>> -> memref<1x80xi32, #tpu.memory_space<vmem>>
        %dma_wait3A_64 = tpu.memref_squeeze %dma_wait3A_63 : memref<1x80xi32, #tpu.memory_space<vmem>> -> memref<80xi32, #tpu.memory_space<vmem>>
        %dma_wait3A_65 = tpu.memref_slice %arg5[%add3A_40] : memref<320000xi32, #tpu.memory_space<hbm>> -> memref<80xi32, #tpu.memory_space<hbm>>
        %dma_wait3A_66 = arith.constant 0 : i32
        %dma_wait3A_67 = tpu.memref_slice %arg9[%run_scoped3A, %dma_wait3A_66] : memref<1x80xi32, #tpu.memory_space<vmem>> -> memref<1x80xi32, #tpu.memory_space<vmem>>
        %dma_wait3A_68 = tpu.memref_squeeze %dma_wait3A_67 : memref<1x80xi32, #tpu.memory_space<vmem>> -> memref<80xi32, #tpu.memory_space<vmem>>
        %dma_wait3A_69 = tpu.memref_slice %arg5[%add3A_40] : memref<320000xi32, #tpu.memory_space<hbm>> -> memref<80xi32, #tpu.memory_space<hbm>>
        tpu.wait_dma2 semaphore(%run_scoped3A_55 : memref<!tpu.dma_semaphore, #tpu.memory_space<semaphore_mem>>) src(%dma_wait3A_69 : memref<80xi32, #tpu.memory_space<hbm>>) dst(%dma_wait3A_68 : memref<80xi32, #tpu.memory_space<vmem>>)
        tpu.yield
      }) : () -> ()
      "tpu.region"() ({
        %run_scoped3A_55 = tpu.sem_alloc : memref<!tpu.dma_semaphore, #tpu.memory_space<semaphore_mem>>
        %dma_start3A = tpu.memref_slice %arg2[%add3A_40] : memref<320000xf32, #tpu.memory_space<hbm>> -> memref<80xf32, #tpu.memory_space<hbm>>
        %dma_start3A_56 = tpu.memref_slice %arg2[%add3A_40] : memref<320000xf32, #tpu.memory_space<hbm>> -> memref<80xf32, #tpu.memory_space<hbm>>
        tpu.enqueue_dma source(%dma_start3A_56 : memref<80xf32, #tpu.memory_space<hbm>>) target(%arg11 : memref<80xf32, #tpu.memory_space<vmem>>) target_semaphore(%run_scoped3A_55 : memref<!tpu.dma_semaphore, #tpu.memory_space<semaphore_mem>>)
        %dma_wait3A = tpu.memref_slice %arg2[%add3A_40] : memref<320000xf32, #tpu.memory_space<hbm>> -> memref<80xf32, #tpu.memory_space<hbm>>
        %dma_wait3A_57 = tpu.memref_slice %arg2[%add3A_40] : memref<320000xf32, #tpu.memory_space<hbm>> -> memref<80xf32, #tpu.memory_space<hbm>>
        tpu.wait_dma2 semaphore(%run_scoped3A_55 : memref<!tpu.dma_semaphore, #tpu.memory_space<semaphore_mem>>) src(%dma_wait3A_57 : memref<80xf32, #tpu.memory_space<hbm>>) dst(%arg11 : memref<80xf32, #tpu.memory_space<vmem>>)
        tpu.yield
      }) : () -> ()
      %scan3A_41 = arith.constant 0 : i32
      %scan3A_42 = arith.constant 5 : i32
      %scan3A_43 = arith.addi %scan3A_41, %scan3A_42 : i32
      %scan3A_44 = arith.constant 1 : i32
      scf.for %scan3A_55 = %scan3A_41 to %scan3A_43 step %scan3A_44  : i32 {
        %mul3A_56 = arith.constant 1 : i32
        %mul3A_57 = arith.muli %scan3A_55, %mul3A_56 : i32
        %add3A_58 = arith.constant 0 : i32
        %add3A_59 = arith.addi %add3A_58, %mul3A_57 : i32
        %mul3A_60 = arith.constant 16 : i32
        %mul3A_61 = arith.muli %add3A_59, %mul3A_60 : i32
        %get3A_62 = arith.index_cast %mul3A_61 : i32 to index
        %get3A_63 = tpu.vector_load %arg11[%get3A_62] {strides = array<i32>} : memref<80xf32, #tpu.memory_space<vmem>>, vector<16xf32>,
        %sub3A = vector.broadcast %reduce_max3A_25 : f32 to vector<16xf32>
        %sub3A_64 = arith.subf %get3A_63, %sub3A : vector<16xf32>
        %exp3A = math.exp %sub3A_64 : vector<16xf32>
        %mul3A_65 = arith.constant 16 : i32
        %mul3A_66 = arith.muli %add3A_59, %mul3A_65 : i32
        %swap3A_67 = arith.index_cast %mul3A_66 : i32 to index
        %swap3A_68 = tpu.vector_load %arg12[%swap3A_67] {strides = array<i32>} : memref<80xf32, #tpu.memory_space<vmem>>, vector<16xf32>,
        tpu.vector_store %arg12[%swap3A_67], %exp3A {strides = array<i32>} : memref<80xf32, #tpu.memory_space<vmem>>, vector<16xf32>,
      }
      %scan3A_45 = arith.constant 5 : i32
      %eq3A_46 = arith.constant 0 : i32
      %eq3A_47 = arith.cmpi eq, %arg0, %eq3A_46 : i32
      %convert_element_type3A = arith.extui %eq3A_47 : i1 to i32
      %cond3A = arith.constant 0 : i32
      %cond3A_48 = arith.cmpi ne, %convert_element_type3A, %cond3A : i32
      scf.if %cond3A_48 {
        %run_scoped3A_55 = arith.constant 0 : i32
        "tpu.region"() ({
          %run_scoped3A_73 = tpu.sem_alloc : memref<!tpu.dma_semaphore, #tpu.memory_space<semaphore_mem>>
          %dma_start3A_74 = arith.constant 0 : i32
          %dma_start3A_75 = tpu.memref_slice %arg8[%run_scoped3A_55, %dma_start3A_74] : memref<1x80xi32, #tpu.memory_space<vmem>> -> memref<1x80xi32, #tpu.memory_space<vmem>>
          %dma_start3A_76 = tpu.memref_squeeze %dma_start3A_75 : memref<1x80xi32, #tpu.memory_space<vmem>> -> memref<80xi32, #tpu.memory_space<vmem>>
          %dma_start3A_77 = tpu.memref_slice %arg4[%add3A_40] : memref<320000xi32, #tpu.memory_space<hbm>> -> memref<80xi32, #tpu.memory_space<hbm>>
          %dma_start3A_78 = arith.constant 0 : i32
          %dma_start3A_79 = tpu.memref_slice %arg8[%run_scoped3A_55, %dma_start3A_78] : memref<1x80xi32, #tpu.memory_space<vmem>> -> memref<1x80xi32, #tpu.memory_space<vmem>>
          %dma_start3A_80 = tpu.memref_squeeze %dma_start3A_79 : memref<1x80xi32, #tpu.memory_space<vmem>> -> memref<80xi32, #tpu.memory_space<vmem>>
          %dma_start3A_81 = tpu.memref_slice %arg4[%add3A_40] : memref<320000xi32, #tpu.memory_space<hbm>> -> memref<80xi32, #tpu.memory_space<hbm>>
          tpu.enqueue_dma source(%dma_start3A_81 : memref<80xi32, #tpu.memory_space<hbm>>) target(%dma_start3A_80 : memref<80xi32, #tpu.memory_space<vmem>>) target_semaphore(%run_scoped3A_73 : memref<!tpu.dma_semaphore, #tpu.memory_space<semaphore_mem>>)
          %dma_wait3A_82 = arith.constant 0 : i32
          %dma_wait3A_83 = tpu.memref_slice %arg8[%run_scoped3A_55, %dma_wait3A_82] : memref<1x80xi32, #tpu.memory_space<vmem>> -> memref<1x80xi32, #tpu.memory_space<vmem>>
          %dma_wait3A_84 = tpu.memref_squeeze %dma_wait3A_83 : memref<1x80xi32, #tpu.memory_space<vmem>> -> memref<80xi32, #tpu.memory_space<vmem>>
          %dma_wait3A_85 = tpu.memref_slice %arg4[%add3A_40] : memref<320000xi32, #tpu.memory_space<hbm>> -> memref<80xi32, #tpu.memory_space<hbm>>
          %dma_wait3A_86 = arith.constant 0 : i32
          %dma_wait3A_87 = tpu.memref_slice %arg8[%run_scoped3A_55, %dma_wait3A_86] : memref<1x80xi32, #tpu.memory_space<vmem>> -> memref<1x80xi32, #tpu.memory_space<vmem>>
          %dma_wait3A_88 = tpu.memref_squeeze %dma_wait3A_87 : memref<1x80xi32, #tpu.memory_space<vmem>> -> memref<80xi32, #tpu.memory_space<vmem>>
          %dma_wait3A_89 = tpu.memref_slice %arg4[%add3A_40] : memref<320000xi32, #tpu.memory_space<hbm>> -> memref<80xi32, #tpu.memory_space<hbm>>
          tpu.wait_dma2 semaphore(%run_scoped3A_73 : memref<!tpu.dma_semaphore, #tpu.memory_space<semaphore_mem>>) src(%dma_wait3A_89 : memref<80xi32, #tpu.memory_space<hbm>>) dst(%dma_wait3A_88 : memref<80xi32, #tpu.memory_space<vmem>>)
          tpu.yield
        }) : () -> ()
        %dma_start3A = arith.constant 0 : i32
        %dma_start3A_56 = arith.constant 0 : i32
        %dma_start3A_57 = tpu.memref_slice %arg8[%dma_start3A, %dma_start3A_56] : memref<1x80xi32, #tpu.memory_space<vmem>> -> memref<1x80xi32, #tpu.memory_space<vmem>>
        %dma_start3A_58 = tpu.memref_squeeze %dma_start3A_57 : memref<1x80xi32, #tpu.memory_space<vmem>> -> memref<80xi32, #tpu.memory_space<vmem>>
        %dma_start3A_59 = arith.constant 0 : i32
        %dma_start3A_60 = arith.constant 0 : i32
        %dma_start3A_61 = tpu.memref_slice %arg6[%dma_start3A_59, %dma_start3A_60] : memref<10240x128xf32, #tpu.memory_space<hbm>> -> memref<10240x128xf32, #tpu.memory_space<hbm>>
        tpu.enqueue_indirect_dma source(%dma_start3A_61 : memref<10240x128xf32, #tpu.memory_space<hbm>>) target(%arg10 : memref<80x128xf32, #tpu.memory_space<vmem>>) offsets(%dma_start3A_58 : memref<80xi32, #tpu.memory_space<vmem>>) semaphore(%arg16 : memref<!tpu.dma_semaphore, #tpu.memory_space<semaphore_mem>>)
        %dma_wait3A = arith.constant 0 : i32
        %dma_wait3A_62 = arith.constant 0 : i32
        %dma_wait3A_63 = tpu.memref_slice %arg8[%dma_wait3A, %dma_wait3A_62] : memref<1x80xi32, #tpu.memory_space<vmem>> -> memref<1x80xi32, #tpu.memory_space<vmem>>
        %dma_wait3A_64 = tpu.memref_squeeze %dma_wait3A_63 : memref<1x80xi32, #tpu.memory_space<vmem>> -> memref<80xi32, #tpu.memory_space<vmem>>
        %dma_wait3A_65 = arith.constant 0 : i32
        %dma_wait3A_66 = arith.constant 0 : i32
        %dma_wait3A_67 = tpu.memref_slice %arg6[%dma_wait3A_65, %dma_wait3A_66] : memref<10240x128xf32, #tpu.memory_space<hbm>> -> memref<10240x128xf32, #tpu.memory_space<hbm>>
        tpu.wait_indirect_dma semaphore(%arg16 : memref<!tpu.dma_semaphore, #tpu.memory_space<semaphore_mem>>) src(%dma_wait3A_67 : memref<10240x128xf32, #tpu.memory_space<hbm>>) dst(%arg10 : memref<80x128xf32, #tpu.memory_space<vmem>>)
        %scan3A_68 = arith.constant 0 : i32
        %scan3A_69 = arith.constant 80 : i32
        %scan3A_70 = arith.addi %scan3A_68, %scan3A_69 : i32
        %scan3A_71 = arith.constant 1 : i32
        scf.for %scan3A_73 = %scan3A_68 to %scan3A_70 step %scan3A_71  : i32 {
          %mul3A_74 = arith.constant 1 : i32
          %mul3A_75 = arith.muli %scan3A_73, %mul3A_74 : i32
          %add3A_76 = arith.constant 0 : i32
          %add3A_77 = arith.addi %add3A_76, %mul3A_75 : i32
          %broadcast_in_dim3A_78 = arith.constant 0 : i32
          %broadcast_in_dim3A_79 = vector.broadcast %broadcast_in_dim3A_78 : i32 to vector<16xi32>
          %add3A_80 = vector.broadcast %add3A_77 : i32 to vector<16xi32>
          %add3A_81 = arith.addi %broadcast_in_dim3A_79, %add3A_80 : vector<16xi32>
          %gather3A = tpu.vector_load_idx %arg12[%add3A_81] : memref<80xf32, #tpu.memory_space<vmem>>[vector<16xi32>], vector<16xf32>,
          %get3A_82 = arith.index_cast %add3A_77 : i32 to index
          %get3A_83 = arith.constant 0 : index
          %get3A_84 = tpu.vector_load %arg10[%get3A_82, %get3A_83] {strides = array<i32>} : memref<80x128xf32, #tpu.memory_space<vmem>>, vector<16xf32>,
          %mul3A_85 = arith.mulf %get3A_84, %gather3A : vector<16xf32>
          %swap3A_86 = arith.index_cast %add3A_77 : i32 to index
          %swap3A_87 = arith.constant 0 : index
          %swap3A_88 = tpu.vector_load %arg10[%swap3A_86, %swap3A_87] {strides = array<i32>} : memref<80x128xf32, #tpu.memory_space<vmem>>, vector<16xf32>,
          tpu.vector_store %arg10[%swap3A_86, %swap3A_87], %mul3A_85 {strides = array<i32>} : memref<80x128xf32, #tpu.memory_space<vmem>>, vector<16xf32>,
          %get3A_89 = arith.index_cast %add3A_77 : i32 to index
          %get3A_90 = arith.constant 16 : index
          %get3A_91 = tpu.vector_load %arg10[%get3A_89, %get3A_90] {strides = array<i32>} : memref<80x128xf32, #tpu.memory_space<vmem>>, vector<16xf32>,
          %mul3A_92 = arith.mulf %get3A_91, %gather3A : vector<16xf32>
          %swap3A_93 = arith.index_cast %add3A_77 : i32 to index
          %swap3A_94 = arith.constant 16 : index
          %swap3A_95 = tpu.vector_load %arg10[%swap3A_93, %swap3A_94] {strides = array<i32>} : memref<80x128xf32, #tpu.memory_space<vmem>>, vector<16xf32>,
          tpu.vector_store %arg10[%swap3A_93, %swap3A_94], %mul3A_92 {strides = array<i32>} : memref<80x128xf32, #tpu.memory_space<vmem>>, vector<16xf32>,
          %get3A_96 = arith.index_cast %add3A_77 : i32 to index
          %get3A_97 = arith.constant 32 : index
          %get3A_98 = tpu.vector_load %arg10[%get3A_96, %get3A_97] {strides = array<i32>} : memref<80x128xf32, #tpu.memory_space<vmem>>, vector<16xf32>,
          %mul3A_99 = arith.mulf %get3A_98, %gather3A : vector<16xf32>
          %swap3A_100 = arith.index_cast %add3A_77 : i32 to index
          %swap3A_101 = arith.constant 32 : index
          %swap3A_102 = tpu.vector_load %arg10[%swap3A_100, %swap3A_101] {strides = array<i32>} : memref<80x128xf32, #tpu.memory_space<vmem>>, vector<16xf32>,
          tpu.vector_store %arg10[%swap3A_100, %swap3A_101], %mul3A_99 {strides = array<i32>} : memref<80x128xf32, #tpu.memory_space<vmem>>, vector<16xf32>,
          %get3A_103 = arith.index_cast %add3A_77 : i32 to index
          %get3A_104 = arith.constant 48 : index
          %get3A_105 = tpu.vector_load %arg10[%get3A_103, %get3A_104] {strides = array<i32>} : memref<80x128xf32, #tpu.memory_space<vmem>>, vector<16xf32>,
          %mul3A_106 = arith.mulf %get3A_105, %gather3A : vector<16xf32>
          %swap3A_107 = arith.index_cast %add3A_77 : i32 to index
          %swap3A_108 = arith.constant 48 : index
          %swap3A_109 = tpu.vector_load %arg10[%swap3A_107, %swap3A_108] {strides = array<i32>} : memref<80x128xf32, #tpu.memory_space<vmem>>, vector<16xf32>,
          tpu.vector_store %arg10[%swap3A_107, %swap3A_108], %mul3A_106 {strides = array<i32>} : memref<80x128xf32, #tpu.memory_space<vmem>>, vector<16xf32>,
          %get3A_110 = arith.index_cast %add3A_77 : i32 to index
          %get3A_111 = arith.constant 64 : index
          %get3A_112 = tpu.vector_load %arg10[%get3A_110, %get3A_111] {strides = array<i32>} : memref<80x128xf32, #tpu.memory_space<vmem>>, vector<16xf32>,
          %mul3A_113 = arith.mulf %get3A_112, %gather3A : vector<16xf32>
          %swap3A_114 = arith.index_cast %add3A_77 : i32 to index
          %swap3A_115 = arith.constant 64 : index
          %swap3A_116 = tpu.vector_load %arg10[%swap3A_114, %swap3A_115] {strides = array<i32>} : memref<80x128xf32, #tpu.memory_space<vmem>>, vector<16xf32>,
          tpu.vector_store %arg10[%swap3A_114, %swap3A_115], %mul3A_113 {strides = array<i32>} : memref<80x128xf32, #tpu.memory_space<vmem>>, vector<16xf32>,
          %get3A_117 = arith.index_cast %add3A_77 : i32 to index
          %get3A_118 = arith.constant 80 : index
          %get3A_119 = tpu.vector_load %arg10[%get3A_117, %get3A_118] {strides = array<i32>} : memref<80x128xf32, #tpu.memory_space<vmem>>, vector<16xf32>,
          %mul3A_120 = arith.mulf %get3A_119, %gather3A : vector<16xf32>
          %swap3A_121 = arith.index_cast %add3A_77 : i32 to index
          %swap3A_122 = arith.constant 80 : index
          %swap3A_123 = tpu.vector_load %arg10[%swap3A_121, %swap3A_122] {strides = array<i32>} : memref<80x128xf32, #tpu.memory_space<vmem>>, vector<16xf32>,
          tpu.vector_store %arg10[%swap3A_121, %swap3A_122], %mul3A_120 {strides = array<i32>} : memref<80x128xf32, #tpu.memory_space<vmem>>, vector<16xf32>,
          %get3A_124 = arith.index_cast %add3A_77 : i32 to index
          %get3A_125 = arith.constant 96 : index
          %get3A_126 = tpu.vector_load %arg10[%get3A_124, %get3A_125] {strides = array<i32>} : memref<80x128xf32, #tpu.memory_space<vmem>>, vector<16xf32>,
          %mul3A_127 = arith.mulf %get3A_126, %gather3A : vector<16xf32>
          %swap3A_128 = arith.index_cast %add3A_77 : i32 to index
          %swap3A_129 = arith.constant 96 : index
          %swap3A_130 = tpu.vector_load %arg10[%swap3A_128, %swap3A_129] {strides = array<i32>} : memref<80x128xf32, #tpu.memory_space<vmem>>, vector<16xf32>,
          tpu.vector_store %arg10[%swap3A_128, %swap3A_129], %mul3A_127 {strides = array<i32>} : memref<80x128xf32, #tpu.memory_space<vmem>>, vector<16xf32>,
          %get3A_131 = arith.index_cast %add3A_77 : i32 to index
          %get3A_132 = arith.constant 112 : index
          %get3A_133 = tpu.vector_load %arg10[%get3A_131, %get3A_132] {strides = array<i32>} : memref<80x128xf32, #tpu.memory_space<vmem>>, vector<16xf32>,
          %mul3A_134 = arith.mulf %get3A_133, %gather3A : vector<16xf32>
          %swap3A_135 = arith.index_cast %add3A_77 : i32 to index
          %swap3A_136 = arith.constant 112 : index
          %swap3A_137 = tpu.vector_load %arg10[%swap3A_135, %swap3A_136] {strides = array<i32>} : memref<80x128xf32, #tpu.memory_space<vmem>>, vector<16xf32>,
          tpu.vector_store %arg10[%swap3A_135, %swap3A_136], %mul3A_134 {strides = array<i32>} : memref<80x128xf32, #tpu.memory_space<vmem>>, vector<16xf32>,
        }
        %scan3A_72 = arith.constant 80 : i32
      } else {
      }
      %eq3A_49 = arith.constant 1 : i32
      %eq3A_50 = arith.cmpi eq, %arg0, %eq3A_49 : i32
      %convert_element_type3A_51 = arith.extui %eq3A_50 : i1 to i32
      %cond3A_52 = arith.constant 0 : i32
      %cond3A_53 = arith.cmpi ne, %convert_element_type3A_51, %cond3A_52 : i32
      scf.if %cond3A_53 {
        %scan3A_55 = arith.constant 0 : i32
        %scan3A_56 = arith.constant 80 : i32
        %scan3A_57 = arith.addi %scan3A_55, %scan3A_56 : i32
        %scan3A_58 = arith.constant 1 : i32
        scf.for %scan3A_60 = %scan3A_55 to %scan3A_57 step %scan3A_58  : i32 {
          %mul3A_61 = arith.constant 1 : i32
          %mul3A_62 = arith.muli %scan3A_60, %mul3A_61 : i32
          %add3A_63 = arith.constant 0 : i32
          %add3A_64 = arith.addi %add3A_63, %mul3A_62 : i32
          %broadcast_in_dim3A_65 = arith.constant 0 : i32
          %broadcast_in_dim3A_66 = vector.broadcast %broadcast_in_dim3A_65 : i32 to vector<16xi32>
          %add3A_67 = vector.broadcast %add3A_64 : i32 to vector<16xi32>
          %add3A_68 = arith.addi %broadcast_in_dim3A_66, %add3A_67 : vector<16xi32>
          %gather3A = tpu.vector_load_idx %arg12[%add3A_68] : memref<80xf32, #tpu.memory_space<vmem>>[vector<16xi32>], vector<16xf32>,
          %mul3A_69 = arith.mulf %select_n3A, %gather3A : vector<16xf32>
          %swap3A_70 = arith.index_cast %add3A_64 : i32 to index
          %swap3A_71 = arith.constant 0 : index
          %swap3A_72 = tpu.vector_load %arg10[%swap3A_70, %swap3A_71] {strides = array<i32>} : memref<80x128xf32, #tpu.memory_space<vmem>>, vector<16xf32>,
          tpu.vector_store %arg10[%swap3A_70, %swap3A_71], %mul3A_69 {strides = array<i32>} : memref<80x128xf32, #tpu.memory_space<vmem>>, vector<16xf32>,
        }
        %scan3A_59 = arith.constant 80 : i32
      } else {
      }
      %run_scoped3A_54 = arith.constant 0 : i32
      "tpu.region"() ({
        %run_scoped3A_55 = tpu.sem_alloc : memref<!tpu.dma_semaphore, #tpu.memory_space<semaphore_mem>>
        %dma_start3A = arith.constant 0 : i32
        %dma_start3A_56 = tpu.memref_slice %arg9[%run_scoped3A_54, %dma_start3A] : memref<1x80xi32, #tpu.memory_space<vmem>> -> memref<1x80xi32, #tpu.memory_space<vmem>>
        %dma_start3A_57 = tpu.memref_squeeze %dma_start3A_56 : memref<1x80xi32, #tpu.memory_space<vmem>> -> memref<80xi32, #tpu.memory_space<vmem>>
        %dma_start3A_58 = arith.constant 0 : i32
        %dma_start3A_59 = arith.constant 0 : i32
        %dma_start3A_60 = tpu.memref_slice %arg15[%dma_start3A_58, %dma_start3A_59] : memref<10240x128xf32, #tpu.memory_space<vmem_shared>> -> memref<10240x128xf32, #tpu.memory_space<vmem_shared>>
        tpu.enqueue_indirect_dma source(%arg10 : memref<80x128xf32, #tpu.memory_space<vmem>>) target(%dma_start3A_60 : memref<10240x128xf32, #tpu.memory_space<vmem_shared>>) offsets(%dma_start3A_57 : memref<80xi32, #tpu.memory_space<vmem>>) semaphore(%run_scoped3A_55 : memref<!tpu.dma_semaphore, #tpu.memory_space<semaphore_mem>>) {add = true}
        %dma_wait3A = arith.constant 0 : i32
        %dma_wait3A_61 = tpu.memref_slice %arg9[%run_scoped3A_54, %dma_wait3A] : memref<1x80xi32, #tpu.memory_space<vmem>> -> memref<1x80xi32, #tpu.memory_space<vmem>>
        %dma_wait3A_62 = tpu.memref_squeeze %dma_wait3A_61 : memref<1x80xi32, #tpu.memory_space<vmem>> -> memref<80xi32, #tpu.memory_space<vmem>>
        %dma_wait3A_63 = arith.constant 0 : i32
        %dma_wait3A_64 = arith.constant 0 : i32
        %dma_wait3A_65 = tpu.memref_slice %arg15[%dma_wait3A_63, %dma_wait3A_64] : memref<10240x128xf32, #tpu.memory_space<vmem_shared>> -> memref<10240x128xf32, #tpu.memory_space<vmem_shared>>
        tpu.wait_indirect_dma semaphore(%run_scoped3A_55 : memref<!tpu.dma_semaphore, #tpu.memory_space<semaphore_mem>>) src(%arg10 : memref<80x128xf32, #tpu.memory_space<vmem>>) dst(%dma_wait3A_65 : memref<10240x128xf32, #tpu.memory_space<vmem_shared>>)
        tpu.yield
      }) : () -> ()
    }
    %scan3A_30 = arith.constant 250 : i32
    %barrier3A_31 = arith.constant 0 : index
    tpu.barrier barrier_id(%barrier3A_31)
    "tpu.region"() ({
      %run_scoped3A = tpu.sem_alloc : memref<!tpu.dma_semaphore, #tpu.memory_space<semaphore_mem>>
      %dma_start3A = arith.constant 0 : i32
      %dma_start3A_32 = tpu.memref_slice %arg7[%arg0, %mul3A_0, %dma_start3A] : memref<2x10240x128xf32, #tpu.memory_space<hbm>> -> memref<1x640x128xf32, #tpu.memory_space<hbm>>
      %dma_start3A_33 = tpu.memref_squeeze %dma_start3A_32 : memref<1x640x128xf32, #tpu.memory_space<hbm>> -> memref<640x128xf32, #tpu.memory_space<hbm>>
      %dma_start3A_34 = arith.constant 0 : i32
      %dma_start3A_35 = tpu.memref_slice %arg15[%mul3A_0, %dma_start3A_34] : memref<10240x128xf32, #tpu.memory_space<vmem_shared>> -> memref<640x128xf32, #tpu.memory_space<vmem_shared>>
      tpu.enqueue_dma source(%dma_start3A_35 : memref<640x128xf32, #tpu.memory_space<vmem_shared>>) target(%dma_start3A_33 : memref<640x128xf32, #tpu.memory_space<hbm>>) target_semaphore(%run_scoped3A : memref<!tpu.dma_semaphore, #tpu.memory_space<semaphore_mem>>)
      %dma_wait3A = arith.constant 0 : i32
      %dma_wait3A_36 = tpu.memref_slice %arg7[%arg0, %mul3A_0, %dma_wait3A] : memref<2x10240x128xf32, #tpu.memory_space<hbm>> -> memref<1x640x128xf32, #tpu.memory_space<hbm>>
      %dma_wait3A_37 = tpu.memref_squeeze %dma_wait3A_36 : memref<1x640x128xf32, #tpu.memory_space<hbm>> -> memref<640x128xf32, #tpu.memory_space<hbm>>
      %dma_wait3A_38 = arith.constant 0 : i32
      %dma_wait3A_39 = tpu.memref_slice %arg15[%mul3A_0, %dma_wait3A_38] : memref<10240x128xf32, #tpu.memory_space<vmem_shared>> -> memref<640x128xf32, #tpu.memory_space<vmem_shared>>
      tpu.wait_dma2 semaphore(%run_scoped3A : memref<!tpu.dma_semaphore, #tpu.memory_space<semaphore_mem>>) src(%dma_wait3A_39 : memref<640x128xf32, #tpu.memory_space<vmem_shared>>) dst(%dma_wait3A_37 : memref<640x128xf32, #tpu.memory_space<hbm>>)
      tpu.yield
    }) : () -> ()
    return
  }
}

module attributes {stable_mosaic.version = 14 : i64} {
  func.func @_te_body(%arg0: i32, %arg1: memref<640x1xf32, #tpu.memory_space<vmem>>, %arg2: memref<1x128xf32, #tpu.memory_space<vmem>>, %arg3: memref<1x128xf32, #tpu.memory_space<vmem>>, %arg4: memref<640x128xf32, #tpu.memory_space<vmem>>) attributes {dimension_semantics = [#tpu.dimension_semantics<arbitrary>], iteration_bounds = array<i64: 500>, scalar_prefetch = 0 : i64, scratch_operands = 0 : i64, tpu.core_type = #tpu.core_type<tc>, window_params = [{transform_indices = @transform_0, window_bounds = array<i64: 640, 1>}, {pipeline_mode = #tpu.pipeline_mode<synchronous>, transform_indices = @transform_1, window_bounds = array<i64: 1, 128>}, {pipeline_mode = #tpu.pipeline_mode<synchronous>, transform_indices = @transform_2, window_bounds = array<i64: 1, 128>}, {transform_indices = @transform_3, window_bounds = array<i64: 640, 128>}]} {
    %get3A = arith.constant 0 : index
    %get3A_0 = arith.constant 0 : index
    %get3A_1 = vector.load %arg1[%get3A, %get3A_0] : memref<640x1xf32, #tpu.memory_space<vmem>>, vector<640x1xf32>
    %get3A_2 = arith.constant 0 : index
    %get3A_3 = arith.constant 0 : index
    %get3A_4 = vector.load %arg2[%get3A_2, %get3A_3] : memref<1x128xf32, #tpu.memory_space<vmem>>, vector<1x128xf32>
    %mul3A = vector.broadcast %get3A_1 : vector<640x1xf32> to vector<640x128xf32>
    %mul3A_5 = vector.broadcast %get3A_4 : vector<1x128xf32> to vector<640x128xf32>
    %mul3A_6 = arith.mulf %mul3A, %mul3A_5 : vector<640x128xf32>
    %get3A_7 = arith.constant 0 : index
    %get3A_8 = arith.constant 0 : index
    %get3A_9 = vector.load %arg3[%get3A_7, %get3A_8] : memref<1x128xf32, #tpu.memory_space<vmem>>, vector<1x128xf32>
    %add3A = vector.broadcast %get3A_9 : vector<1x128xf32> to vector<640x128xf32>
    %add3A_10 = arith.addf %mul3A_6, %add3A : vector<640x128xf32>
    %cos3A = math.cos %add3A_10 : vector<640x128xf32>
    %swap3A = arith.constant 0 : index
    %swap3A_11 = arith.constant 0 : index
    %swap3A_12 = vector.load %arg4[%swap3A, %swap3A_11] : memref<640x128xf32, #tpu.memory_space<vmem>>, vector<640x128xf32>
    tpu.vector_store %arg4[%swap3A, %swap3A_11], %cos3A {strides = array<i32>} : memref<640x128xf32, #tpu.memory_space<vmem>>, vector<640x128xf32>,
    return
  }
  func.func @transform_0(%arg0: i32) -> (i32, i32) {
    %c0_i32 = arith.constant 0 : i32
    %c0_i32_0 = arith.constant 0 : i32
    return %arg0, %c0_i32 : i32, i32
  }
  func.func @transform_1(%arg0: i32) -> (i32, i32) {
    %c0_i32 = arith.constant 0 : i32
    %c0_i32_0 = arith.constant 0 : i32
    %c0_i32_1 = arith.constant 0 : i32
    return %c0_i32, %c0_i32_0 : i32, i32
  }
  func.func @transform_2(%arg0: i32) -> (i32, i32) {
    %c0_i32 = arith.constant 0 : i32
    %c0_i32_0 = arith.constant 0 : i32
    %c0_i32_1 = arith.constant 0 : i32
    return %c0_i32, %c0_i32_0 : i32, i32
  }
  func.func @transform_3(%arg0: i32) -> (i32, i32) {
    %c0_i32 = arith.constant 0 : i32
    %c0_i32_0 = arith.constant 0 : i32
    return %arg0, %c0_i32 : i32, i32
  }
}

module attributes {stable_mosaic.version = 14 : i64} {
  func.func @_dense_body(%arg0: i32, %arg1: memref<2x1280x128xf32, #tpu.memory_space<vmem>>, %arg2: memref<2x1280x128xf32, #tpu.memory_space<vmem>>, %arg3: memref<1280x128xf32, #tpu.memory_space<vmem>>, %arg4: memref<1280x128xf32, #tpu.memory_space<vmem>>, %arg5: memref<400x384xf32, #tpu.memory_space<vmem>>, %arg6: memref<128x384xf32, #tpu.memory_space<vmem>>, %arg7: memref<1x384xf32, #tpu.memory_space<vmem>>, %arg8: memref<1x384xf32, #tpu.memory_space<vmem>>, %arg9: memref<1x128xf32, #tpu.memory_space<vmem>>, %arg10: memref<1x128xf32, #tpu.memory_space<vmem>>, %arg11: memref<128x128xf32, #tpu.memory_space<vmem>>, %arg12: memref<1280x128xf32, #tpu.memory_space<vmem>>, %arg13: memref<1280x128xf32, #tpu.memory_space<vmem>>, %arg14: memref<2x1280xf32, #tpu.memory_space<vmem>>) attributes {dimension_semantics = [#tpu.dimension_semantics<arbitrary>], iteration_bounds = array<i64: 8>, scalar_prefetch = 0 : i64, scratch_operands = 0 : i64, tpu.core_type = #tpu.core_type<tc>, window_params = [{transform_indices = @transform_0, window_bounds = array<i64: 2, 1280, 128>}, {transform_indices = @transform_1, window_bounds = array<i64: 2, 1280, 128>}, {transform_indices = @transform_2, window_bounds = array<i64: 1280, 128>}, {transform_indices = @transform_3, window_bounds = array<i64: 1280, 128>}, {pipeline_mode = #tpu.pipeline_mode<synchronous>, transform_indices = @transform_4, window_bounds = array<i64: 400, 384>}, {pipeline_mode = #tpu.pipeline_mode<synchronous>, transform_indices = @transform_5, window_bounds = array<i64: 128, 384>}, {pipeline_mode = #tpu.pipeline_mode<synchronous>, transform_indices = @transform_6, window_bounds = array<i64: 1, 384>}, {pipeline_mode = #tpu.pipeline_mode<synchronous>, transform_indices = @transform_7, window_bounds = array<i64: 1, 384>}, {pipeline_mode = #tpu.pipeline_mode<synchronous>, transform_indices = @transform_8, window_bounds = array<i64: 1, 128>}, {pipeline_mode = #tpu.pipeline_mode<synchronous>, transform_indices = @transform_9, window_bounds = array<i64: 1, 128>}, {pipeline_mode = #tpu.pipeline_mode<synchronous>, transform_indices = @transform_10, window_bounds = array<i64: 128, 128>}, {transform_indices = @transform_11, window_bounds = array<i64: 1280, 128>}, {transform_indices = @transform_12, window_bounds = array<i64: 1280, 128>}, {transform_indices = @transform_13, window_bounds = array<i64: 2, 1280>}]} {
    %get3A = arith.constant 0 : index
    %get3A_0 = arith.constant 0 : index
    %get3A_1 = arith.constant 0 : index
    %get3A_2 = vector.load %arg1[%get3A, %get3A_0, %get3A_1] : memref<2x1280x128xf32, #tpu.memory_space<vmem>>, vector<1x1280x128xf32>
    %get3A_3 = vector.shape_cast %get3A_2 : vector<1x1280x128xf32> to vector<1280x128xf32>
    %get3A_4 = arith.constant 1 : index
    %get3A_5 = arith.constant 0 : index
    %get3A_6 = arith.constant 0 : index
    %get3A_7 = vector.load %arg1[%get3A_4, %get3A_5, %get3A_6] : memref<2x1280x128xf32, #tpu.memory_space<vmem>>, vector<1x1280x128xf32>
    %get3A_8 = vector.shape_cast %get3A_7 : vector<1x1280x128xf32> to vector<1280x128xf32>
    %slice3A = vector.extract_strided_slice %get3A_8 {offsets = [0, 0], sizes = [1280, 16], strides = [1, 1]} : vector<1280x128xf32> to vector<1280x16xf32>
    %get3A_9 = arith.constant 1 : index
    %get3A_10 = arith.constant 0 : index
    %get3A_11 = arith.constant 0 : index
    %get3A_12 = vector.load %arg1[%get3A_9, %get3A_10, %get3A_11] : memref<2x1280x128xf32, #tpu.memory_space<vmem>>, vector<1x1280x128xf32>
    %get3A_13 = vector.shape_cast %get3A_12 : vector<1x1280x128xf32> to vector<1280x128xf32>
    %slice3A_14 = vector.extract_strided_slice %get3A_13 {offsets = [0, 16], sizes = [1280, 1], strides = [1, 1]} : vector<1280x128xf32> to vector<1280x1xf32>
    %squeeze3A = vector.shape_cast %slice3A_14 : vector<1280x1xf32> to vector<1280xf32>
    %get3A_15 = arith.constant 0 : index
    %get3A_16 = arith.constant 0 : index
    %get3A_17 = arith.constant 0 : index
    %get3A_18 = vector.load %arg2[%get3A_15, %get3A_16, %get3A_17] : memref<2x1280x128xf32, #tpu.memory_space<vmem>>, vector<1x1280x128xf32>
    %get3A_19 = vector.shape_cast %get3A_18 : vector<1x1280x128xf32> to vector<1280x128xf32>
    %get3A_20 = arith.constant 1 : index
    %get3A_21 = arith.constant 0 : index
    %get3A_22 = arith.constant 0 : index
    %get3A_23 = vector.load %arg2[%get3A_20, %get3A_21, %get3A_22] : memref<2x1280x128xf32, #tpu.memory_space<vmem>>, vector<1x1280x128xf32>
    %get3A_24 = vector.shape_cast %get3A_23 : vector<1x1280x128xf32> to vector<1280x128xf32>
    %add3A = arith.addf %get3A_19, %get3A_24 : vector<1280x128xf32>
    %max3A = arith.constant 1.000000e+00 : f32
    %max3A_25 = vector.broadcast %max3A : f32 to vector<1280xf32>
    %max3A_26 = arith.maximumf %squeeze3A, %max3A_25 : vector<1280xf32>
    %div3A = arith.constant 1.000000e+00 : f32
    %div3A_27 = vector.broadcast %div3A : f32 to vector<1280xf32>
    %div3A_28 = arith.divf %div3A_27, %max3A_26 : vector<1280xf32>
    %broadcast_in_dim3A = vector.shape_cast %div3A_28 : vector<1280xf32> to vector<1280x1xf32>
    %gt3A = arith.constant 0.000000e+00 : f32
    %gt3A_29 = vector.broadcast %gt3A : f32 to vector<1280xf32>
    %gt3A_30 = arith.cmpf ogt, %squeeze3A, %gt3A_29 : vector<1280xf32>
    %convert_element_type3A = arith.extui %gt3A_30 : vector<1280xi1> to vector<1280xi32>
    %convert_element_type3A_31 = arith.sitofp %convert_element_type3A : vector<1280xi32> to vector<1280xf32>
    %broadcast_in_dim3A_32 = vector.shape_cast %convert_element_type3A_31 : vector<1280xf32> to vector<1280x1xf32>
    %get3A_33 = arith.constant 0 : index
    %get3A_34 = arith.constant 0 : index
    %get3A_35 = vector.load %arg3[%get3A_33, %get3A_34] : memref<1280x128xf32, #tpu.memory_space<vmem>>, vector<1280x128xf32>
    %get3A_36 = arith.constant 0 : index
    %get3A_37 = arith.constant 0 : index
    %get3A_38 = vector.load %arg5[%get3A_36, %get3A_37] : memref<400x384xf32, #tpu.memory_space<vmem>>, vector<400x384xf32>
    %mul3A = vector.broadcast %broadcast_in_dim3A : vector<1280x1xf32> to vector<1280x128xf32>
    %mul3A_39 = arith.mulf %get3A_3, %mul3A : vector<1280x128xf32>
    %slice3A_40 = vector.extract_strided_slice %get3A_38 {offsets = [0, 0], sizes = [128, 384], strides = [1, 1]} : vector<400x384xf32> to vector<128x384xf32>
    %dot_general3A = arith.constant dense<0.000000e+00> : vector<1280x384xf32>
    %dot_general3A_41 = tpu.matmul %mul3A_39, %slice3A_40, %dot_general3A {dimension_numbers = #tpu.dot_dimension_numbers<[1], [0], [0], [1], [0, 0, 1, 1], [], []>, precision = #tpu.contract_precision<fp32>, transpose_lhs_hint = false} : vector<1280x128xf32>, vector<128x384xf32>, vector<1280x384xf32> -> vector<1280x384xf32>
    %mul3A_42 = vector.broadcast %broadcast_in_dim3A_32 : vector<1280x1xf32> to vector<1280x128xf32>
    %mul3A_43 = arith.mulf %get3A_35, %mul3A_42 : vector<1280x128xf32>
    %slice3A_44 = vector.extract_strided_slice %get3A_38 {offsets = [128, 0], sizes = [128, 384], strides = [1, 1]} : vector<400x384xf32> to vector<128x384xf32>
    %dot_general3A_45 = arith.constant dense<0.000000e+00> : vector<1280x384xf32>
    %dot_general3A_46 = tpu.matmul %mul3A_43, %slice3A_44, %dot_general3A_45 {dimension_numbers = #tpu.dot_dimension_numbers<[1], [0], [0], [1], [0, 0, 1, 1], [], []>, precision = #tpu.contract_precision<fp32>, transpose_lhs_hint = false} : vector<1280x128xf32>, vector<128x384xf32>, vector<1280x384xf32> -> vector<1280x384xf32>
    %add3A_47 = arith.addf %dot_general3A_41, %dot_general3A_46 : vector<1280x384xf32>
    %mul3A_48 = vector.broadcast %broadcast_in_dim3A : vector<1280x1xf32> to vector<1280x16xf32>
    %mul3A_49 = arith.mulf %slice3A, %mul3A_48 : vector<1280x16xf32>
    %slice3A_50 = vector.extract_strided_slice %get3A_38 {offsets = [256, 0], sizes = [16, 384], strides = [1, 1]} : vector<400x384xf32> to vector<16x384xf32>
    %dot_general3A_51 = arith.constant dense<0.000000e+00> : vector<1280x384xf32>
    %dot_general3A_52 = tpu.matmul %mul3A_49, %slice3A_50, %dot_general3A_51 {dimension_numbers = #tpu.dot_dimension_numbers<[1], [0], [0], [1], [0, 0, 1, 1], [], []>, precision = #tpu.contract_precision<fp32>, transpose_lhs_hint = false} : vector<1280x16xf32>, vector<16x384xf32>, vector<1280x384xf32> -> vector<1280x384xf32>
    %add3A_53 = arith.addf %add3A_47, %dot_general3A_52 : vector<1280x384xf32>
    %mul3A_54 = vector.broadcast %broadcast_in_dim3A : vector<1280x1xf32> to vector<1280x128xf32>
    %mul3A_55 = arith.mulf %add3A, %mul3A_54 : vector<1280x128xf32>
    %slice3A_56 = vector.extract_strided_slice %get3A_38 {offsets = [272, 0], sizes = [128, 384], strides = [1, 1]} : vector<400x384xf32> to vector<128x384xf32>
    %dot_general3A_57 = arith.constant dense<0.000000e+00> : vector<1280x384xf32>
    %dot_general3A_58 = tpu.matmul %mul3A_55, %slice3A_56, %dot_general3A_57 {dimension_numbers = #tpu.dot_dimension_numbers<[1], [0], [0], [1], [0, 0, 1, 1], [], []>, precision = #tpu.contract_precision<fp32>, transpose_lhs_hint = false} : vector<1280x128xf32>, vector<128x384xf32>, vector<1280x384xf32> -> vector<1280x384xf32>
    %add3A_59 = arith.addf %add3A_53, %dot_general3A_58 : vector<1280x384xf32>
    %get3A_60 = arith.constant 0 : index
    %get3A_61 = arith.constant 0 : index
    %get3A_62 = vector.load %arg7[%get3A_60, %get3A_61] : memref<1x384xf32, #tpu.memory_space<vmem>>, vector<1x384xf32>
    %add3A_63 = vector.broadcast %get3A_62 : vector<1x384xf32> to vector<1280x384xf32>
    %add3A_64 = arith.addf %add3A_59, %add3A_63 : vector<1280x384xf32>
    %get3A_65 = arith.constant 0 : index
    %get3A_66 = arith.constant 0 : index
    %get3A_67 = vector.load %arg6[%get3A_65, %get3A_66] : memref<128x384xf32, #tpu.memory_space<vmem>>, vector<128x384xf32>
    %dot_general3A_68 = arith.constant dense<0.000000e+00> : vector<1280x384xf32>
    %dot_general3A_69 = tpu.matmul %get3A_35, %get3A_67, %dot_general3A_68 {dimension_numbers = #tpu.dot_dimension_numbers<[1], [0], [0], [1], [0, 0, 1, 1], [], []>, precision = #tpu.contract_precision<fp32>, transpose_lhs_hint = false} : vector<1280x128xf32>, vector<128x384xf32>, vector<1280x384xf32> -> vector<1280x384xf32>
    %get3A_70 = arith.constant 0 : index
    %get3A_71 = arith.constant 0 : index
    %get3A_72 = vector.load %arg8[%get3A_70, %get3A_71] : memref<1x384xf32, #tpu.memory_space<vmem>>, vector<1x384xf32>
    %add3A_73 = vector.broadcast %get3A_72 : vector<1x384xf32> to vector<1280x384xf32>
    %add3A_74 = arith.addf %dot_general3A_69, %add3A_73 : vector<1280x384xf32>
    %slice3A_75 = vector.extract_strided_slice %add3A_64 {offsets = [0, 0], sizes = [1280, 128], strides = [1, 1]} : vector<1280x384xf32> to vector<1280x128xf32>
    %slice3A_76 = vector.extract_strided_slice %add3A_74 {offsets = [0, 0], sizes = [1280, 128], strides = [1, 1]} : vector<1280x384xf32> to vector<1280x128xf32>
    %add3A_77 = arith.addf %slice3A_75, %slice3A_76 : vector<1280x128xf32>
    %logistic3A = arith.negf %add3A_77 : vector<1280x128xf32>
    %logistic3A_78 = math.exp %logistic3A : vector<1280x128xf32>
    %logistic3A_79 = arith.constant 1.000000e+00 : f32
    %logistic3A_80 = vector.broadcast %logistic3A_79 : f32 to vector<1280x128xf32>
    %logistic3A_81 = arith.addf %logistic3A_80, %logistic3A_78 : vector<1280x128xf32>
    %logistic3A_82 = arith.divf %logistic3A_80, %logistic3A_81 : vector<1280x128xf32>
    %slice3A_83 = vector.extract_strided_slice %add3A_64 {offsets = [0, 128], sizes = [1280, 128], strides = [1, 1]} : vector<1280x384xf32> to vector<1280x128xf32>
    %slice3A_84 = vector.extract_strided_slice %add3A_74 {offsets = [0, 128], sizes = [1280, 128], strides = [1, 1]} : vector<1280x384xf32> to vector<1280x128xf32>
    %add3A_85 = arith.addf %slice3A_83, %slice3A_84 : vector<1280x128xf32>
    %logistic3A_86 = arith.negf %add3A_85 : vector<1280x128xf32>
    %logistic3A_87 = math.exp %logistic3A_86 : vector<1280x128xf32>
    %logistic3A_88 = arith.constant 1.000000e+00 : f32
    %logistic3A_89 = vector.broadcast %logistic3A_88 : f32 to vector<1280x128xf32>
    %logistic3A_90 = arith.addf %logistic3A_89, %logistic3A_87 : vector<1280x128xf32>
    %logistic3A_91 = arith.divf %logistic3A_89, %logistic3A_90 : vector<1280x128xf32>
    %slice3A_92 = vector.extract_strided_slice %add3A_64 {offsets = [0, 256], sizes = [1280, 128], strides = [1, 1]} : vector<1280x384xf32> to vector<1280x128xf32>
    %slice3A_93 = vector.extract_strided_slice %add3A_74 {offsets = [0, 256], sizes = [1280, 128], strides = [1, 1]} : vector<1280x384xf32> to vector<1280x128xf32>
    %mul3A_94 = arith.mulf %logistic3A_82, %slice3A_93 : vector<1280x128xf32>
    %add3A_95 = arith.addf %slice3A_92, %mul3A_94 : vector<1280x128xf32>
    %tanh3A = math.tanh %add3A_95 : vector<1280x128xf32>
    %get3A_96 = arith.constant 0 : index
    %get3A_97 = arith.constant 0 : index
    %get3A_98 = vector.load %arg4[%get3A_96, %get3A_97] : memref<1280x128xf32, #tpu.memory_space<vmem>>, vector<1280x128xf32>
    %sub3A = arith.constant 1.000000e+00 : f32
    %sub3A_99 = vector.broadcast %sub3A : f32 to vector<1280x128xf32>
    %sub3A_100 = arith.subf %sub3A_99, %logistic3A_91 : vector<1280x128xf32>
    %mul3A_101 = arith.mulf %sub3A_100, %tanh3A : vector<1280x128xf32>
    %add3A_102 = arith.addf %get3A_98, %mul3A_101 : vector<1280x128xf32>
    %mul3A_103 = arith.mulf %logistic3A_91, %get3A_35 : vector<1280x128xf32>
    %add3A_104 = arith.addf %add3A_102, %mul3A_103 : vector<1280x128xf32>
    %swap3A = arith.constant 0 : index
    %swap3A_105 = arith.constant 0 : index
    %swap3A_106 = vector.load %arg12[%swap3A, %swap3A_105] : memref<1280x128xf32, #tpu.memory_space<vmem>>, vector<1280x128xf32>
    tpu.vector_store %arg12[%swap3A, %swap3A_105], %add3A_104 {strides = array<i32>} : memref<1280x128xf32, #tpu.memory_space<vmem>>, vector<1280x128xf32>,
    %get3A_107 = arith.constant 0 : index
    %get3A_108 = arith.constant 0 : index
    %get3A_109 = vector.load %arg11[%get3A_107, %get3A_108] : memref<128x128xf32, #tpu.memory_space<vmem>>, vector<128x128xf32>
    %dot_general3A_110 = arith.constant dense<0.000000e+00> : vector<1280x128xf32>
    %dot_general3A_111 = tpu.matmul %add3A_104, %get3A_109, %dot_general3A_110 {dimension_numbers = #tpu.dot_dimension_numbers<[1], [0], [0], [1], [0, 0, 1, 1], [], []>, precision = #tpu.contract_precision<fp32>, transpose_lhs_hint = false} : vector<1280x128xf32>, vector<128x128xf32>, vector<1280x128xf32> -> vector<1280x128xf32>
    %swap3A_112 = arith.constant 0 : index
    %swap3A_113 = arith.constant 0 : index
    %swap3A_114 = vector.load %arg13[%swap3A_112, %swap3A_113] : memref<1280x128xf32, #tpu.memory_space<vmem>>, vector<1280x128xf32>
    tpu.vector_store %arg13[%swap3A_112, %swap3A_113], %dot_general3A_111 {strides = array<i32>} : memref<1280x128xf32, #tpu.memory_space<vmem>>, vector<1280x128xf32>,
    %get3A_115 = arith.constant 0 : index
    %get3A_116 = arith.constant 0 : index
    %get3A_117 = vector.load %arg9[%get3A_115, %get3A_116] : memref<1x128xf32, #tpu.memory_space<vmem>>, vector<1x128xf32>
    %mul3A_118 = vector.broadcast %get3A_117 : vector<1x128xf32> to vector<1280x128xf32>
    %mul3A_119 = arith.mulf %add3A_104, %mul3A_118 : vector<1280x128xf32>
    %reduce_sum3A = arith.constant dense<0.000000e+00> : vector<1280xf32>
    %reduce_sum3A_120 = vector.multi_reduction <add>, %mul3A_119, %reduce_sum3A [1] : vector<1280x128xf32> to vector<1280xf32>
    %get3A_121 = arith.constant 0 : index
    %get3A_122 = arith.constant 0 : index
    %get3A_123 = vector.load %arg10[%get3A_121, %get3A_122] : memref<1x128xf32, #tpu.memory_space<vmem>>, vector<1x128xf32>
    %mul3A_124 = vector.broadcast %get3A_123 : vector<1x128xf32> to vector<1280x128xf32>
    %mul3A_125 = arith.mulf %add3A_104, %mul3A_124 : vector<1280x128xf32>
    %reduce_sum3A_126 = arith.constant dense<0.000000e+00> : vector<1280xf32>
    %reduce_sum3A_127 = vector.multi_reduction <add>, %mul3A_125, %reduce_sum3A_126 [1] : vector<1280x128xf32> to vector<1280xf32>
    %stack3A = vector.shape_cast %reduce_sum3A_120 : vector<1280xf32> to vector<1x1280xf32>
    %stack3A_128 = vector.shape_cast %reduce_sum3A_127 : vector<1280xf32> to vector<1x1280xf32>
    %stack3A_129 = tpu.concatenate %stack3A, %stack3A_128 in 0 : vector<1x1280xf32>, vector<1x1280xf32> -> vector<2x1280xf32>
    %swap3A_130 = arith.constant 0 : index
    %swap3A_131 = arith.constant 0 : index
    %swap3A_132 = vector.load %arg14[%swap3A_130, %swap3A_131] : memref<2x1280xf32, #tpu.memory_space<vmem>>, vector<2x1280xf32>
    tpu.vector_store %arg14[%swap3A_130, %swap3A_131], %stack3A_129 {strides = array<i32>} : memref<2x1280xf32, #tpu.memory_space<vmem>>, vector<2x1280xf32>,
    return
  }
  func.func @transform_0(%arg0: i32) -> (i32, i32, i32) {
    %c0_i32 = arith.constant 0 : i32
    %c0_i32_0 = arith.constant 0 : i32
    %c0_i32_1 = arith.constant 0 : i32
    return %c0_i32, %arg0, %c0_i32_0 : i32, i32, i32
  }
  func.func @transform_1(%arg0: i32) -> (i32, i32, i32) {
    %c0_i32 = arith.constant 0 : i32
    %c0_i32_0 = arith.constant 0 : i32
    %c0_i32_1 = arith.constant 0 : i32
    return %c0_i32, %arg0, %c0_i32_0 : i32, i32, i32
  }
  func.func @transform_2(%arg0: i32) -> (i32, i32) {
    %c0_i32 = arith.constant 0 : i32
    %c0_i32_0 = arith.constant 0 : i32
    return %arg0, %c0_i32 : i32, i32
  }
  func.func @transform_3(%arg0: i32) -> (i32, i32) {
    %c0_i32 = arith.constant 0 : i32
    %c0_i32_0 = arith.constant 0 : i32
    return %arg0, %c0_i32 : i32, i32
  }
  func.func @transform_4(%arg0: i32) -> (i32, i32) {
    %c0_i32 = arith.constant 0 : i32
    %c0_i32_0 = arith.constant 0 : i32
    %c0_i32_1 = arith.constant 0 : i32
    return %c0_i32, %c0_i32_0 : i32, i32
  }
  func.func @transform_5(%arg0: i32) -> (i32, i32) {
    %c0_i32 = arith.constant 0 : i32
    %c0_i32_0 = arith.constant 0 : i32
    %c0_i32_1 = arith.constant 0 : i32
    return %c0_i32, %c0_i32_0 : i32, i32
  }
  func.func @transform_6(%arg0: i32) -> (i32, i32) {
    %c0_i32 = arith.constant 0 : i32
    %c0_i32_0 = arith.constant 0 : i32
    %c0_i32_1 = arith.constant 0 : i32
    return %c0_i32, %c0_i32_0 : i32, i32
  }
  func.func @transform_7(%arg0: i32) -> (i32, i32) {
    %c0_i32 = arith.constant 0 : i32
    %c0_i32_0 = arith.constant 0 : i32
    %c0_i32_1 = arith.constant 0 : i32
    return %c0_i32, %c0_i32_0 : i32, i32
  }
  func.func @transform_8(%arg0: i32) -> (i32, i32) {
    %c0_i32 = arith.constant 0 : i32
    %c0_i32_0 = arith.constant 0 : i32
    %c0_i32_1 = arith.constant 0 : i32
    return %c0_i32, %c0_i32_0 : i32, i32
  }
  func.func @transform_9(%arg0: i32) -> (i32, i32) {
    %c0_i32 = arith.constant 0 : i32
    %c0_i32_0 = arith.constant 0 : i32
    %c0_i32_1 = arith.constant 0 : i32
    return %c0_i32, %c0_i32_0 : i32, i32
  }
  func.func @transform_10(%arg0: i32) -> (i32, i32) {
    %c0_i32 = arith.constant 0 : i32
    %c0_i32_0 = arith.constant 0 : i32
    %c0_i32_1 = arith.constant 0 : i32
    return %c0_i32, %c0_i32_0 : i32, i32
  }
  func.func @transform_11(%arg0: i32) -> (i32, i32) {
    %c0_i32 = arith.constant 0 : i32
    %c0_i32_0 = arith.constant 0 : i32
    return %arg0, %c0_i32 : i32, i32
  }
  func.func @transform_12(%arg0: i32) -> (i32, i32) {
    %c0_i32 = arith.constant 0 : i32
    %c0_i32_0 = arith.constant 0 : i32
    return %arg0, %c0_i32 : i32, i32
  }
  func.func @transform_13(%arg0: i32) -> (i32, i32) {
    %c0_i32 = arith.constant 0 : i32
    %c0_i32_0 = arith.constant 0 : i32
    return %c0_i32, %arg0 : i32, i32
  }
}

module attributes {stable_mosaic.version = 14 : i64} {
  func.func @_final_body(%arg0: i32, %arg1: memref<2x1280x128xf32, #tpu.memory_space<vmem>>, %arg2: memref<1280x128xf32, #tpu.memory_space<vmem>>, %arg3: memref<1280x128xf32, #tpu.memory_space<vmem>>) attributes {dimension_semantics = [#tpu.dimension_semantics<arbitrary>], iteration_bounds = array<i64: 8>, scalar_prefetch = 0 : i64, scratch_operands = 0 : i64, tpu.core_type = #tpu.core_type<tc>, window_params = [{transform_indices = @transform_0, window_bounds = array<i64: 2, 1280, 128>}, {transform_indices = @transform_1, window_bounds = array<i64: 1280, 128>}, {transform_indices = @transform_2, window_bounds = array<i64: 1280, 128>}]} {
    %get3A = arith.constant 0 : index
    %get3A_0 = arith.constant 0 : index
    %get3A_1 = arith.constant 0 : index
    %get3A_2 = vector.load %arg1[%get3A, %get3A_0, %get3A_1] : memref<2x1280x128xf32, #tpu.memory_space<vmem>>, vector<1x1280x128xf32>
    %get3A_3 = vector.shape_cast %get3A_2 : vector<1x1280x128xf32> to vector<1280x128xf32>
    %get3A_4 = arith.constant 1 : index
    %get3A_5 = arith.constant 0 : index
    %get3A_6 = arith.constant 0 : index
    %get3A_7 = vector.load %arg1[%get3A_4, %get3A_5, %get3A_6] : memref<2x1280x128xf32, #tpu.memory_space<vmem>>, vector<1x1280x128xf32>
    %get3A_8 = vector.shape_cast %get3A_7 : vector<1x1280x128xf32> to vector<1280x128xf32>
    %slice3A = vector.extract_strided_slice %get3A_8 {offsets = [0, 0], sizes = [1280, 1], strides = [1, 1]} : vector<1280x128xf32> to vector<1280x1xf32>
    %squeeze3A = vector.shape_cast %slice3A : vector<1280x1xf32> to vector<1280xf32>
    %add3A = arith.constant 1.000000e-16 : f32
    %add3A_9 = vector.broadcast %add3A : f32 to vector<1280xf32>
    %add3A_10 = arith.addf %squeeze3A, %add3A_9 : vector<1280xf32>
    %broadcast_in_dim3A = vector.shape_cast %add3A_10 : vector<1280xf32> to vector<1280x1xf32>
    %div3A = vector.broadcast %broadcast_in_dim3A : vector<1280x1xf32> to vector<1280x128xf32>
    %div3A_11 = arith.divf %get3A_3, %div3A : vector<1280x128xf32>
    %get3A_12 = arith.constant 0 : index
    %get3A_13 = arith.constant 0 : index
    %get3A_14 = vector.load %arg2[%get3A_12, %get3A_13] : memref<1280x128xf32, #tpu.memory_space<vmem>>, vector<1280x128xf32>
    %add3A_15 = arith.addf %div3A_11, %get3A_14 : vector<1280x128xf32>
    %swap3A = arith.constant 0 : index
    %swap3A_16 = arith.constant 0 : index
    %swap3A_17 = vector.load %arg3[%swap3A, %swap3A_16] : memref<1280x128xf32, #tpu.memory_space<vmem>>, vector<1280x128xf32>
    tpu.vector_store %arg3[%swap3A, %swap3A_16], %add3A_15 {strides = array<i32>} : memref<1280x128xf32, #tpu.memory_space<vmem>>, vector<1280x128xf32>,
    return
  }
  func.func @transform_0(%arg0: i32) -> (i32, i32, i32) {
    %c0_i32 = arith.constant 0 : i32
    %c0_i32_0 = arith.constant 0 : i32
    %c0_i32_1 = arith.constant 0 : i32
    return %c0_i32, %arg0, %c0_i32_0 : i32, i32, i32
  }
  func.func @transform_1(%arg0: i32) -> (i32, i32) {
    %c0_i32 = arith.constant 0 : i32
    %c0_i32_0 = arith.constant 0 : i32
    return %arg0, %c0_i32 : i32, i32
  }
  func.func @transform_2(%arg0: i32) -> (i32, i32) {
    %c0_i32 = arith.constant 0 : i32
    %c0_i32_0 = arith.constant 0 : i32
    return %arg0, %c0_i32 : i32, i32
  }
}

</mosaic_0001>

<sc_bundles>
// kernel: kernel.12.cloned.1.call-start
scs
__scs_entry_jumppad:
0x0: {  	(pc) =	sbr.rel $0x88, $3  }
0x1: {  	(tag) =	ssettag $0x0;
	lr =	simm.s32 $0x1  }
0x2: {  	[smem:$0x3F93] =	sst lr;
	_ =	strace $0xD0000000  }
0x3: {  	_ = 	snop  }
0x4: {  	_ = 	snop  }
0x5: {  	_ = 	snop  }
0x6: {  	_ = 	snop  }
0x7: {  	_ = 	snop  }
__scs_overlays_trampoline_lowered:
0x8: {  	[smem:$0x3FA2] =	sst s0  }
0x9: {  	[smem:$0x3FA3] =	sst s1  }
0xa: {  	[smem:$0x3FA4] =	sst s2  }
0xb: {  	[smem:$0x3FA5] =	sst s3  }
0xc: {  	[smem:$0x3FA6] =	sst s4  }
0xd: {  	[smem:$0x3FA7] =	sst s5  }
0xe: {  	[smem:$0x3FA8] =	sst s6  }
0xf: {  	[smem:$0x3FA9] =	sst s7  }
0x10: {  	[smem:$0x3FAA] =	sst s8  }
0x11: {  	[smem:$0x3FAB] =	sst s9;
	s0 =	simm.s32 @!p0 $0x0  }
0x12: {  	s1 =	sld [smem:$0x3F91];
	s0 =	simm.s32 @p0 $0x1  }
0x13: {  	[smem:$0x3FAC] =	sst s0;
	s0 =	simm.s32 @!p1 $0x0  }
0x14: {  	s2 =	sld [smem:$0x3F90];
	s0 =	simm.s32 @p1 $0x1  }
0x15: {  	[smem:$0x3FAD] =	sst s0;
	s0 =	simm.s32 @!p2 $0x0  }
0x16: {  	s3 =	sld [smem:$0x3FDB];
	s0 =	simm.s32 @p2 $0x1  }
0x17: {  	s4 =	simm.s32 $0x1BF5;
	[smem:$0x3FAF] =	sst s0  }
0x18: {  	s0 =	sld [smem:$0x3F92];
	_ =	swait.ge [sflag:s4], $0x0  }
0x19: {  	s7 =	sld [smem:$0x3F93]  }
0x1a: {  	s8 =	sadd.s32 $0xFFFFE003, lr  }
0x1b: {  	s9 =	sadd.s32 $0xFFFFFEF7, lr;
	s5 =	simm.s32 $0xFFFFFFFF;
	p2 =	slt.u32 s8, $0xFFFFF086  }
0x1c: {  	p1 =	slt.u32 s9, $0xF7A;
	s5 =	simm.s32 @!p2 $0x0  }
0x1d: {  	s5 =	simm.s32 @p1 $0x1;
	p0 =	seq.s32 s7, s2  }
0x1e: {  	s7 =	smul.u32 @!p0 $0xF7A, s2;
	p2 =	seq.s32 @!p0 s5, $0x0  }
0x1f: {  	s9 =	smul.u32 $0xF7A, s1;
	s8 =	simm.s32 @!p0 $0x1BF5;
	p2 =	por !p2, p0  }
0x20: {  	[sflag:s8] =	ssyncset.s32 @!p0 $0xFFFFF086;
	s6 =	sadd.s32 @!p0 s3, s7;
	s7 =	simm.s32 @!p0 $0x108  }
0x21: {  	s3 =	sadd.s32 s3, s9;
	s6 =	sadd.s32 @!p0 $0x88, s6;
	s7 =	simm.s32 @p2 $0x1082  }
0x22: {  	[simem:s7], [sflag:s8] =	dma.local @!p0 [hbm:s6], $0xF7A  }
0x23: {  	s9 =	sor.u32 $0xD0000000, s2;
	s6 =	simm.s32 $0x108;
	_ =	swait.ge @!p0 [sflag:s8], $0x0  }
0x24: {  	s3 =	sadd.s32 $0x88, s3;
	s6 =	simm.s32 @!p1 $0x1082;
	[sflag:s4] =	ssyncset.s32 $0xFFFFF086  }
0x25: {  	[simem:s6], [sflag:s4] =	dma.local [hbm:s3], $0xF7A  }
0x26: {  	[smem:$0x3F93] =	sst s1;
	(tag) =	ssettag s2;
	_ =	strace s9  }
0x27: {  	s1 =	sld [smem:$0x3FA3]  }
0x28: {  	s2 =	sld [smem:$0x3FA4]  }
0x29: {  	s4 =	sld [smem:$0x3FA6]  }
0x2a: {  	p0 =	seq.s32 s5, $0x0;
	s5 =	sld [smem:$0x3FA7]  }
0x2b: {  	s6 =	sld [smem:$0x3FA8]  }
0x2c: {  	s7 =	sld [smem:$0x3FA9]  }
0x2d: {  	s3 =	simm.s32 $0x108;
	s8 =	sld [smem:$0x3FAA]  }
0x2e: {  	s3 =	simm.s32 @!p0 $0x1082;
	s9 =	sld [smem:$0x3FAB]  }
0x2f: {  	lr =	sadd.s32 s0, s3;
	s0 =	sld [smem:$0x3FA2]  }
0x30: {  	s3 =	sld [smem:$0x3FA5]  }
0x31: {  	[smem:$0x3FAE] =	sst s10  }
0x32: {  	s10 =	sld [smem:$0x3FAC];
	_ =	sdelay $0x3  }
0x33: {  	p0 =	seq.s32 s10, $0x1;
	s10 =	sld [smem:$0x3FAE];
	_ =	sdelay $0x3  }
0x34: {  	[smem:$0x3FAE] =	sst s10  }
0x35: {  	s10 =	sld [smem:$0x3FAD];
	_ =	sdelay $0x3  }
0x36: {  	p1 =	seq.s32 s10, $0x1;
	s10 =	sld [smem:$0x3FAE];
	_ =	sdelay $0x3  }
0x37: {  	[smem:$0x3FAE] =	sst s10  }
0x38: {  	s10 =	sld [smem:$0x3FAF]  }
0x39: {  	_ = 	snop;
	(pc) =	sbr.ind lr, $3  }
0x3a: {  	_ = 	snop  }
0x3b: {  	_ = 	snop  }
0x3c: {  	p2 =	seq.s32 s10, $0x1;
	s10 =	sld [smem:$0x3FAE]  }
0x3d: {  	_ =	shalt  }
0x3e: {  	_ =	shalt  }
0x3f: {  	_ =	shalt  }
0x40: {  	_ =	shalt  }
0x41: {  	_ =	shalt  }
0x42: {  	_ =	shalt  }
0x43: {  	_ =	shalt  }
0x44: {  	_ =	shalt  }
0x45: {  	_ =	shalt  }
0x46: {  	_ =	shalt  }
0x47: {  	_ =	shalt  }
0x48: {  	_ =	shalt  }
0x49: {  	_ =	shalt  }
0x4a: {  	_ =	shalt  }
0x4b: {  	_ =	shalt  }
0x4c: {  	_ =	shalt  }
0x4d: {  	_ =	shalt  }
0x4e: {  	_ =	shalt  }
0x4f: {  	_ =	shalt  }
0x50: {  	_ =	shalt  }
0x51: {  	_ =	shalt  }
0x52: {  	_ =	shalt  }
0x53: {  	_ =	shalt  }
0x54: {  	_ =	shalt  }
0x55: {  	_ =	shalt  }
0x56: {  	_ =	shalt  }
0x57: {  	_ =	shalt  }
0x58: {  	_ =	shalt  }
0x59: {  	_ =	shalt  }
0x5a: {  	_ =	shalt  }
0x5b: {  	_ =	shalt  }
0x5c: {  	_ =	shalt  }
0x5d: {  	_ =	shalt  }
0x5e: {  	_ =	shalt  }
0x5f: {  	_ =	shalt  }
0x60: {  	_ =	shalt  }
0x61: {  	_ =	shalt  }
0x62: {  	_ =	shalt  }
0x63: {  	_ =	shalt  }
0x64: {  	_ =	shalt  }
0x65: {  	_ =	shalt  }
0x66: {  	_ =	shalt  }
0x67: {  	_ =	shalt  }
0x68: {  	_ =	shalt  }
0x69: {  	_ =	shalt  }
0x6a: {  	_ =	shalt  }
0x6b: {  	_ =	shalt  }
0x6c: {  	_ =	shalt  }
0x6d: {  	_ =	shalt  }
0x6e: {  	_ =	shalt  }
0x6f: {  	_ =	shalt  }
0x70: {  	_ =	shalt  }
0x71: {  	_ =	shalt  }
0x72: {  	_ =	shalt  }
0x73: {  	_ =	shalt  }
0x74: {  	_ =	shalt  }
0x75: {  	_ =	shalt  }
0x76: {  	_ =	shalt  }
0x77: {  	_ =	shalt  }
0x78: {  	_ =	shalt  }
0x79: {  	_ =	shalt  }
0x7a: {  	_ =	shalt  }
0x7b: {  	_ =	shalt  }
0x7c: {  	_ =	shalt  }
0x7d: {  	_ =	shalt  }
0x7e: {  	_ =	shalt  }
0x7f: {  	_ =	shalt  }
0x80: {  	_ =	shalt  }
0x81: {  	_ =	shalt  }
0x82: {  	_ =	shalt  }
0x83: {  	_ =	shalt  }
0x84: {  	_ =	shalt  }
0x85: {  	_ =	shalt  }
0x86: {  	_ =	shalt  }
0x87: {  	_ =	shalt  }
.Lfunc_end0:
.L_simem_size_0:
called_computation.1_lowered:
.L_overlay_start_0:
0x88: {  	s2 =	sld [smem:$0x3FD9]  }
0x89: {  	s3 =	sld [smem:$0x3FFE];
	_ =	sdelay $0x1  }
0x8a: {  	s1 =	srdreg.scid  }
0x8b: {  	s0 =	sand.u32 $0x1, s1  }
0x8c: {  	s17 =	sshll.u32 s0, $0xA;
	s2 =	sadd.s32 s3, s2  }
0x8d: {  	s2 =	sadd.s32 s2, s17  }
0x8e: {  	[smem:$0x3FBA] =	sst s2  }
0x8f: {  	_ = 	snop  }
0x90: {  	s18 =	sld [smem:$0x3FD0];
	(tm) =	ssettm $0x1  }
0x91: {  	s19 =	sld [smem:$0x3FFB];
	_ =	sdelay $0x3  }
0x92: {  	_ =	strace s19  }
0x93: {  	s2 =	sld [smem:$0x3FFC];
	_ =	sdelay $0x3  }
0x94: {  	_ =	strace s2  }
0x95: {  	s2 =	sld [smem:$0x3FFD];
	_ =	sdelay $0x3  }
0x96: {  	_ =	strace s2  }
0x97: {  	_ =	strace $0x8FFFFFFF  }
0x98: {  	s20 =	sld [smem:$0x3FDB];
	_ =	sdelay $0x1  }
0x99: {  	s4 =	simm.s32 $_scs_section_size  }
0x9a: {  	s5 =	simm.s32 $_size__tile_overlayer_lowered;
	s6 =	simm.s32 $_tile_overlayer_lowered  }
0x9b: {  	s7 =	simm.s32 $0x1BFF;
	s21 =	sshll.u32 s6, $0x1;
	s4 =	sadd.s32 s4, s20  }
0x9c: {  	s22 =	simm.s32 $0x0;
	s5 =	sshll.u32 s5, $0x1;
	s6 =	sadd.s32 s21, s4  }
0x9d: {  	[timem:s22], [sflag:s7] =	dma.local [hbm:s6], s5  }
0x9e: {  	_ =	swait.ge [sflag:s7], s5  }
0x9f: {  	s5 =	ssub.s32 $0x0, s5;
	[sflag:s7] =	ssyncset.done $0x0  }
0xa0: {  	[sflag:s7] =	ssyncadd.s32 s5;
	_ =	sdelay $0x1  }
0xa1: {  	s23 =	simm.s32 $0x1B8B  }
0xa2: {  	_ =	swait.ge [sflag:s23], $0x1  }
0xa3: {  	[sflag:s23] =	ssyncset.done $0x0  }
0xa4: {  	[sflag:s23] =	ssyncadd.s32 $0xFFFFFFFF  }
0xa5: {  	s5 =	sld [smem:$0x0]  }
0xa6: {  	s6 =	sand.u32 $0xFFFFFFFE, s1  }
0xa7: {  	p0 =	sne.s32 s1, s6  }
0xa8: {  	s6 =	sshll.u32 @p0 s6, $0xE  }
0xa9: {  	s6 =	sadd.s32 @p0 $0x11B8D, s6;
	s7 =	sshll.u32 @p0 s5, $0x11  }
0xaa: {  	s6 =	sor.u32 @p0 s7, s6  }
0xab: {  	[sflag:s6] =	ssyncadd.remote.s32 @p0 $0x1;
	_ =	sdelay $0x1  }
0xac: {  	s6 =	simm.s32 @p0 $0x1B8D  }
0xad: {  	_ =	swait.eq @p0 [sflag:s6], $0x1  }
0xae: {  	[sflag:s6] =	ssyncadd.s32 @p0 $0xFFFFFFFF  }
0xaf: {  	s7 =	sshll.u32 @!p0 s1, $0xE  }
0xb0: {  	s7 =	sor.u32 @!p0 $0x4000, s7;
	s6 =	simm.s32 @!p0 $0x1B8D  }
0xb1: {  	s5 =	sshll.u32 @!p0 s5, $0x11;
	s7 =	sadd.s32 @!p0 $0x11B8D, s7;
	_ =	swait.eq @!p0 [sflag:s6], $0x1  }
0xb2: {  	s5 =	sor.u32 @!p0 s5, s7;
	[sflag:s6] =	ssyncadd.s32 @!p0 $0xFFFFFFFF  }
0xb3: {  	s25 =	simm.s32 $0x1B8E;
	s24 =	sld [smem:$0x3FFE];
	[sflag:s5] =	ssyncadd.remote.s32 @!p0 $0x1  }
0xb4: {  	s26 =	simm.s32 $execute0_lowered;
	[smem:$0x3FD2] =	sst s25  }
0xb5: {  	s6 =	sshll.u32 s26, $0x1;
	_ =	strace $0x80000049;
	[dreg:$0x1] =	wrdreg $0xFFFFFFFF  }
0xb6: {  	s28 =	simm.s32 $_size_execute0_lowered;
	s4 =	sadd.s32 s4, s6;
	[dreg:$0x0] =	wrdreg $0x0  }
0xb7: {  	s6 =	sshll.u32 s28, $0x1;
	[dreg:$0x2] =	wrdreg s4  }
0xb8: {  	[dreg:$0x3] =	wrdreg s6  }
0xb9: {  	[dreg:$0x4] =	wrdreg $0xC0  }
0xba: {  	_ =	task [dreg:s22], $0x5FFFF  }
0xbb: {  	[dreg:$0x1] =	wrdreg $0xFFFFFFFF  }
0xbc: {  	[dreg:$0x0] =	wrdreg $0x60  }
0xbd: {  	[dreg:$0x2] =	wrdreg s24  }
0xbe: {  	[dreg:$0x3] =	wrdreg s18  }
0xbf: {  	[dreg:$0x4] =	wrdreg $0x68000  }
0xc0: {  	[dreg:$0x5] =	wrdreg $0xA  }
0xc1: {  	_ =	task.clear_ibuf [dreg:s22], $0x6FFFF;
	_ =	strace $0x90000049  }
0xc2: {  	s29 =	simm.s32 $0xA;
	_ =	strace $0x8000004B  }
0xc3: {  	_ =	swait.ge [sflag:s29], $0x1  }
0xc4: {  	[sflag:s29] =	ssyncadd.s32 $0xFFFFFFFF  }
0xc5: {  	_ =	strace $0x9000004B  }
0xc6: {  	_ =	sfence  }
0xc7: {  	s30 =	sld [smem:$0x0];
	_ =	sdelay $0x2  }
0xc8: {  	s31 =	sshll.u32 s1, $0xD;
	s1 =	sshrl.u32 s1, $0x2  }
0xc9: {  	s4 =	sand.u32 $0x4000, s31;
	s1 =	sadd.s32 s1, s30  }
0xca: {  	s0 =	sor.u32 s4, s0;
	s1 =	sshll.u32 s1, $0x11  }
0xcb: {  	s0 =	sor.u32 s1, s0  }
0xcc: {  	s0 =	sadd.s32 $0x8F2B, s0  }
0xcd: {  	[sflag:s0] =	ssyncadd.remote.s32 $0x1  }
0xce: {  	_ =	sfence.sel $0xFFFF  }
0xcf: {  	[dreg:$0x0] =	wrdreg $0xFFFFFFFF;
	(pc) =	sbr.abs _section_cstart, $3  }
0xd0: {  	[dreg:$0x1] =	wrdreg $0xFFFFFFFF  }
0xd1: {  	_ =	task.clear_ibuf [dreg:s22], $0x2FFFF;
	_ =	strace $0x9FFFFFFF  }
0xd2: {  	(tm) =	ssettm $0x7FFFFFFF  }
0xd3: {  	_ =	shalt  }
tec
execute0_lowered:
.L_overlay_start_1:
0x0: {  	(tag) =	ssettag $0x1  }
0x1: {  	s3 =	srdreg.scid;
	s9 =	stileid.u32  }
0x2: {  	s0 =	rddreg [dreg:$0x0];
	s4 =	sand.u32 $0x1, s3;
	s6 =	smul.u32 $0x14000, s9  }
0x3: {  	s1 =	rddreg [dreg:$0x1];
	s5 =	smul.u32 $0x140000, s4  }
0x4: {  	s2 =	rddreg [dreg:$0x2];
	s3 =	simm.s32 $0x0;
	s7 =	smul.u32 $0x271000, s4  }
0x5: {  	s25 =	smul.u32 $0x50000, s9;
	[smem:$0x7FF] =	sst s3;
	s8 =	ssub.s32 $0x2, s4  }
0x6: {  	s26 =	sshrl.u32 s8, $0x1;
	s5 =	sadd.s32 s6, s5;
	s7 =	sadd.s32 s7, s0  }
0x7: {  	s6 =	sshrl.u32 s25, $0x2;
	s8 =	ssub.s32 s8, s26;
	s5 =	sshrl.u32 s5, $0x3  }
0x8: {  	s0 =	sadd.s32 s5, s0;
	s5 =	sadd.s32 s6, s2;
	s6 =	smax.u32 s8, $0x1  }
0x9: {  	_ =	strace $0x8000004A;
	s0 =	sadd.s32 $0x567200, s0;
	[dreg:$0x5] =	wrdreg s6  }
0xa: {  	s8 =	sadd.s32 $0x1400, s5;
	[dreg:$0x4] =	wrdreg s0  }
0xb: {  	s10 =	sadd.s32 $0x2800, s5;
	[dreg:$0x6] =	wrdreg s8  }
0xc: {  	s11 =	sadd.s32 $0x3C00, s5;
	[dreg:$0x7] =	wrdreg s10  }
0xd: {  	s12 =	sadd.s32 $0x5000, s5;
	[dreg:$0x8] =	wrdreg s11  }
0xe: {  	s29 =	simm.s32 $0x400;
	s14 =	sadd.s32 $0x6400, s5;
	[dreg:$0x9] =	wrdreg s12  }
0xf: {  	s30 =	simm.s32 $0x1;
	s15 =	sadd.s32 $0x7800, s5;
	[dreg:$0xa] =	wrdreg s14  }
0x10: {  	s31 =	simm.s32 $0x80;
	s6 =	sadd.s32 $0x8C00, s5;
	[dreg:$0xb] =	wrdreg s15  }
0x11: {  	s16 =	smul.u32 $0x2710, s9;
	s17 =	sadd.s32 $0xA000, s5;
	[dreg:$0xc] =	wrdreg s6  }
0x12: {  	s20 =	smul.u32 $0x27100, s9;
	s18 =	sadd.s32 $0xB400, s5;
	[dreg:$0xd] =	wrdreg s17  }
0x13: {  	s13 =	smul.u32 $0x27100, s4;
	s19 =	sadd.s32 $0xC800, s5;
	[dreg:$0xe] =	wrdreg s18  }
0x14: {  	s9 =	simm.s32 $0x4000;
	s21 =	sadd.s32 $0xDC00, s5;
	[dreg:$0xf] =	wrdreg s19  }
0x15: {  	s28 =	sadd.s32 $0x12C00, s5;
	s0 =	sadd.s32 s16, s13;
	[dreg:$0x10] =	wrdreg s21  }
0x16: {  	s18 =	sadd.s32 $0xF000, s5;
	s6 =	sadd.s32 s20, s7;
	s7 =	simm.s32 $0x1800  }
0x17: {  	s8 =	simm.s32 $0x2C00;
	s10 =	simm.s32 $0x5400;
	s11 =	simm.s32 $0x0  }
0x18: {  	s22 =	sadd.s32 $0xA0, s0;
	s23 =	sshrl.u32 s0, $0x3;
	s24 =	sadd.s32 $0x78, s0  }
0x19: {  	s25 =	sadd.s32 $0x50, s0;
	s0 =	sadd.s32 $0x28, s0;
	s4 =	sshrl.u32 s22, $0x3  }
0x1a: {  	s19 =	sadd.s32 s23, s1;
	s26 =	sshrl.u32 s25, $0x3;
	s0 =	sshrl.u32 s0, $0x3  }
0x1b: {  	s25 =	sadd.s32 $0xA49200, s6;
	s6 =	simm.s32 $0x28;
	s20 =	sadd.s32 s4, s1  }
0x1c: {  	s4 =	sshrl.u32 s24, $0x3;
	s22 =	sadd.s32 s26, s1;
	s23 =	sadd.s32 s0, s1  }
0x1d: {  	s24 =	sadd.s32 $0x10400, s5;
	s26 =	sadd.s32 $0x11800, s5;
	s0 =	simm.s32 $0x100  }
0x1e: {  	v0 =	vimm.f32 $0.0e+00;
	s21 =	sadd.s32 s4, s1;
	s1 =	simm.s32 $0x180;
	s4 =	simm.s32 $0x200  }
.LBB2_1:
0x1f: {  	s12 =	simm.s32 $0x0;
	s13 =	simm.s32 $0x200  }
.LBB2_2:
0x20: {  	p0 =	sne.s32 s13, $0x4E00;
	[tilespmem:s12+$0x470] =	vst v0  }
0x21: {  	[tilespmem:s12+$0x400] =	vst v0  }
0x22: {  	[tilespmem:s12+$0x410] =	vst v0  }
.Ltmp0:
0x23: {  	[tilespmem:s12+$0x420] =	vst v0;
	(pc) =	sbr.rel @p0 .LBB2_2-.Ltmp0, $4  }
0x24: {  	[tilespmem:s12+$0x430] =	vst v0  }
0x25: {  	[tilespmem:s12+$0x440] =	vst v0  }
0x26: {  	[tilespmem:s12+$0x450] =	vst v0  }
0x27: {  	[tilespmem:s12+$0x460] =	vst v0;
	s12 =	sshra.s32 s13, $0x2;
	s13 =	sadd.s32 $0x200, s13  }
0x28: {  	[tilespmem:s12+$0x470] =	vst v0  }
0x29: {  	[tilespmem:s12+$0x400] =	vst v0  }
0x2a: {  	[tilespmem:s12+$0x410] =	vst v0  }
0x2b: {  	[tilespmem:s12+$0x420] =	vst v0  }
0x2c: {  	[tilespmem:s12+$0x430] =	vst v0  }
0x2d: {  	[tilespmem:s12+$0x440] =	vst v0  }
0x2e: {  	[tilespmem:s12+$0x450] =	vst v0  }
0x2f: {  	[tilespmem:s12+$0x460] =	vst v0  }
0x30: {  	[spmem:s5] =	stream.linear.scatter [tilespmem:s29], [sflag:$0x1], $0x1400, $0x38;
	[tilespmem:$0x1A800] =	vst v63  }
0x31: {  	_ =	swait.ge [sflag:s30], $0x1400  }
0x32: {  	[sflag:s30] =	ssyncset.done $0x0  }
0x33: {  	s17 =	rddreg [dreg:$0x6];
	[sflag:s30] =	ssyncadd.s32 $0xFFFFEC00  }
0x34: {  	[spmem:s17] =	stream.linear.scatter [tilespmem:s29], [sflag:$0x1], $0x1400, $0x38;
	[tilespmem:$0x1A800] =	vst v63  }
0x35: {  	_ =	swait.ge [sflag:s30], $0x1400  }
0x36: {  	[sflag:s30] =	ssyncset.done $0x0  }
0x37: {  	s13 =	rddreg [dreg:$0x7];
	[sflag:s30] =	ssyncadd.s32 $0xFFFFEC00  }
0x38: {  	[spmem:s13] =	stream.linear.scatter [tilespmem:s29], [sflag:$0x1], $0x1400, $0x38;
	[tilespmem:$0x1A800] =	vst v63  }
0x39: {  	_ =	swait.ge [sflag:s30], $0x1400  }
0x3a: {  	[sflag:s30] =	ssyncset.done $0x0  }
0x3b: {  	s14 =	rddreg [dreg:$0x8];
	[sflag:s30] =	ssyncadd.s32 $0xFFFFEC00  }
0x3c: {  	[spmem:s14] =	stream.linear.scatter [tilespmem:s29], [sflag:$0x1], $0x1400, $0x38;
	[tilespmem:$0x1A800] =	vst v63  }
0x3d: {  	_ =	swait.ge [sflag:s30], $0x1400  }
0x3e: {  	[sflag:s30] =	ssyncset.done $0x0  }
0x3f: {  	s15 =	rddreg [dreg:$0x9];
	[sflag:s30] =	ssyncadd.s32 $0xFFFFEC00  }
0x40: {  	[spmem:s15] =	stream.linear.scatter [tilespmem:s29], [sflag:$0x1], $0x1400, $0x38;
	[tilespmem:$0x1A800] =	vst v63  }
0x41: {  	_ =	swait.ge [sflag:s30], $0x1400  }
0x42: {  	[sflag:s30] =	ssyncset.done $0x0  }
0x43: {  	s16 =	rddreg [dreg:$0xa];
	[sflag:s30] =	ssyncadd.s32 $0xFFFFEC00  }
0x44: {  	[spmem:s16] =	stream.linear.scatter [tilespmem:s29], [sflag:$0x1], $0x1400, $0x38;
	[tilespmem:$0x1A800] =	vst v63  }
0x45: {  	_ =	swait.ge [sflag:s30], $0x1400  }
0x46: {  	[sflag:s30] =	ssyncset.done $0x0  }
0x47: {  	s17 =	rddreg [dreg:$0xb];
	[sflag:s30] =	ssyncadd.s32 $0xFFFFEC00  }
0x48: {  	[spmem:s17] =	stream.linear.scatter [tilespmem:s29], [sflag:$0x1], $0x1400, $0x38;
	[tilespmem:$0x1A800] =	vst v63  }
0x49: {  	_ =	swait.ge [sflag:s30], $0x1400  }
0x4a: {  	[sflag:s30] =	ssyncset.done $0x0  }
0x4b: {  	s13 =	rddreg [dreg:$0xc];
	[sflag:s30] =	ssyncadd.s32 $0xFFFFEC00  }
0x4c: {  	[spmem:s13] =	stream.linear.scatter [tilespmem:s29], [sflag:$0x1], $0x1400, $0x38;
	[tilespmem:$0x1A800] =	vst v63  }
0x4d: {  	_ =	swait.ge [sflag:s30], $0x1400  }
0x4e: {  	[sflag:s30] =	ssyncset.done $0x0  }
0x4f: {  	s14 =	rddreg [dreg:$0xd];
	[sflag:s30] =	ssyncadd.s32 $0xFFFFEC00  }
0x50: {  	[spmem:s14] =	stream.linear.scatter [tilespmem:s29], [sflag:$0x1], $0x1400, $0x38;
	[tilespmem:$0x1A800] =	vst v63  }
0x51: {  	_ =	swait.ge [sflag:s30], $0x1400  }
0x52: {  	[sflag:s30] =	ssyncset.done $0x0  }
0x53: {  	s15 =	rddreg [dreg:$0xe];
	[sflag:s30] =	ssyncadd.s32 $0xFFFFEC00  }
0x54: {  	[spmem:s15] =	stream.linear.scatter [tilespmem:s29], [sflag:$0x1], $0x1400, $0x38;
	[tilespmem:$0x1A800] =	vst v63  }
0x55: {  	_ =	swait.ge [sflag:s30], $0x1400  }
0x56: {  	[sflag:s30] =	ssyncset.done $0x0  }
0x57: {  	s16 =	rddreg [dreg:$0xf];
	[sflag:s30] =	ssyncadd.s32 $0xFFFFEC00  }
0x58: {  	[spmem:s16] =	stream.linear.scatter [tilespmem:s29], [sflag:$0x1], $0x1400, $0x38;
	[tilespmem:$0x1A800] =	vst v63  }
0x59: {  	_ =	swait.ge [sflag:s30], $0x1400  }
0x5a: {  	[sflag:s30] =	ssyncset.done $0x0  }
0x5b: {  	s17 =	rddreg [dreg:$0x10];
	[sflag:s30] =	ssyncadd.s32 $0xFFFFEC00  }
0x5c: {  	[spmem:s17] =	stream.linear.scatter [tilespmem:s29], [sflag:$0x1], $0x1400, $0x38;
	[tilespmem:$0x1A800] =	vst v63  }
0x5d: {  	_ =	swait.ge [sflag:s30], $0x1400  }
0x5e: {  	[sflag:s30] =	ssyncset.done $0x0  }
0x5f: {  	[sflag:s30] =	ssyncadd.s32 $0xFFFFEC00  }
0x60: {  	[spmem:s18] =	stream.linear.scatter [tilespmem:s29], [sflag:$0x1], $0x1400, $0x38;
	[tilespmem:$0x1A800] =	vst v63  }
0x61: {  	_ =	swait.ge [sflag:s30], $0x1400  }
0x62: {  	[sflag:s30] =	ssyncset.done $0x0  }
0x63: {  	[sflag:s30] =	ssyncadd.s32 $0xFFFFEC00  }
0x64: {  	[spmem:s24] =	stream.linear.scatter [tilespmem:s29], [sflag:$0x1], $0x1400, $0x38;
	[tilespmem:$0x1A800] =	vst v63  }
0x65: {  	_ =	swait.ge [sflag:s30], $0x1400  }
0x66: {  	[sflag:s30] =	ssyncset.done $0x0  }
0x67: {  	[sflag:s30] =	ssyncadd.s32 $0xFFFFEC00  }
0x68: {  	[spmem:s26] =	stream.linear.scatter [tilespmem:s29], [sflag:$0x1], $0x1400, $0x38;
	[tilespmem:$0x1A800] =	vst v63  }
0x69: {  	_ =	swait.ge [sflag:s30], $0x1400  }
0x6a: {  	[sflag:s30] =	ssyncset.done $0x0  }
0x6b: {  	[sflag:s30] =	ssyncadd.s32 $0xFFFFEC00  }
0x6c: {  	[spmem:s28] =	stream.linear.scatter [tilespmem:s29], [sflag:$0x1], $0x1400, $0x38;
	[tilespmem:$0x1A800] =	vst v63  }
0x6d: {  	_ =	swait.ge [sflag:s30], $0x1400  }
0x6e: {  	[sflag:s30] =	ssyncset.done $0x0  }
0x6f: {  	[sflag:s30] =	ssyncadd.s32 $0xFFFFEC00  }
0x70: {  	s13 =	sadd.s32 $0x0, s19;
	[bflag:$0x0] =	sbarrier.arrive $0xFFFF  }
0x71: {  	[tilespmem:s3], [sflag:$0x1] =	stream.linear.gather [hbm4b:s13+s3], $0x28, $0x38;
	[tilespmem:$0x1A800] =	vst v63  }
0x72: {  	_ =	swait.ge [sflag:s30], $0x28  }
0x73: {  	[sflag:s30] =	ssyncset.done $0x0  }
0x74: {  	s14 =	sadd.s32 $0x0, s23;
	[sflag:s30] =	ssyncadd.s32 $0xFFFFFFD8  }
0x75: {  	[tilespmem:s31], [sflag:$0x1] =	stream.linear.gather [hbm4b:s14+s3], $0x28, $0x38;
	[tilespmem:$0x1A800] =	vst v63  }
0x76: {  	_ =	swait.ge [sflag:s30], $0x28  }
0x77: {  	[sflag:s30] =	ssyncset.done $0x0  }
0x78: {  	s15 =	sadd.s32 $0x0, s22;
	[sflag:s30] =	ssyncadd.s32 $0xFFFFFFD8  }
0x79: {  	[tilespmem:s0], [sflag:$0x1] =	stream.linear.gather [hbm4b:s15+s3], $0x28, $0x38;
	[tilespmem:$0x1A800] =	vst v63  }
0x7a: {  	_ =	swait.ge [sflag:s30], $0x28  }
0x7b: {  	[sflag:s30] =	ssyncset.done $0x0  }
0x7c: {  	s16 =	sadd.s32 $0x0, s21;
	[sflag:s30] =	ssyncadd.s32 $0xFFFFFFD8  }
0x7d: {  	[tilespmem:s1], [sflag:$0x1] =	stream.linear.gather [hbm4b:s16+s3], $0x28, $0x38;
	[tilespmem:$0x1A800] =	vst v63  }
0x7e: {  	_ =	swait.ge [sflag:s30], $0x28  }
0x7f: {  	[sflag:s30] =	ssyncset.done $0x0  }
0x80: {  	s17 =	sadd.s32 $0x0, s20;
	[sflag:s30] =	ssyncadd.s32 $0xFFFFFFD8  }
0x81: {  	[tilespmem:s4], [sflag:$0x1] =	stream.linear.gather [hbm4b:s17+s3], $0x28, $0x38;
	[tilespmem:$0x1A800] =	vst v63  }
0x82: {  	_ =	swait.ge [sflag:s30], $0x28  }
0x83: {  	[sflag:s30] =	ssyncset.done $0x0  }
0x84: {  	[sflag:s30] =	ssyncadd.s32 $0xFFFFFFD8  }
0x85: {  	[tilespmem:s29], [sflag:$0x1] =	stream.linear.gather [hbm4b:s25+s3], $0x6400, $0x38;
	[tilespmem:$0x1A800] =	vst v63  }
0x86: {  	_ =	swait.ge [sflag:s30], $0x6400  }
0x87: {  	[sflag:s30] =	ssyncset.done $0x0  }
0x88: {  	[sflag:s30] =	ssyncadd.s32 $0xFFFF9C00  }
0x89: {  	[spmem:s2] =	stream.indirect.scatter.add.f32 [tilespmem:s29], [sflag:$0x1], $0x80, s3, s6, $0xb8;
	[tilespmem:$0x1A800] =	vst v63  }
0x8a: {  	_ =	swait.ge [sflag:s30], $0x1400  }
0x8b: {  	[sflag:s30] =	ssyncset.done $0x0  }
0x8c: {  	[sflag:s30] =	ssyncadd.s32 $0xFFFFEC00  }
0x8d: {  	[spmem:s2] =	stream.indirect.scatter.add.f32 [tilespmem:s7], [sflag:$0x1], $0x80, s31, s6, $0xb8;
	[tilespmem:$0x1A800] =	vst v63  }
0x8e: {  	_ =	swait.ge [sflag:s30], $0x1400  }
0x8f: {  	[sflag:s30] =	ssyncset.done $0x0  }
0x90: {  	[sflag:s30] =	ssyncadd.s32 $0xFFFFEC00  }
0x91: {  	[spmem:s2] =	stream.indirect.scatter.add.f32 [tilespmem:s8], [sflag:$0x1], $0x80, s0, s6, $0xb8;
	[tilespmem:$0x1A800] =	vst v63  }
0x92: {  	_ =	swait.ge [sflag:s30], $0x1400  }
0x93: {  	[sflag:s30] =	ssyncset.done $0x0  }
0x94: {  	[sflag:s30] =	ssyncadd.s32 $0xFFFFEC00  }
0x95: {  	[spmem:s2] =	stream.indirect.scatter.add.f32 [tilespmem:s9], [sflag:$0x1], $0x80, s1, s6, $0xb8;
	[tilespmem:$0x1A800] =	vst v63  }
0x96: {  	_ =	swait.ge [sflag:s30], $0x1400  }
0x97: {  	[sflag:s30] =	ssyncset.done $0x0  }
0x98: {  	[sflag:s30] =	ssyncadd.s32 $0xFFFFEC00  }
0x99: {  	[spmem:s2] =	stream.indirect.scatter.add.f32 [tilespmem:s10], [sflag:$0x1], $0x80, s4, s6, $0xb8;
	[tilespmem:$0x1A800] =	vst v63  }
0x9a: {  	s12 =	sadd.s32 $0xC80, s25;
	_ =	swait.ge [sflag:s30], $0x1400  }
0x9b: {  	s13 =	simm.s32 $0x19;
	s14 =	simm.s32 $0x32;
	[sflag:s30] =	ssyncset.done $0x0  }
.LBB2_4:
0x9c: {  	s16 =	sadd.s32 s13, s19  }
0x9d: {  	[sflag:s30] =	ssyncadd.s32 $0xFFFFEC00;
	s17 =	smov.u32 s14;
	s15 =	sadd.s32 $0x19, s14  }
0x9e: {  	[tilespmem:s3], [sflag:$0x1] =	stream.linear.gather [hbm4b:s16+s3], $0x28, $0x38;
	[tilespmem:$0x1A800] =	vst v63  }
0x9f: {  	p0 =	sne.s32 s14, $0x4C9;
	_ =	swait.ge [sflag:s30], $0x28  }
0xa0: {  	[sflag:s30] =	ssyncset.done $0x0  }
0xa1: {  	s14 =	sadd.s32 s13, s23;
	[sflag:s30] =	ssyncadd.s32 $0xFFFFFFD8  }
0xa2: {  	[tilespmem:s31], [sflag:$0x1] =	stream.linear.gather [hbm4b:s14+s3], $0x28, $0x38;
	[tilespmem:$0x1A800] =	vst v63  }
0xa3: {  	_ =	swait.ge [sflag:s30], $0x28  }
0xa4: {  	[sflag:s30] =	ssyncset.done $0x0  }
0xa5: {  	s14 =	sadd.s32 s13, s22;
	[sflag:s30] =	ssyncadd.s32 $0xFFFFFFD8  }
0xa6: {  	[tilespmem:s0], [sflag:$0x1] =	stream.linear.gather [hbm4b:s14+s3], $0x28, $0x38;
	[tilespmem:$0x1A800] =	vst v63  }
0xa7: {  	_ =	swait.ge [sflag:s30], $0x28  }
0xa8: {  	[sflag:s30] =	ssyncset.done $0x0  }
0xa9: {  	s14 =	sadd.s32 s13, s21;
	[sflag:s30] =	ssyncadd.s32 $0xFFFFFFD8  }
0xaa: {  	[tilespmem:s1], [sflag:$0x1] =	stream.linear.gather [hbm4b:s14+s3], $0x28, $0x38;
	[tilespmem:$0x1A800] =	vst v63  }
0xab: {  	_ =	swait.ge [sflag:s30], $0x28  }
0xac: {  	[sflag:s30] =	ssyncset.done $0x0  }
0xad: {  	s14 =	sadd.s32 s13, s20;
	s13 =	smov.u32 s17;
	[sflag:s30] =	ssyncadd.s32 $0xFFFFFFD8  }
0xae: {  	[tilespmem:s4], [sflag:$0x1] =	stream.linear.gather [hbm4b:s14+s3], $0x28, $0x38;
	[tilespmem:$0x1A800] =	vst v63  }
0xaf: {  	_ =	swait.ge [sflag:s30], $0x28  }
0xb0: {  	[sflag:s30] =	ssyncset.done $0x0  }
0xb1: {  	[sflag:s30] =	ssyncadd.s32 $0xFFFFFFD8  }
0xb2: {  	[tilespmem:s29], [sflag:$0x1] =	stream.linear.gather [hbm4b:s12+s3], $0x6400, $0x38;
	[tilespmem:$0x1A800] =	vst v63  }
0xb3: {  	_ =	swait.ge [sflag:s30], $0x6400  }
0xb4: {  	[sflag:s30] =	ssyncset.done $0x0  }
0xb5: {  	[sflag:s30] =	ssyncadd.s32 $0xFFFF9C00  }
0xb6: {  	[spmem:s2] =	stream.indirect.scatter.add.f32 [tilespmem:s29], [sflag:$0x1], $0x80, s3, s6, $0xb8;
	[tilespmem:$0x1A800] =	vst v63  }
0xb7: {  	_ =	swait.ge [sflag:s30], $0x1400  }
0xb8: {  	[sflag:s30] =	ssyncset.done $0x0  }
0xb9: {  	[sflag:s30] =	ssyncadd.s32 $0xFFFFEC00  }
0xba: {  	[spmem:s2] =	stream.indirect.scatter.add.f32 [tilespmem:s7], [sflag:$0x1], $0x80, s31, s6, $0xb8;
	[tilespmem:$0x1A800] =	vst v63  }
0xbb: {  	_ =	swait.ge [sflag:s30], $0x1400  }
0xbc: {  	[sflag:s30] =	ssyncset.done $0x0  }
0xbd: {  	[sflag:s30] =	ssyncadd.s32 $0xFFFFEC00  }
0xbe: {  	[spmem:s2] =	stream.indirect.scatter.add.f32 [tilespmem:s8], [sflag:$0x1], $0x80, s0, s6, $0xb8;
	[tilespmem:$0x1A800] =	vst v63  }
0xbf: {  	_ =	swait.ge [sflag:s30], $0x1400  }
0xc0: {  	[sflag:s30] =	ssyncset.done $0x0  }
0xc1: {  	[sflag:s30] =	ssyncadd.s32 $0xFFFFEC00  }
0xc2: {  	[spmem:s2] =	stream.indirect.scatter.add.f32 [tilespmem:s9], [sflag:$0x1], $0x80, s1, s6, $0xb8;
	[tilespmem:$0x1A800] =	vst v63  }
0xc3: {  	_ =	swait.ge [sflag:s30], $0x1400  }
.Ltmp1:
0xc4: {  	[sflag:s30] =	ssyncset.done $0x0;
	(pc) =	sbr.rel @p0 .LBB2_4-.Ltmp1, $4  }
0xc5: {  	[sflag:s30] =	ssyncadd.s32 $0xFFFFEC00  }
0xc6: {  	[spmem:s2] =	stream.indirect.scatter.add.f32 [tilespmem:s10], [sflag:$0x1], $0x80, s4, s6, $0xb8;
	[tilespmem:$0x1A800] =	vst v63  }
0xc7: {  	_ =	swait.ge [sflag:s30], $0x1400  }
0xc8: {  	s14 =	smov.u32 s15;
	s12 =	sadd.s32 $0xC80, s12;
	[sflag:s30] =	ssyncset.done $0x0  }
0xc9: {  	s14 =	sadd.s32 s13, s19;
	[sflag:s30] =	ssyncadd.s32 $0xFFFFEC00  }
0xca: {  	[tilespmem:s3], [sflag:$0x1] =	stream.linear.gather [hbm4b:s14+s3], $0x28, $0x38;
	[tilespmem:$0x1A800] =	vst v63  }
0xcb: {  	_ =	swait.ge [sflag:s30], $0x28  }
0xcc: {  	[sflag:s30] =	ssyncset.done $0x0  }
0xcd: {  	s17 =	sadd.s32 s13, s23;
	[sflag:s30] =	ssyncadd.s32 $0xFFFFFFD8  }
0xce: {  	[tilespmem:s31], [sflag:$0x1] =	stream.linear.gather [hbm4b:s17+s3], $0x28, $0x38;
	[tilespmem:$0x1A800] =	vst v63  }
0xcf: {  	_ =	swait.ge [sflag:s30], $0x28  }
0xd0: {  	[sflag:s30] =	ssyncset.done $0x0  }
0xd1: {  	s15 =	sadd.s32 s13, s22;
	[sflag:s30] =	ssyncadd.s32 $0xFFFFFFD8  }
0xd2: {  	[tilespmem:s0], [sflag:$0x1] =	stream.linear.gather [hbm4b:s15+s3], $0x28, $0x38;
	[tilespmem:$0x1A800] =	vst v63  }
0xd3: {  	_ =	swait.ge [sflag:s30], $0x28  }
0xd4: {  	[sflag:s30] =	ssyncset.done $0x0  }
0xd5: {  	s16 =	sadd.s32 s13, s21;
	[sflag:s30] =	ssyncadd.s32 $0xFFFFFFD8  }
0xd6: {  	[tilespmem:s1], [sflag:$0x1] =	stream.linear.gather [hbm4b:s16+s3], $0x28, $0x38;
	[tilespmem:$0x1A800] =	vst v63  }
0xd7: {  	_ =	swait.ge [sflag:s30], $0x28  }
0xd8: {  	[sflag:s30] =	ssyncset.done $0x0  }
0xd9: {  	s17 =	sadd.s32 s13, s20;
	[sflag:s30] =	ssyncadd.s32 $0xFFFFFFD8  }
0xda: {  	[tilespmem:s4], [sflag:$0x1] =	stream.linear.gather [hbm4b:s17+s3], $0x28, $0x38;
	[tilespmem:$0x1A800] =	vst v63  }
0xdb: {  	_ =	swait.ge [sflag:s30], $0x28  }
0xdc: {  	[sflag:s30] =	ssyncset.done $0x0  }
0xdd: {  	[sflag:s30] =	ssyncadd.s32 $0xFFFFFFD8  }
0xde: {  	[tilespmem:s29], [sflag:$0x1] =	stream.linear.gather [hbm4b:s12+s3], $0x6400, $0x38;
	[tilespmem:$0x1A800] =	vst v63  }
0xdf: {  	_ =	swait.ge [sflag:s30], $0x6400  }
0xe0: {  	[sflag:s30] =	ssyncset.done $0x0  }
0xe1: {  	[sflag:s30] =	ssyncadd.s32 $0xFFFF9C00  }
0xe2: {  	[spmem:s2] =	stream.indirect.scatter.add.f32 [tilespmem:s29], [sflag:$0x1], $0x80, s3, s6, $0xb8;
	[tilespmem:$0x1A800] =	vst v63  }
0xe3: {  	_ =	swait.ge [sflag:s30], $0x1400  }
0xe4: {  	[sflag:s30] =	ssyncset.done $0x0  }
0xe5: {  	[sflag:s30] =	ssyncadd.s32 $0xFFFFEC00  }
0xe6: {  	[spmem:s2] =	stream.indirect.scatter.add.f32 [tilespmem:s7], [sflag:$0x1], $0x80, s31, s6, $0xb8;
	[tilespmem:$0x1A800] =	vst v63  }
0xe7: {  	_ =	swait.ge [sflag:s30], $0x1400  }
0xe8: {  	[sflag:s30] =	ssyncset.done $0x0  }
0xe9: {  	[sflag:s30] =	ssyncadd.s32 $0xFFFFEC00  }
0xea: {  	[spmem:s2] =	stream.indirect.scatter.add.f32 [tilespmem:s8], [sflag:$0x1], $0x80, s0, s6, $0xb8;
	[tilespmem:$0x1A800] =	vst v63  }
0xeb: {  	_ =	swait.ge [sflag:s30], $0x1400  }
0xec: {  	[sflag:s30] =	ssyncset.done $0x0  }
0xed: {  	[sflag:s30] =	ssyncadd.s32 $0xFFFFEC00  }
0xee: {  	[spmem:s2] =	stream.indirect.scatter.add.f32 [tilespmem:s9], [sflag:$0x1], $0x80, s1, s6, $0xb8;
	[tilespmem:$0x1A800] =	vst v63  }
0xef: {  	_ =	swait.ge [sflag:s30], $0x1400  }
0xf0: {  	[sflag:s30] =	ssyncset.done $0x0  }
0xf1: {  	[sflag:s30] =	ssyncadd.s32 $0xFFFFEC00  }
0xf2: {  	[spmem:s2] =	stream.indirect.scatter.add.f32 [tilespmem:s10], [sflag:$0x1], $0x80, s4, s6, $0xb8;
	[tilespmem:$0x1A800] =	vst v63  }
0xf3: {  	_ =	swait.ge [sflag:s30], $0x1400  }
0xf4: {  	[sflag:s30] =	ssyncset.done $0x0  }
0xf5: {  	s14 =	stileid.u32;
	[sflag:s30] =	ssyncadd.s32 $0xFFFFEC00  }
0xf6: {  	s12 =	sshll.u32 s14, $0x6;
	[bflag:$0x0] =	sbarrier.arrive $0xFFFF  }
0xf7: {  	s15 =	sshrl.u32 s5, $0x3;
	s12 =	sor.u32 $0x1C01, s12;
	s16 =	rddreg [dreg:$0x4]  }
0xf8: {  	[hbm:s16], [sflag:s12] =	dma.local [spmem:s15], $0x2800  }
0xf9: {  	_ =	swait.ge [sflag:s30], $0x2800  }
0xfa: {  	s11 =	sadd.s32 $0x1, s11;
	s17 =	rddreg [dreg:$0x5]  }
0xfb: {  	p0 =	sne.s32 s11, s17  }
.Ltmp2:
0xfc: {  	_ = 	snop;
	(pc) =	sbr.rel @p0 .LBB2_1-.Ltmp2, $3  }
0xfd: {  	_ =	sdelay $0x1  }
0xfe: {  	[sflag:s30] =	ssyncset.done $0x0  }
0xff: {  	[sflag:s30] =	ssyncadd.s32 $0xFFFFD800  }
0x100: {  	_ =	sfence.sel $0x180000  }
0x101: {  	[bflag:$0x0] =	sbarrier.arrive $0xFFFF  }
0x102: {  	_ =	strace $0x9000004A  }
0x103: {  	s0 =	stileid.u32;
	[bflag:$0x2] =	sbarrier.arrive $0xFFFF  }
0x104: {  	p0 =	sne.s32 s0, $0x0;
	s0 =	rddreg [dreg:$0x3]  }
0x105: {  	s0 =	sadd.s32 @!p0 $0x100000, s0  }
0x106: {  	[sflag:s0] =	ssyncadd.tile.s32 @!p0 $0x1;
	_ =	shalt  }
.Lfunc_end2:
_tile_overlayer_lowered:
.L_overlay_start_2:
0x107: {  	(tag) =	ssettag $0x2  }
0x108: {  	s0 =	rddreg [dreg:$0x0];
	s2 =	stileid.u32  }
0x109: {  	s1 =	rddreg [dreg:$0x1];
	p0 =	sne.s32 s2, $0x0  }
0x10a: {  	s3 =	rddreg [dreg:$0x2];
	[bflag:$0x3] =	sbarrier.arrive $0xFFFF;
	s2 =	simm.s32 @!p0 $0x1C01  }
0x10b: {  	[timem:s3], [sflag:s2] =	dma.local @!p0 [hbm:s0], s1  }
0x10c: {  	s0 =	simm.s32 @!p0 $0x1  }
0x10d: {  	_ =	swait.ge @!p0 [sflag:s0], s1  }
0x10e: {  	s1 =	ssub.s32 @!p0 $0x0, s1;
	[sflag:s0] =	ssyncset.done @!p0 $0x0  }
0x10f: {  	[sflag:s0] =	ssyncadd.s32 @!p0 s1  }
0x110: {  	[bflag:$0x3] =	sbarrier.arrive $0xFFFF  }
0x111: {  	_ =	shalt  }

// kernel: kernel.15.cloned.1.call-start
scs
__scs_entry_jumppad:
0x0: {  	(pc) =	sbr.rel $0x88, $3  }
0x1: {  	(tag) =	ssettag $0x0;
	lr =	simm.s32 $0x1  }
0x2: {  	[smem:$0x3F93] =	sst lr;
	_ =	strace $0xD0000000  }
0x3: {  	_ = 	snop  }
0x4: {  	_ = 	snop  }
0x5: {  	_ = 	snop  }
0x6: {  	_ = 	snop  }
0x7: {  	_ = 	snop  }
__scs_overlays_trampoline_lowered:
0x8: {  	[smem:$0x3FA2] =	sst s0  }
0x9: {  	[smem:$0x3FA3] =	sst s1  }
0xa: {  	[smem:$0x3FA4] =	sst s2  }
0xb: {  	[smem:$0x3FA5] =	sst s3  }
0xc: {  	[smem:$0x3FA6] =	sst s4  }
0xd: {  	[smem:$0x3FA7] =	sst s5  }
0xe: {  	[smem:$0x3FA8] =	sst s6  }
0xf: {  	[smem:$0x3FA9] =	sst s7  }
0x10: {  	[smem:$0x3FAA] =	sst s8  }
0x11: {  	[smem:$0x3FAB] =	sst s9;
	s0 =	simm.s32 @!p0 $0x0  }
0x12: {  	s1 =	sld [smem:$0x3F91];
	s0 =	simm.s32 @p0 $0x1  }
0x13: {  	[smem:$0x3FAC] =	sst s0;
	s0 =	simm.s32 @!p1 $0x0  }
0x14: {  	s2 =	sld [smem:$0x3F90];
	s0 =	simm.s32 @p1 $0x1  }
0x15: {  	[smem:$0x3FAD] =	sst s0;
	s0 =	simm.s32 @!p2 $0x0  }
0x16: {  	s3 =	sld [smem:$0x3FDB];
	s0 =	simm.s32 @p2 $0x1  }
0x17: {  	s4 =	simm.s32 $0x1BF5;
	[smem:$0x3FAF] =	sst s0  }
0x18: {  	s0 =	sld [smem:$0x3F92];
	_ =	swait.ge [sflag:s4], $0x0  }
0x19: {  	s7 =	sld [smem:$0x3F93]  }
0x1a: {  	s8 =	sadd.s32 $0xFFFFE003, lr  }
0x1b: {  	s9 =	sadd.s32 $0xFFFFFEF7, lr;
	s5 =	simm.s32 $0xFFFFFFFF;
	p2 =	slt.u32 s8, $0xFFFFF086  }
0x1c: {  	p1 =	slt.u32 s9, $0xF7A;
	s5 =	simm.s32 @!p2 $0x0  }
0x1d: {  	s5 =	simm.s32 @p1 $0x1;
	p0 =	seq.s32 s7, s2  }
0x1e: {  	s7 =	smul.u32 @!p0 $0xF7A, s2;
	p2 =	seq.s32 @!p0 s5, $0x0  }
0x1f: {  	s9 =	smul.u32 $0xF7A, s1;
	s8 =	simm.s32 @!p0 $0x1BF5;
	p2 =	por !p2, p0  }
0x20: {  	[sflag:s8] =	ssyncset.s32 @!p0 $0xFFFFF086;
	s6 =	sadd.s32 @!p0 s3, s7;
	s7 =	simm.s32 @!p0 $0x108  }
0x21: {  	s3 =	sadd.s32 s3, s9;
	s6 =	sadd.s32 @!p0 $0x88, s6;
	s7 =	simm.s32 @p2 $0x1082  }
0x22: {  	[simem:s7], [sflag:s8] =	dma.local @!p0 [hbm:s6], $0xF7A  }
0x23: {  	s9 =	sor.u32 $0xD0000000, s2;
	s6 =	simm.s32 $0x108;
	_ =	swait.ge @!p0 [sflag:s8], $0x0  }
0x24: {  	s3 =	sadd.s32 $0x88, s3;
	s6 =	simm.s32 @!p1 $0x1082;
	[sflag:s4] =	ssyncset.s32 $0xFFFFF086  }
0x25: {  	[simem:s6], [sflag:s4] =	dma.local [hbm:s3], $0xF7A  }
0x26: {  	[smem:$0x3F93] =	sst s1;
	(tag) =	ssettag s2;
	_ =	strace s9  }
0x27: {  	s1 =	sld [smem:$0x3FA3]  }
0x28: {  	s2 =	sld [smem:$0x3FA4]  }
0x29: {  	s4 =	sld [smem:$0x3FA6]  }
0x2a: {  	p0 =	seq.s32 s5, $0x0;
	s5 =	sld [smem:$0x3FA7]  }
0x2b: {  	s6 =	sld [smem:$0x3FA8]  }
0x2c: {  	s7 =	sld [smem:$0x3FA9]  }
0x2d: {  	s3 =	simm.s32 $0x108;
	s8 =	sld [smem:$0x3FAA]  }
0x2e: {  	s3 =	simm.s32 @!p0 $0x1082;
	s9 =	sld [smem:$0x3FAB]  }
0x2f: {  	lr =	sadd.s32 s0, s3;
	s0 =	sld [smem:$0x3FA2]  }
0x30: {  	s3 =	sld [smem:$0x3FA5]  }
0x31: {  	[smem:$0x3FAE] =	sst s10  }
0x32: {  	s10 =	sld [smem:$0x3FAC];
	_ =	sdelay $0x3  }
0x33: {  	p0 =	seq.s32 s10, $0x1;
	s10 =	sld [smem:$0x3FAE];
	_ =	sdelay $0x3  }
0x34: {  	[smem:$0x3FAE] =	sst s10  }
0x35: {  	s10 =	sld [smem:$0x3FAD];
	_ =	sdelay $0x3  }
0x36: {  	p1 =	seq.s32 s10, $0x1;
	s10 =	sld [smem:$0x3FAE];
	_ =	sdelay $0x3  }
0x37: {  	[smem:$0x3FAE] =	sst s10  }
0x38: {  	s10 =	sld [smem:$0x3FAF]  }
0x39: {  	_ = 	snop;
	(pc) =	sbr.ind lr, $3  }
0x3a: {  	_ = 	snop  }
0x3b: {  	_ = 	snop  }
0x3c: {  	p2 =	seq.s32 s10, $0x1;
	s10 =	sld [smem:$0x3FAE]  }
0x3d: {  	_ =	shalt  }
0x3e: {  	_ =	shalt  }
0x3f: {  	_ =	shalt  }
0x40: {  	_ =	shalt  }
0x41: {  	_ =	shalt  }
0x42: {  	_ =	shalt  }
0x43: {  	_ =	shalt  }
0x44: {  	_ =	shalt  }
0x45: {  	_ =	shalt  }
0x46: {  	_ =	shalt  }
0x47: {  	_ =	shalt  }
0x48: {  	_ =	shalt  }
0x49: {  	_ =	shalt  }
0x4a: {  	_ =	shalt  }
0x4b: {  	_ =	shalt  }
0x4c: {  	_ =	shalt  }
0x4d: {  	_ =	shalt  }
0x4e: {  	_ =	shalt  }
0x4f: {  	_ =	shalt  }
0x50: {  	_ =	shalt  }
0x51: {  	_ =	shalt  }
0x52: {  	_ =	shalt  }
0x53: {  	_ =	shalt  }
0x54: {  	_ =	shalt  }
0x55: {  	_ =	shalt  }
0x56: {  	_ =	shalt  }
0x57: {  	_ =	shalt  }
0x58: {  	_ =	shalt  }
0x59: {  	_ =	shalt  }
0x5a: {  	_ =	shalt  }
0x5b: {  	_ =	shalt  }
0x5c: {  	_ =	shalt  }
0x5d: {  	_ =	shalt  }
0x5e: {  	_ =	shalt  }
0x5f: {  	_ =	shalt  }
0x60: {  	_ =	shalt  }
0x61: {  	_ =	shalt  }
0x62: {  	_ =	shalt  }
0x63: {  	_ =	shalt  }
0x64: {  	_ =	shalt  }
0x65: {  	_ =	shalt  }
0x66: {  	_ =	shalt  }
0x67: {  	_ =	shalt  }
0x68: {  	_ =	shalt  }
0x69: {  	_ =	shalt  }
0x6a: {  	_ =	shalt  }
0x6b: {  	_ =	shalt  }
0x6c: {  	_ =	shalt  }
0x6d: {  	_ =	shalt  }
0x6e: {  	_ =	shalt  }
0x6f: {  	_ =	shalt  }
0x70: {  	_ =	shalt  }
0x71: {  	_ =	shalt  }
0x72: {  	_ =	shalt  }
0x73: {  	_ =	shalt  }
0x74: {  	_ =	shalt  }
0x75: {  	_ =	shalt  }
0x76: {  	_ =	shalt  }
0x77: {  	_ =	shalt  }
0x78: {  	_ =	shalt  }
0x79: {  	_ =	shalt  }
0x7a: {  	_ =	shalt  }
0x7b: {  	_ =	shalt  }
0x7c: {  	_ =	shalt  }
0x7d: {  	_ =	shalt  }
0x7e: {  	_ =	shalt  }
0x7f: {  	_ =	shalt  }
0x80: {  	_ =	shalt  }
0x81: {  	_ =	shalt  }
0x82: {  	_ =	shalt  }
0x83: {  	_ =	shalt  }
0x84: {  	_ =	shalt  }
0x85: {  	_ =	shalt  }
0x86: {  	_ =	shalt  }
0x87: {  	_ =	shalt  }
.Lfunc_end0:
.L_simem_size_0:
called_computation.2_lowered:
.L_overlay_start_0:
0x88: {  	s2 =	sld [smem:$0x3FD9]  }
0x89: {  	s3 =	sld [smem:$0x3FFE];
	_ =	sdelay $0x1  }
0x8a: {  	s1 =	srdreg.scid  }
0x8b: {  	s0 =	sand.u32 $0x1, s1  }
0x8c: {  	s17 =	sshll.u32 s0, $0xA;
	s2 =	sadd.s32 s3, s2  }
0x8d: {  	s2 =	sadd.s32 s2, s17  }
0x8e: {  	[smem:$0x3FBA] =	sst s2  }
0x8f: {  	_ = 	snop  }
0x90: {  	s2 =	sld [smem:$0x3FD0];
	(tm) =	ssettm $0x1  }
0x91: {  	s18 =	sld [smem:$0x3FFB];
	_ =	sdelay $0x3  }
0x92: {  	_ =	strace s18  }
0x93: {  	s3 =	sld [smem:$0x3FFC];
	_ =	sdelay $0x3  }
0x94: {  	_ =	strace s3  }
0x95: {  	s3 =	sld [smem:$0x3FFD];
	_ =	sdelay $0x3  }
0x96: {  	_ =	strace s3  }
0x97: {  	_ =	strace $0x8FFFFFFF  }
0x98: {  	s19 =	sld [smem:$0x3FDB];
	_ =	sdelay $0x1  }
0x99: {  	s4 =	simm.s32 $_scs_section_size  }
0x9a: {  	s5 =	simm.s32 $_size__tile_overlayer_lowered;
	s6 =	simm.s32 $_tile_overlayer_lowered  }
0x9b: {  	s22 =	simm.s32 $0x1BFF;
	s21 =	sshll.u32 s6, $0x1;
	s3 =	sadd.s32 s4, s19  }
0x9c: {  	s7 =	simm.s32 $0x0;
	s20 =	sshll.u32 s5, $0x1;
	s5 =	sadd.s32 s21, s3  }
0x9d: {  	[timem:s7], [sflag:s22] =	dma.local [hbm:s5], s20  }
0x9e: {  	_ =	swait.ge [sflag:s22], s20  }
0x9f: {  	s4 =	ssub.s32 $0x0, s20;
	[sflag:s22] =	ssyncset.done $0x0  }
0xa0: {  	[sflag:s22] =	ssyncadd.s32 s4;
	_ =	sdelay $0x1  }
0xa1: {  	s23 =	simm.s32 $0x1B8B  }
0xa2: {  	_ =	swait.ge [sflag:s23], $0x1  }
0xa3: {  	[sflag:s23] =	ssyncset.done $0x0  }
0xa4: {  	s25 =	simm.s32 $0x1B8E;
	s24 =	sld [smem:$0x3FFE];
	[sflag:s23] =	ssyncadd.s32 $0xFFFFFFFF  }
0xa5: {  	s26 =	simm.s32 $execute0_lowered;
	[smem:$0x3FD2] =	sst s25  }
0xa6: {  	s5 =	sshll.u32 s26, $0x1;
	_ =	strace $0x8000004C;
	[dreg:$0x1] =	wrdreg $0xFFFFFFFF  }
0xa7: {  	s28 =	simm.s32 $_size_execute0_lowered;
	s3 =	sadd.s32 s3, s5;
	[dreg:$0x0] =	wrdreg $0x0  }
0xa8: {  	s5 =	sshll.u32 s28, $0x1;
	[dreg:$0x2] =	wrdreg s3  }
0xa9: {  	[dreg:$0x3] =	wrdreg s5  }
0xaa: {  	[dreg:$0x4] =	wrdreg $0xC0  }
0xab: {  	_ =	task [dreg:s7], $0x5FFFF  }
0xac: {  	[dreg:$0x1] =	wrdreg $0xFFFFFFFF  }
0xad: {  	[dreg:$0x0] =	wrdreg $0x60  }
0xae: {  	[dreg:$0x2] =	wrdreg s24  }
0xaf: {  	[dreg:$0x3] =	wrdreg s2  }
0xb0: {  	[dreg:$0x4] =	wrdreg $0x9  }
0xb1: {  	_ =	task.clear_ibuf [dreg:s7], $0x5FFFF;
	_ =	strace $0x9000004C  }
0xb2: {  	s29 =	simm.s32 $0x9;
	_ =	strace $0x8000004E  }
0xb3: {  	_ =	swait.ge [sflag:s29], $0x1  }
0xb4: {  	[sflag:s29] =	ssyncadd.s32 $0xFFFFFFFF  }
0xb5: {  	_ =	strace $0x9000004E  }
0xb6: {  	_ =	sfence  }
0xb7: {  	s30 =	sld [smem:$0x0];
	_ =	sdelay $0x2  }
0xb8: {  	s31 =	sshll.u32 s1, $0xD;
	s1 =	sshrl.u32 s1, $0x2  }
0xb9: {  	s3 =	sand.u32 $0x4000, s31;
	s1 =	sadd.s32 s1, s30  }
0xba: {  	s0 =	sor.u32 s3, s0;
	s1 =	sshll.u32 s1, $0x11  }
0xbb: {  	s0 =	sor.u32 s1, s0  }
0xbc: {  	s0 =	sadd.s32 $0x8F2B, s0  }
0xbd: {  	[sflag:s0] =	ssyncadd.remote.s32 $0x1  }
0xbe: {  	_ =	sfence.sel $0xFFFF  }
0xbf: {  	[dreg:$0x0] =	wrdreg $0xFFFFFFFF;
	(pc) =	sbr.abs _section_cstart, $3  }
0xc0: {  	[dreg:$0x1] =	wrdreg $0xFFFFFFFF  }
0xc1: {  	_ =	task.clear_ibuf [dreg:s7], $0x2FFFF;
	_ =	strace $0x9FFFFFFF  }
0xc2: {  	(tm) =	ssettm $0x7FFFFFFF  }
0xc3: {  	_ =	shalt  }
tec
execute0_lowered:
.L_overlay_start_1:
0x0: {  	(tag) =	ssettag $0x1  }
0x1: {  	s7 =	rddreg [dreg:$0x0]  }
0x2: {  	s1 =	rddreg [dreg:$0x1]  }
0x3: {  	s0 =	rddreg [dreg:$0x2];
	s2 =	simm.s32 $0x0;
	s3 =	srdreg.scid  }
0x4: {  	s12 =	simm.s32 $0x100;
	s13 =	simm.s32 $0x1;
	s14 =	simm.s32 $0x2800  }
0x5: {  	s15 =	simm.s32 $0x5000;
	s16 =	simm.s32 $0x5200;
	s17 =	simm.s32 $0x5400  }
0x6: {  	s18 =	simm.s32 $0x5600;
	s19 =	simm.s32 $0x0;
	[smem:$0x7FF] =	sst s2  }
0x7: {  	s6 =	sand.u32 $0x1, s3;
	s4 =	sadd.s32 $0xD200, s7;
	s3 =	stileid.u32  }
0x8: {  	s5 =	sadd.s32 $0x3400, s7;
	s8 =	sshll.u32 s6, $0x4;
	s9 =	ssub.s32 $0x2, s6  }
0x9: {  	_ =	strace $0x8000004D;
	s8 =	sor.u32 s3, s8;
	s11 =	sshrl.u32 s9, $0x1  }
0xa: {  	s6 =	sadd.s32 $0x35C00, s7;
	s10 =	sshll.u32 s8, $0x1;
	s11 =	ssub.s32 s9, s11  }
0xb: {  	s8 =	smul.u32 $0x2710, s8;
	s10 =	sadd.s32 s10, s7;
	s7 =	sadd.s32 $0xD210, s7  }
0xc: {  	v0 =	vimm.f32 $-3.000000010e+38;
	s9 =	sadd.s32 $0x3FA00, s10;
	s10 =	smax.u32 s11, $0x1;
	s11 =	simm.s32 $0x80  }
.LBB2_1:
0xd: {  	[tilespmem:s2], [sflag:$0x1] =	stream.strided.gather [hbm4b:s4+s11], $0x2800, s12, s11, $0x38;
	[tilespmem:$0x5680] =	vst v63  }
0xe: {  	_ =	swait.ge [sflag:s13], $0x2800  }
0xf: {  	[sflag:s13] =	ssyncset.done $0x0  }
0x10: {  	[sflag:s13] =	ssyncadd.s32 $0xFFFFD800  }
0x11: {  	[tilespmem:s14], [sflag:$0x1] =	stream.strided.gather [hbm4b:s7+s11], $0x2800, s12, s11, $0x38;
	[tilespmem:$0x5680] =	vst v63  }
0x12: {  	_ =	swait.ge [sflag:s13], $0x2800  }
0x13: {  	[sflag:s13] =	ssyncset.done $0x0  }
0x14: {  	[sflag:s13] =	ssyncadd.s32 $0xFFFFD800  }
0x15: {  	s20 =	simm.s32 $0x0;
	[tilespmem:$0x5600] =	vst v0  }
.LBB2_2:
0x16: {  	s21 =	smul.u32 $0x190, s20;
	_ =	sdelay $0x1  }
0x17: {  	s21 =	sadd.s32 s8, s21  }
0x18: {  	s21 =	sshrl.u32 s21, $0x3  }
0x19: {  	s23 =	simm.s32 $0x0;
	s22 =	sadd.s32 s5, s21  }
0x1a: {  	[tilespmem:s15], [sflag:$0x1] =	stream.linear.gather [hbm4b:s22+s23], $0x190, $0x38;
	[tilespmem:$0x5680] =	vst v63  }
0x1b: {  	_ =	swait.ge [sflag:s13], $0x190  }
0x1c: {  	[sflag:s13] =	ssyncset.done $0x0  }
0x1d: {  	s30 =	sadd.s32 s1, s21;
	[sflag:s13] =	ssyncadd.s32 $0xFFFFFE70  }
0x1e: {  	[tilespmem:s16], [sflag:$0x1] =	stream.linear.gather [hbm4b:s30+s23], $0x190, $0x38;
	[tilespmem:$0x5680] =	vst v63  }
0x1f: {  	_ =	swait.ge [sflag:s13], $0x190  }
0x20: {  	[sflag:s13] =	ssyncset.done $0x0  }
0x21: {  	s31 =	simm.s32 $0x0;
	[sflag:s13] =	ssyncadd.s32 $0xFFFFFE70  }
0x22: {  	v1 =	vld [tilespmem:s31+$0x5000]  }
0x23: {  	v2 =	vld [tilespmem:s31+$0x5200];
	_ =	sdelay $0x6  }
0x24: {  	v1 =	vld.idx.msk [tilespmem:v1+s2+$0x0], $0xffff  }
0x25: {  	v2 =	vld.idx.msk [tilespmem:v2+s14+$0x0], $0xffff;
	_ =	sdelay $0x4  }
0x26: {  	v1 =	vadd.f32 v2, v1;
	_ =	sdelay $0x1  }
0x27: {  	v2 =	vmul.f32 $2.000000030e-01, v1  }
0x28: {  	vm0 =	vge.f32 v1, $0.0e+00  }
0x29: {  	v1 =	vsel vm0, v1, v2  }
0x2a: {  	[tilespmem:s31+$0x5400] =	vst v1  }
0x2b: {  	s22 =	simm.s32 $0x40;
	v2 =	vld [tilespmem:$0x5600]  }
.LBB2_3:
0x2c: {  	_ =	sdelay $0x3  }
0x2d: {  	p0 =	sne.s32 s22, $0x600;
	s23 =	smov.u32 s22;
	s22 =	sadd.s32 $0x40, s22;
	v1 =	vmax.f32 v2, v1  }
0x2e: {  	s23 =	sshra.s32 s23, $0x2;
	[tilespmem:$0x5600] =	vst v1  }
0x2f: {  	v1 =	vld [tilespmem:s23+$0x5000]  }
0x30: {  	v2 =	vld [tilespmem:s23+$0x5200];
	_ =	sdelay $0x6  }
0x31: {  	v1 =	vld.idx.msk [tilespmem:v1+s2+$0x0], $0xffff  }
0x32: {  	v2 =	vld.idx.msk [tilespmem:v2+s14+$0x0], $0xffff;
	_ =	sdelay $0x5  }
0x33: {  	v1 =	vadd.f32 v2, v1;
	_ =	sdelay $0x1  }
.Ltmp0:
0x34: {  	vm0 =	vge.f32 v1, $0.0e+00;
	v2 =	vmul.f32 $2.000000030e-01, v1;
	(pc) =	sbr.rel @p0 .LBB2_3-.Ltmp0, $4  }
0x35: {  	_ = 	snop  }
0x36: {  	v1 =	vsel vm0, v1, v2  }
0x37: {  	[tilespmem:s23+$0x5400] =	vst v1  }
0x38: {  	v2 =	vld [tilespmem:$0x5600]  }
0x39: {  	_ =	sdelay $0x2  }
0x3a: {  	s20 =	sadd.s32 $0x1, s20  }
0x3b: {  	p0 =	sne.s32 s20, $0x19;
	v1 =	vmax.f32 v2, v1  }
.Ltmp1:
0x3c: {  	s21 =	sadd.s32 s6, s21;
	[tilespmem:$0x5600] =	vst v1;
	(pc) =	sbr.rel @p0 .LBB2_2-.Ltmp1, $4  }
0x3d: {  	[hbm4b:s21+s2] =	stream.linear.scatter [tilespmem:s17], [sflag:$0x1], $0x190, $0x38;
	[tilespmem:$0x5680] =	vst v63  }
0x3e: {  	_ =	swait.ge [sflag:s13], $0x190  }
0x3f: {  	[sflag:s13] =	ssyncset.done $0x0  }
0x40: {  	[sflag:s13] =	ssyncadd.s32 $0xFFFFFE70  }
0x41: {  	s19 =	sadd.s32 $0x1, s19  }
0x42: {  	p0 =	sne.s32 s19, s10  }
.Ltmp2:
0x43: {  	_ = 	snop;
	(pc) =	sbr.rel @p0 .LBB2_1-.Ltmp2, $4  }
0x44: {  	[hbm4b:s9+s2] =	stream.linear.scatter [tilespmem:s18], [sflag:$0x1], $0x10, $0x38;
	[tilespmem:$0x5680] =	vst v63  }
0x45: {  	_ =	swait.ge [sflag:s13], $0x10  }
0x46: {  	[sflag:s13] =	ssyncset.done $0x0  }
0x47: {  	[sflag:s13] =	ssyncadd.s32 $0xFFFFFFF0  }
0x48: {  	_ =	sfence.sel $0x180000  }
0x49: {  	[bflag:$0x0] =	sbarrier.arrive $0xFFFF  }
0x4a: {  	p0 =	sne.s32 s3, $0x0;
	_ =	strace $0x9000004D  }
0x4b: {  	s0 =	sadd.s32 @!p0 $0x100000, s0;
	[bflag:$0x2] =	sbarrier.arrive $0xFFFF  }
0x4c: {  	[sflag:s0] =	ssyncadd.tile.s32 @!p0 $0x1;
	_ =	shalt  }
.Lfunc_end2:
_tile_overlayer_lowered:
.L_overlay_start_2:
0x4d: {  	(tag) =	ssettag $0x2  }
0x4e: {  	s0 =	rddreg [dreg:$0x0];
	s2 =	stileid.u32  }
0x4f: {  	s1 =	rddreg [dreg:$0x1];
	p0 =	sne.s32 s2, $0x0  }
0x50: {  	s3 =	rddreg [dreg:$0x2];
	[bflag:$0x3] =	sbarrier.arrive $0xFFFF;
	s2 =	simm.s32 @!p0 $0x1C01  }
0x51: {  	[timem:s3], [sflag:s2] =	dma.local @!p0 [hbm:s0], s1  }
0x52: {  	s0 =	simm.s32 @!p0 $0x1  }
0x53: {  	_ =	swait.ge @!p0 [sflag:s0], s1  }
0x54: {  	s1 =	ssub.s32 @!p0 $0x0, s1;
	[sflag:s0] =	ssyncset.done @!p0 $0x0  }
0x55: {  	[sflag:s0] =	ssyncadd.s32 @!p0 s1  }
0x56: {  	[bflag:$0x3] =	sbarrier.arrive $0xFFFF  }
0x57: {  	_ =	shalt  }

// kernel: kernel.18.cloned.1.call-start
scs
__scs_entry_jumppad:
0x0: {  	(pc) =	sbr.rel $0x88, $3  }
0x1: {  	(tag) =	ssettag $0x0;
	lr =	simm.s32 $0x1  }
0x2: {  	[smem:$0x3F93] =	sst lr;
	_ =	strace $0xD0000000  }
0x3: {  	_ = 	snop  }
0x4: {  	_ = 	snop  }
0x5: {  	_ = 	snop  }
0x6: {  	_ = 	snop  }
0x7: {  	_ = 	snop  }
__scs_overlays_trampoline_lowered:
0x8: {  	[smem:$0x3FA2] =	sst s0  }
0x9: {  	[smem:$0x3FA3] =	sst s1  }
0xa: {  	[smem:$0x3FA4] =	sst s2  }
0xb: {  	[smem:$0x3FA5] =	sst s3  }
0xc: {  	[smem:$0x3FA6] =	sst s4  }
0xd: {  	[smem:$0x3FA7] =	sst s5  }
0xe: {  	[smem:$0x3FA8] =	sst s6  }
0xf: {  	[smem:$0x3FA9] =	sst s7  }
0x10: {  	[smem:$0x3FAA] =	sst s8  }
0x11: {  	[smem:$0x3FAB] =	sst s9;
	s0 =	simm.s32 @!p0 $0x0  }
0x12: {  	s1 =	sld [smem:$0x3F91];
	s0 =	simm.s32 @p0 $0x1  }
0x13: {  	[smem:$0x3FAC] =	sst s0;
	s0 =	simm.s32 @!p1 $0x0  }
0x14: {  	s2 =	sld [smem:$0x3F90];
	s0 =	simm.s32 @p1 $0x1  }
0x15: {  	[smem:$0x3FAD] =	sst s0;
	s0 =	simm.s32 @!p2 $0x0  }
0x16: {  	s3 =	sld [smem:$0x3FDB];
	s0 =	simm.s32 @p2 $0x1  }
0x17: {  	s4 =	simm.s32 $0x1BF5;
	[smem:$0x3FAF] =	sst s0  }
0x18: {  	s0 =	sld [smem:$0x3F92];
	_ =	swait.ge [sflag:s4], $0x0  }
0x19: {  	s7 =	sld [smem:$0x3F93]  }
0x1a: {  	s8 =	sadd.s32 $0xFFFFE003, lr  }
0x1b: {  	s9 =	sadd.s32 $0xFFFFFEF7, lr;
	s5 =	simm.s32 $0xFFFFFFFF;
	p2 =	slt.u32 s8, $0xFFFFF086  }
0x1c: {  	p1 =	slt.u32 s9, $0xF7A;
	s5 =	simm.s32 @!p2 $0x0  }
0x1d: {  	s5 =	simm.s32 @p1 $0x1;
	p0 =	seq.s32 s7, s2  }
0x1e: {  	s7 =	smul.u32 @!p0 $0xF7A, s2;
	p2 =	seq.s32 @!p0 s5, $0x0  }
0x1f: {  	s9 =	smul.u32 $0xF7A, s1;
	s8 =	simm.s32 @!p0 $0x1BF5;
	p2 =	por !p2, p0  }
0x20: {  	[sflag:s8] =	ssyncset.s32 @!p0 $0xFFFFF086;
	s6 =	sadd.s32 @!p0 s3, s7;
	s7 =	simm.s32 @!p0 $0x108  }
0x21: {  	s3 =	sadd.s32 s3, s9;
	s6 =	sadd.s32 @!p0 $0x88, s6;
	s7 =	simm.s32 @p2 $0x1082  }
0x22: {  	[simem:s7], [sflag:s8] =	dma.local @!p0 [hbm:s6], $0xF7A  }
0x23: {  	s9 =	sor.u32 $0xD0000000, s2;
	s6 =	simm.s32 $0x108;
	_ =	swait.ge @!p0 [sflag:s8], $0x0  }
0x24: {  	s3 =	sadd.s32 $0x88, s3;
	s6 =	simm.s32 @!p1 $0x1082;
	[sflag:s4] =	ssyncset.s32 $0xFFFFF086  }
0x25: {  	[simem:s6], [sflag:s4] =	dma.local [hbm:s3], $0xF7A  }
0x26: {  	[smem:$0x3F93] =	sst s1;
	(tag) =	ssettag s2;
	_ =	strace s9  }
0x27: {  	s1 =	sld [smem:$0x3FA3]  }
0x28: {  	s2 =	sld [smem:$0x3FA4]  }
0x29: {  	s4 =	sld [smem:$0x3FA6]  }
0x2a: {  	p0 =	seq.s32 s5, $0x0;
	s5 =	sld [smem:$0x3FA7]  }
0x2b: {  	s6 =	sld [smem:$0x3FA8]  }
0x2c: {  	s7 =	sld [smem:$0x3FA9]  }
0x2d: {  	s3 =	simm.s32 $0x108;
	s8 =	sld [smem:$0x3FAA]  }
0x2e: {  	s3 =	simm.s32 @!p0 $0x1082;
	s9 =	sld [smem:$0x3FAB]  }
0x2f: {  	lr =	sadd.s32 s0, s3;
	s0 =	sld [smem:$0x3FA2]  }
0x30: {  	s3 =	sld [smem:$0x3FA5]  }
0x31: {  	[smem:$0x3FAE] =	sst s10  }
0x32: {  	s10 =	sld [smem:$0x3FAC];
	_ =	sdelay $0x3  }
0x33: {  	p0 =	seq.s32 s10, $0x1;
	s10 =	sld [smem:$0x3FAE];
	_ =	sdelay $0x3  }
0x34: {  	[smem:$0x3FAE] =	sst s10  }
0x35: {  	s10 =	sld [smem:$0x3FAD];
	_ =	sdelay $0x3  }
0x36: {  	p1 =	seq.s32 s10, $0x1;
	s10 =	sld [smem:$0x3FAE];
	_ =	sdelay $0x3  }
0x37: {  	[smem:$0x3FAE] =	sst s10  }
0x38: {  	s10 =	sld [smem:$0x3FAF]  }
0x39: {  	_ = 	snop;
	(pc) =	sbr.ind lr, $3  }
0x3a: {  	_ = 	snop  }
0x3b: {  	_ = 	snop  }
0x3c: {  	p2 =	seq.s32 s10, $0x1;
	s10 =	sld [smem:$0x3FAE]  }
0x3d: {  	_ =	shalt  }
0x3e: {  	_ =	shalt  }
0x3f: {  	_ =	shalt  }
0x40: {  	_ =	shalt  }
0x41: {  	_ =	shalt  }
0x42: {  	_ =	shalt  }
0x43: {  	_ =	shalt  }
0x44: {  	_ =	shalt  }
0x45: {  	_ =	shalt  }
0x46: {  	_ =	shalt  }
0x47: {  	_ =	shalt  }
0x48: {  	_ =	shalt  }
0x49: {  	_ =	shalt  }
0x4a: {  	_ =	shalt  }
0x4b: {  	_ =	shalt  }
0x4c: {  	_ =	shalt  }
0x4d: {  	_ =	shalt  }
0x4e: {  	_ =	shalt  }
0x4f: {  	_ =	shalt  }
0x50: {  	_ =	shalt  }
0x51: {  	_ =	shalt  }
0x52: {  	_ =	shalt  }
0x53: {  	_ =	shalt  }
0x54: {  	_ =	shalt  }
0x55: {  	_ =	shalt  }
0x56: {  	_ =	shalt  }
0x57: {  	_ =	shalt  }
0x58: {  	_ =	shalt  }
0x59: {  	_ =	shalt  }
0x5a: {  	_ =	shalt  }
0x5b: {  	_ =	shalt  }
0x5c: {  	_ =	shalt  }
0x5d: {  	_ =	shalt  }
0x5e: {  	_ =	shalt  }
0x5f: {  	_ =	shalt  }
0x60: {  	_ =	shalt  }
0x61: {  	_ =	shalt  }
0x62: {  	_ =	shalt  }
0x63: {  	_ =	shalt  }
0x64: {  	_ =	shalt  }
0x65: {  	_ =	shalt  }
0x66: {  	_ =	shalt  }
0x67: {  	_ =	shalt  }
0x68: {  	_ =	shalt  }
0x69: {  	_ =	shalt  }
0x6a: {  	_ =	shalt  }
0x6b: {  	_ =	shalt  }
0x6c: {  	_ =	shalt  }
0x6d: {  	_ =	shalt  }
0x6e: {  	_ =	shalt  }
0x6f: {  	_ =	shalt  }
0x70: {  	_ =	shalt  }
0x71: {  	_ =	shalt  }
0x72: {  	_ =	shalt  }
0x73: {  	_ =	shalt  }
0x74: {  	_ =	shalt  }
0x75: {  	_ =	shalt  }
0x76: {  	_ =	shalt  }
0x77: {  	_ =	shalt  }
0x78: {  	_ =	shalt  }
0x79: {  	_ =	shalt  }
0x7a: {  	_ =	shalt  }
0x7b: {  	_ =	shalt  }
0x7c: {  	_ =	shalt  }
0x7d: {  	_ =	shalt  }
0x7e: {  	_ =	shalt  }
0x7f: {  	_ =	shalt  }
0x80: {  	_ =	shalt  }
0x81: {  	_ =	shalt  }
0x82: {  	_ =	shalt  }
0x83: {  	_ =	shalt  }
0x84: {  	_ =	shalt  }
0x85: {  	_ =	shalt  }
0x86: {  	_ =	shalt  }
0x87: {  	_ =	shalt  }
.Lfunc_end0:
.L_simem_size_0:
called_computation.3_lowered:
.L_overlay_start_0:
0x88: {  	s2 =	sld [smem:$0x3FD9]  }
0x89: {  	s3 =	sld [smem:$0x3FFE];
	_ =	sdelay $0x1  }
0x8a: {  	s1 =	srdreg.scid  }
0x8b: {  	s0 =	sand.u32 $0x1, s1  }
0x8c: {  	s17 =	sshll.u32 s0, $0xA;
	s2 =	sadd.s32 s3, s2  }
0x8d: {  	s2 =	sadd.s32 s2, s17  }
0x8e: {  	[smem:$0x3FBA] =	sst s2  }
0x8f: {  	_ = 	snop  }
0x90: {  	s2 =	sld [smem:$0x3FD0];
	(tm) =	ssettm $0x1  }
0x91: {  	s18 =	sld [smem:$0x3FFB];
	_ =	sdelay $0x3  }
0x92: {  	_ =	strace s18  }
0x93: {  	s3 =	sld [smem:$0x3FFC];
	_ =	sdelay $0x3  }
0x94: {  	_ =	strace s3  }
0x95: {  	s3 =	sld [smem:$0x3FFD];
	_ =	sdelay $0x3  }
0x96: {  	_ =	strace s3  }
0x97: {  	_ =	strace $0x8FFFFFFF  }
0x98: {  	s19 =	sld [smem:$0x3FDB];
	_ =	sdelay $0x1  }
0x99: {  	s4 =	simm.s32 $_scs_section_size  }
0x9a: {  	s5 =	simm.s32 $_size__tile_overlayer_lowered;
	s6 =	simm.s32 $_tile_overlayer_lowered  }
0x9b: {  	s22 =	simm.s32 $0x1BFF;
	s21 =	sshll.u32 s6, $0x1;
	s3 =	sadd.s32 s4, s19  }
0x9c: {  	s7 =	simm.s32 $0x0;
	s20 =	sshll.u32 s5, $0x1;
	s5 =	sadd.s32 s21, s3  }
0x9d: {  	[timem:s7], [sflag:s22] =	dma.local [hbm:s5], s20  }
0x9e: {  	_ =	swait.ge [sflag:s22], s20  }
0x9f: {  	s4 =	ssub.s32 $0x0, s20;
	[sflag:s22] =	ssyncset.done $0x0  }
0xa0: {  	[sflag:s22] =	ssyncadd.s32 s4;
	_ =	sdelay $0x1  }
0xa1: {  	s23 =	simm.s32 $0x1B8B  }
0xa2: {  	_ =	swait.ge [sflag:s23], $0x1  }
0xa3: {  	[sflag:s23] =	ssyncset.done $0x0  }
0xa4: {  	s25 =	simm.s32 $0x1B8E;
	s24 =	sld [smem:$0x3FFE];
	[sflag:s23] =	ssyncadd.s32 $0xFFFFFFFF  }
0xa5: {  	s26 =	simm.s32 $execute0_lowered;
	[smem:$0x3FD2] =	sst s25  }
0xa6: {  	s5 =	sshll.u32 s26, $0x1;
	_ =	strace $0x8000004F;
	[dreg:$0x1] =	wrdreg $0xFFFFFFFF  }
0xa7: {  	s28 =	simm.s32 $_size_execute0_lowered;
	s3 =	sadd.s32 s3, s5;
	[dreg:$0x0] =	wrdreg $0x0  }
0xa8: {  	s5 =	sshll.u32 s28, $0x1;
	[dreg:$0x2] =	wrdreg s3  }
0xa9: {  	[dreg:$0x3] =	wrdreg s5  }
0xaa: {  	[dreg:$0x4] =	wrdreg $0xC0  }
0xab: {  	_ =	task [dreg:s7], $0x5FFFF  }
0xac: {  	[dreg:$0x1] =	wrdreg $0xFFFFFFFF  }
0xad: {  	[dreg:$0x0] =	wrdreg $0x60  }
0xae: {  	[dreg:$0x2] =	wrdreg s24  }
0xaf: {  	[dreg:$0x3] =	wrdreg s2  }
0xb0: {  	[dreg:$0x4] =	wrdreg $0x2C800  }
0xb1: {  	[dreg:$0x5] =	wrdreg $0x9  }
0xb2: {  	_ =	task.clear_ibuf [dreg:s7], $0x6FFFF;
	_ =	strace $0x9000004F  }
0xb3: {  	s29 =	simm.s32 $0x9;
	_ =	strace $0x80000051  }
0xb4: {  	_ =	swait.ge [sflag:s29], $0x1  }
0xb5: {  	[sflag:s29] =	ssyncadd.s32 $0xFFFFFFFF  }
0xb6: {  	_ =	strace $0x90000051  }
0xb7: {  	_ =	sfence  }
0xb8: {  	s30 =	sld [smem:$0x0];
	_ =	sdelay $0x2  }
0xb9: {  	s31 =	sshll.u32 s1, $0xD;
	s1 =	sshrl.u32 s1, $0x2  }
0xba: {  	s3 =	sand.u32 $0x4000, s31;
	s1 =	sadd.s32 s1, s30  }
0xbb: {  	s0 =	sor.u32 s3, s0;
	s1 =	sshll.u32 s1, $0x11  }
0xbc: {  	s0 =	sor.u32 s1, s0  }
0xbd: {  	s0 =	sadd.s32 $0x8F2B, s0  }
0xbe: {  	[sflag:s0] =	ssyncadd.remote.s32 $0x1  }
0xbf: {  	_ =	sfence.sel $0xFFFF  }
0xc0: {  	[dreg:$0x0] =	wrdreg $0xFFFFFFFF;
	(pc) =	sbr.abs _section_cstart, $3  }
0xc1: {  	[dreg:$0x1] =	wrdreg $0xFFFFFFFF  }
0xc2: {  	_ =	task.clear_ibuf [dreg:s7], $0x2FFFF;
	_ =	strace $0x9FFFFFFF  }
0xc3: {  	(tm) =	ssettm $0x7FFFFFFF  }
tec
execute0_lowered:
.L_overlay_start_1:
0x0: {  	(tag) =	ssettag $0x1  }
0x1: {  	s0 =	rddreg [dreg:$0x0]  }
0x2: {  	s1 =	rddreg [dreg:$0x1]  }
0x3: {  	s2 =	rddreg [dreg:$0x2]  }
0x4: {  	s3 =	srdreg.scid;
	s5 =	simm.s32 $0x0;
	s11 =	stileid.u32  }
0x5: {  	s29 =	simm.s32 $0x100;
	s30 =	simm.s32 $0x2;
	s31 =	simm.s32 $0x2980  }
0x6: {  	s3 =	sand.u32 $0x1, s3;
	[smem:$0x7FF] =	sst s5;
	s6 =	smul.u32 $0x14000, s11  }
0x7: {  	s5 =	sadd.s32 $0x35C00, s0;
	s7 =	sadd.s32 $0x3FA00, s0;
	s10 =	smul.u32 $0x50000, s11  }
0x8: {  	s8 =	sadd.s32 $0xDC00, s0;
	s4 =	smul.u32 $0x140000, s3;
	_ =	strace $0x80000050  }
0x9: {  	[dreg:$0x4] =	wrdreg s7;
	s7 =	sadd.s32 $0x3400, s0;
	s18 =	ssub.s32 $0x2, s3  }
0xa: {  	p0 =	seq.s32 s3, $0x1;
	s3 =	simm.s32 $0x50;
	s9 =	sshrl.u32 s18, $0x1  }
0xb: {  	s20 =	sshrl.u32 s10, $0x2;
	s10 =	simm.s32 $0x0;
	s4 =	sadd.s32 s6, s4  }
0xc: {  	s19 =	ssub.s32 s18, s9;
	s9 =	smul.u32 $0x4E20, s11;
	s11 =	sadd.s32 s20, s2  }
0xd: {  	s6 =	simm.s32 $0x1;
	s4 =	sshrl.u32 s4, $0x3;
	s21 =	smax.u32 s19, $0x1  }
0xe: {  	s22 =	sadd.s32 $0x1400, s11;
	s23 =	sadd.s32 $0x2800, s11;
	[dreg:$0x6] =	wrdreg s21  }
0xf: {  	s24 =	sadd.s32 $0x3C00, s11;
	s25 =	sadd.s32 $0x5000, s11;
	[dreg:$0x7] =	wrdreg s22  }
0x10: {  	s26 =	sadd.s32 $0x6400, s11;
	s18 =	sadd.s32 $0x7800, s11;
	[dreg:$0x8] =	wrdreg s23  }
0x11: {  	s19 =	sadd.s32 $0x8C00, s11;
	s20 =	sadd.s32 $0xA000, s11;
	[dreg:$0x9] =	wrdreg s24  }
.Ltmp0:
0x12: {  	s28 =	sadd.s32 $0x12C00, s11;
	[dreg:$0xa] =	wrdreg s25;
	(pc) =	sbr.rel .LBB2_1-.Ltmp0, $4  }
0x13: {  	s0 =	sadd.s32 s4, s0;
	[dreg:$0xb] =	wrdreg s26;
	s21 =	sadd.s32 $0xB400, s11  }
0x14: {  	s22 =	sadd.s32 $0xC800, s11;
	s23 =	sadd.s32 $0xDC00, s11;
	s24 =	sadd.s32 $0xF000, s11  }
0x15: {  	v0 =	vimm.f32 $0.0e+00;
	vm0 =	vcmask $0x300;
	s25 =	sadd.s32 $0x10400, s11;
	s26 =	sadd.s32 $0x11800, s11;
	s0 =	sadd.s32 $0x3FC00, s0  }
0x16: {  	v1 =	vsel vm0, $0x3F800000, v0;
	s4 =	simm.s32 $0x2900;
	[dreg:$0x5] =	wrdreg s0;
	s0 =	simm.s32 $0x80  }
.LBB2_14:
0x17: {  	s12 =	stileid.u32  }
0x18: {  	[bflag:$0x0] =	sbarrier.arrive $0xFFFF;
	s12 =	sshll.u32 s12, $0x6  }
0x19: {  	s13 =	sshrl.u32 s11, $0x3;
	s14 =	rddreg [dreg:$0x5];
	s12 =	sor.u32 $0x1C02, s12  }
0x1a: {  	[hbm:s14], [sflag:s12] =	dma.local [spmem:s13], $0x2800  }
0x1b: {  	_ =	swait.ge [sflag:s30], $0x2800  }
0x1c: {  	s10 =	sadd.s32 $0x1, s10;
	s17 =	rddreg [dreg:$0x6]  }
0x1d: {  	p1 =	sne.s32 s10, s17  }
.Ltmp1:
0x1e: {  	_ = 	snop;
	(pc) =	sbr.rel @!p1 .LBB2_15-.Ltmp1, $3  }
0x1f: {  	_ =	sdelay $0x1  }
0x20: {  	[sflag:s30] =	ssyncset.done $0x0  }
0x21: {  	[sflag:s30] =	ssyncadd.s32 $0xFFFFD800  }
.LBB2_1:
0x22: {  	s12 =	simm.s32 $0x0;
	s13 =	simm.s32 $0x200  }
.LBB2_2:
0x23: {  	p1 =	sne.s32 s13, $0x9E00;
	[tilespmem:s12+$0x170] =	vst v0  }
0x24: {  	[tilespmem:s12+$0x100] =	vst v0  }
0x25: {  	[tilespmem:s12+$0x110] =	vst v0  }
.Ltmp2:
0x26: {  	[tilespmem:s12+$0x120] =	vst v0;
	(pc) =	sbr.rel @p1 .LBB2_2-.Ltmp2, $4  }
0x27: {  	[tilespmem:s12+$0x130] =	vst v0  }
0x28: {  	[tilespmem:s12+$0x140] =	vst v0  }
0x29: {  	[tilespmem:s12+$0x150] =	vst v0  }
0x2a: {  	[tilespmem:s12+$0x160] =	vst v0;
	s12 =	sshra.s32 s13, $0x2;
	s13 =	sadd.s32 $0x200, s13  }
0x2b: {  	[tilespmem:s12+$0x170] =	vst v0  }
0x2c: {  	[tilespmem:s12+$0x100] =	vst v0  }
0x2d: {  	[tilespmem:s12+$0x110] =	vst v0  }
0x2e: {  	[tilespmem:s12+$0x120] =	vst v0  }
0x2f: {  	[tilespmem:s12+$0x130] =	vst v0  }
0x30: {  	[tilespmem:s12+$0x140] =	vst v0  }
0x31: {  	[tilespmem:s12+$0x150] =	vst v0  }
0x32: {  	[tilespmem:s12+$0x160] =	vst v0  }
0x33: {  	[spmem:s11] =	stream.linear.scatter [tilespmem:s29], [sflag:$0x2], $0x1400, $0x38;
	[tilespmem:$0x16C80] =	vst v63  }
0x34: {  	_ =	swait.ge [sflag:s30], $0x1400  }
0x35: {  	[sflag:s30] =	ssyncset.done $0x0  }
0x36: {  	s17 =	rddreg [dreg:$0x7];
	[sflag:s30] =	ssyncadd.s32 $0xFFFFEC00  }
0x37: {  	[spmem:s17] =	stream.linear.scatter [tilespmem:s29], [sflag:$0x2], $0x1400, $0x38;
	[tilespmem:$0x16C80] =	vst v63  }
0x38: {  	_ =	swait.ge [sflag:s30], $0x1400  }
0x39: {  	[sflag:s30] =	ssyncset.done $0x0  }
0x3a: {  	s13 =	rddreg [dreg:$0x8];
	[sflag:s30] =	ssyncadd.s32 $0xFFFFEC00  }
0x3b: {  	[spmem:s13] =	stream.linear.scatter [tilespmem:s29], [sflag:$0x2], $0x1400, $0x38;
	[tilespmem:$0x16C80] =	vst v63  }
0x3c: {  	_ =	swait.ge [sflag:s30], $0x1400  }
0x3d: {  	[sflag:s30] =	ssyncset.done $0x0  }
0x3e: {  	s14 =	rddreg [dreg:$0x9];
	[sflag:s30] =	ssyncadd.s32 $0xFFFFEC00  }
0x3f: {  	[spmem:s14] =	stream.linear.scatter [tilespmem:s29], [sflag:$0x2], $0x1400, $0x38;
	[tilespmem:$0x16C80] =	vst v63  }
0x40: {  	_ =	swait.ge [sflag:s30], $0x1400  }
0x41: {  	[sflag:s30] =	ssyncset.done $0x0  }
0x42: {  	s15 =	rddreg [dreg:$0xa];
	[sflag:s30] =	ssyncadd.s32 $0xFFFFEC00  }
0x43: {  	[spmem:s15] =	stream.linear.scatter [tilespmem:s29], [sflag:$0x2], $0x1400, $0x38;
	[tilespmem:$0x16C80] =	vst v63  }
0x44: {  	_ =	swait.ge [sflag:s30], $0x1400  }
0x45: {  	[sflag:s30] =	ssyncset.done $0x0  }
0x46: {  	s16 =	rddreg [dreg:$0xb];
	[sflag:s30] =	ssyncadd.s32 $0xFFFFEC00  }
0x47: {  	[spmem:s16] =	stream.linear.scatter [tilespmem:s29], [sflag:$0x2], $0x1400, $0x38;
	[tilespmem:$0x16C80] =	vst v63  }
0x48: {  	_ =	swait.ge [sflag:s30], $0x1400  }
0x49: {  	[sflag:s30] =	ssyncset.done $0x0  }
0x4a: {  	[sflag:s30] =	ssyncadd.s32 $0xFFFFEC00  }
0x4b: {  	[spmem:s18] =	stream.linear.scatter [tilespmem:s29], [sflag:$0x2], $0x1400, $0x38;
	[tilespmem:$0x16C80] =	vst v63  }
0x4c: {  	_ =	swait.ge [sflag:s30], $0x1400  }
0x4d: {  	[sflag:s30] =	ssyncset.done $0x0  }
0x4e: {  	[sflag:s30] =	ssyncadd.s32 $0xFFFFEC00  }
0x4f: {  	[spmem:s19] =	stream.linear.scatter [tilespmem:s29], [sflag:$0x2], $0x1400, $0x38;
	[tilespmem:$0x16C80] =	vst v63  }
0x50: {  	_ =	swait.ge [sflag:s30], $0x1400  }
0x51: {  	[sflag:s30] =	ssyncset.done $0x0  }
0x52: {  	[sflag:s30] =	ssyncadd.s32 $0xFFFFEC00  }
0x53: {  	[spmem:s20] =	stream.linear.scatter [tilespmem:s29], [sflag:$0x2], $0x1400, $0x38;
	[tilespmem:$0x16C80] =	vst v63  }
0x54: {  	_ =	swait.ge [sflag:s30], $0x1400  }
0x55: {  	[sflag:s30] =	ssyncset.done $0x0  }
0x56: {  	[sflag:s30] =	ssyncadd.s32 $0xFFFFEC00  }
0x57: {  	[spmem:s21] =	stream.linear.scatter [tilespmem:s29], [sflag:$0x2], $0x1400, $0x38;
	[tilespmem:$0x16C80] =	vst v63  }
0x58: {  	_ =	swait.ge [sflag:s30], $0x1400  }
0x59: {  	[sflag:s30] =	ssyncset.done $0x0  }
0x5a: {  	[sflag:s30] =	ssyncadd.s32 $0xFFFFEC00  }
0x5b: {  	[spmem:s22] =	stream.linear.scatter [tilespmem:s29], [sflag:$0x2], $0x1400, $0x38;
	[tilespmem:$0x16C80] =	vst v63  }
0x5c: {  	_ =	swait.ge [sflag:s30], $0x1400  }
0x5d: {  	[sflag:s30] =	ssyncset.done $0x0  }
0x5e: {  	[sflag:s30] =	ssyncadd.s32 $0xFFFFEC00  }
0x5f: {  	[spmem:s23] =	stream.linear.scatter [tilespmem:s29], [sflag:$0x2], $0x1400, $0x38;
	[tilespmem:$0x16C80] =	vst v63  }
0x60: {  	_ =	swait.ge [sflag:s30], $0x1400  }
0x61: {  	[sflag:s30] =	ssyncset.done $0x0  }
0x62: {  	[sflag:s30] =	ssyncadd.s32 $0xFFFFEC00  }
0x63: {  	[spmem:s24] =	stream.linear.scatter [tilespmem:s29], [sflag:$0x2], $0x1400, $0x38;
	[tilespmem:$0x16C80] =	vst v63  }
0x64: {  	_ =	swait.ge [sflag:s30], $0x1400  }
0x65: {  	[sflag:s30] =	ssyncset.done $0x0  }
0x66: {  	[sflag:s30] =	ssyncadd.s32 $0xFFFFEC00  }
0x67: {  	[spmem:s25] =	stream.linear.scatter [tilespmem:s29], [sflag:$0x2], $0x1400, $0x38;
	[tilespmem:$0x16C80] =	vst v63  }
0x68: {  	_ =	swait.ge [sflag:s30], $0x1400  }
0x69: {  	[sflag:s30] =	ssyncset.done $0x0  }
0x6a: {  	[sflag:s30] =	ssyncadd.s32 $0xFFFFEC00  }
0x6b: {  	[spmem:s26] =	stream.linear.scatter [tilespmem:s29], [sflag:$0x2], $0x1400, $0x38;
	[tilespmem:$0x16C80] =	vst v63  }
0x6c: {  	_ =	swait.ge [sflag:s30], $0x1400  }
0x6d: {  	[sflag:s30] =	ssyncset.done $0x0  }
0x6e: {  	[sflag:s30] =	ssyncadd.s32 $0xFFFFEC00  }
0x6f: {  	[spmem:s28] =	stream.linear.scatter [tilespmem:s29], [sflag:$0x2], $0x1400, $0x38;
	[tilespmem:$0x16C80] =	vst v63  }
0x70: {  	_ =	swait.ge [sflag:s30], $0x1400  }
0x71: {  	[sflag:s30] =	ssyncset.done $0x0  }
0x72: {  	[sflag:s30] =	ssyncadd.s32 $0xFFFFEC00  }
0x73: {  	[bflag:$0x0] =	sbarrier.arrive $0xFFFF  }
0x74: {  	s17 =	simm.s32 $0x0;
	s14 =	simm.s32 $0x2A00;
	s13 =	rddreg [dreg:$0x4]  }
0x75: {  	[tilespmem:s14], [sflag:$0x2] =	stream.linear.gather [hbm4b:s13+s17], $0x200, $0x38;
	[tilespmem:$0x16C80] =	vst v63  }
0x76: {  	_ =	swait.ge [sflag:s30], $0x200  }
0x77: {  	[sflag:s30] =	ssyncset.done $0x0  }
0x78: {  	[sflag:s30] =	ssyncadd.s32 $0xFFFFFE00  }
0x79: {  	v2 =	vld [tilespmem:$0x2A00];
	_ =	sdelay $0x4  }
0x7a: {  	s12 =	simm.s32 $0x80;
	s13 =	simm.s32 $0x10;
	[tilespmem:$0x2C00] =	vst v2  }
.LBB2_4:
0x7b: {  	p1 =	sne.s32 s12, $0x7C0;
	v3 =	vld [tilespmem:s13+$0x2A00];
	_ =	sdelay $0x1  }
.Ltmp3:
0x7c: {  	(pc) =	sbr.rel @p1 .LBB2_4-.Ltmp3, $3  }
0x7d: {  	_ =	sdelay $0x1  }
0x7e: {  	v2 =	vmax.f32 v2, v3  }
0x7f: {  	s13 =	sshra.s32 s12, $0x2;
	s12 =	sadd.s32 $0x40, s12;
	[tilespmem:$0x2C00] =	vst v2  }
0x80: {  	v3 =	vld [tilespmem:s13+$0x2A00];
	_ =	sdelay $0x4  }
0x81: {  	v2 =	vmax.f32 v2, v3  }
0x82: {  	(xrf0) =	vmax.scan.msk.f32 $0xffff, v2;
	_ =	sdelay $0x2  }
.Ltmp4:
0x83: {  	_ = 	snop;
	(pc) =	sbr.rel .LBB2_6-.Ltmp4, $3  }
0x84: {  	_ =	sdelay $0x1  }
0x85: {  	v3, _, _ =	vpop (xrf0)  }
0x86: {  	s12 =	simm.s32 $0x0;
	s13 =	simm.s32 $0x0;
	[tilespmem:$0x2C00] =	vst v2;
	v2 =	vbroadcast v3, $0xF  }
.LBB2_9:
0x87: {  	[tilespmem:s14+$0x30] =	vst v11  }
0x88: {  	[tilespmem:s14+$0xFFFFFFC0] =	vst v9  }
0x89: {  	v3 =	vmul.f32 v3, v4;
	[tilespmem:s14+$0x10] =	vst v10  }
0x8a: {  	v7 =	vmul.f32 v7, v4;
	[tilespmem:s14+$0xFFFFFFE0] =	vst v8  }
0x8b: {  	v5 =	vmul.f32 v5, v4;
	[tilespmem:s14+$0xFFFFFFF0] =	vst v3  }
0x8c: {  	v3 =	vmul.f32 v6, v4;
	[tilespmem:s14+$0x0] =	vst v7  }
0x8d: {  	[tilespmem:s14+$0x20] =	vst v5  }
0x8e: {  	[tilespmem:s14+$0xFFFFFFD0] =	vst v3  }
.LBB2_13:
0x8f: {  	s13 =	sadd.s32 $0x1, s13  }
0x90: {  	p1 =	sne.s32 s13, $0xFA  }
.Ltmp5:
0x91: {  	_ = 	snop;
	(pc) =	sbr.rel @!p1 .LBB2_14-.Ltmp5, $4  }
0x92: {  	[spmem:s2] =	stream.indirect.scatter.add.f32 [tilespmem:s29], [sflag:$0x2], $0x80, s0, s3, $0xb8;
	[tilespmem:$0x16C80] =	vst v63  }
0x93: {  	_ =	swait.ge [sflag:s30], $0x2800  }
0x94: {  	[sflag:s30] =	ssyncset.done $0x0  }
0x95: {  	[sflag:s30] =	ssyncadd.s32 $0xFFFFD800  }
.LBB2_6:
0x96: {  	s14 =	smul.u32 $0x50, s13;
	_ =	sdelay $0x1  }
0x97: {  	s14 =	sadd.s32 s9, s14  }
0x98: {  	s14 =	sshrl.u32 s14, $0x3  }
0x99: {  	s15 =	sadd.s32 s1, s14  }
0x9a: {  	[tilespmem:s0], [sflag:$0x2] =	stream.linear.gather [hbm4b:s15+s12], $0x50, $0x38;
	[tilespmem:$0x16C80] =	vst v63  }
0x9b: {  	_ =	swait.ge [sflag:s30], $0x50  }
0x9c: {  	[sflag:s30] =	ssyncset.done $0x0  }
0x9d: {  	s17 =	sadd.s32 s5, s14;
	[sflag:s30] =	ssyncadd.s32 $0xFFFFFFB0  }
0x9e: {  	[tilespmem:s4], [sflag:$0x2] =	stream.linear.gather [hbm4b:s17+s12], $0x50, $0x38;
	[tilespmem:$0x16C80] =	vst v63  }
0x9f: {  	_ =	swait.ge [sflag:s30], $0x50  }
0xa0: {  	[sflag:s30] =	ssyncset.done $0x0  }
0xa1: {  	[sflag:s30] =	ssyncadd.s32 $0xFFFFFFB0  }
0xa2: {  	v3 =	vld [tilespmem:$0x2900]  }
0xa3: {  	v4 =	vld [tilespmem:$0x2910]  }
0xa4: {  	v5 =	vld [tilespmem:$0x2920]  }
0xa5: {  	v6 =	vld [tilespmem:$0x2930]  }
0xa6: {  	v7 =	vld [tilespmem:$0x2940]  }
0xa7: {  	v3 =	vsub.f32 v3, v2  }
0xa8: {  	v4 =	vsub.f32 v4, v2  }
0xa9: {  	v5 =	vsub.f32 v5, v2;
	v3 =	vmul.f32 $1.442695020e+00, v3  }
0xaa: {  	v6 =	vsub.f32 v6, v2;
	v4 =	vmul.f32 $1.442695020e+00, v4  }
0xab: {  	v60 =	vsub.f32 v7, v2;
	(erf) = vpow2.f32 v3;
	v3 =	vmul.f32 $1.442695020e+00, v5  }
0xac: {  	v61 =	vmul.f32 $1.442695020e+00, v6;
	(erf) = vpow2.f32 v4  }
0xad: {  	(erf) = vpow2.f32 v3;
	v3 =	vmul.f32 $1.442695020e+00, v60  }
0xae: {  	(erf) = vpow2.f32 v61  }
0xaf: {  	(erf) = vpow2.f32 v3;
	_ =	sdelay $0x4  }
0xb0: {  	v3 =	vpop (erf)  }
.Ltmp6:
0xb1: {  	v62 =	vpop (erf);
	[tilespmem:$0x2980] =	vst v3;
	(pc) =	sbr.rel @!p0 .LBB2_7-.Ltmp6, $4  }
0xb2: {  	v3 =	vpop (erf);
	[tilespmem:$0x2990] =	vst v62  }
0xb3: {  	v63 =	vpop (erf);
	[tilespmem:$0x29A0] =	vst v3  }
0xb4: {  	[tilespmem:$0x29B0] =	vst v63;
	v3 =	vpop (erf)  }
0xb5: {  	s15 =	simm.s32 $0x100;
	[tilespmem:$0x29C0] =	vst v3  }
0xb6: {  	v3 =	vmov s12;
	_ =	sdelay $0x4  }
0xb7: {  	v3 =	vld.idx.msk [tilespmem:v3+s31+$0x0], $0xffff;
	_ =	sdelay $0x1  }
0xb8: {  	s14 =	sadd.s32 $0x1, s12  }
0xb9: {  	v4 =	vmov s14;
	_ =	sdelay $0x1  }
0xba: {  	v3 =	vmul.f32 v1, v3;
	_ =	sdelay $0x1  }
0xbb: {  	[tilespmem:s15+$0x0] =	vst v3  }
0xbc: {  	v4 =	vld.idx.msk [tilespmem:v4+s31+$0x0], $0xffff;
	_ =	sdelay $0x1  }
0xbd: {  	s14 =	sadd.s32 $0x1, s14  }
0xbe: {  	v3 =	vmov s14;
	s14 =	sadd.s32 $0x1, s14  }
.LBB2_11:
0xbf: {  	p1 =	sne.s32 s14, $0x4F  }
0xc0: {  	v4 =	vmul.f32 v1, v4  }
0xc1: {  	s15 =	sadd.s32 $0x80, s15  }
0xc2: {  	[tilespmem:s15+$0x0] =	vst v4  }
.Ltmp7:
0xc3: {  	v4 =	vld.idx.msk [tilespmem:v3+s31+$0x0], $0xffff;
	(pc) =	sbr.rel @p1 .LBB2_11-.Ltmp7, $2  }
0xc4: {  	_ =	sdelay $0x2  }
0xc5: {  	v3 =	vmov s14;
	s14 =	sadd.s32 $0x1, s14  }
0xc6: {  	_ = 	snop  }
0xc7: {  	v4 =	vmul.f32 v1, v4  }
0xc8: {  	s14 =	sadd.s32 $0x80, s15  }
0xc9: {  	[tilespmem:s14+$0x0] =	vst v4  }
0xca: {  	v3 =	vld.idx.msk [tilespmem:v3+s31+$0x0], $0xffff;
	_ =	sdelay $0x2  }
.Ltmp8:
0xcb: {  	_ = 	snop;
	(pc) =	sbr.rel .LBB2_13-.Ltmp8, $4  }
0xcc: {  	_ = 	snop  }
0xcd: {  	v3 =	vmul.f32 v1, v3  }
0xce: {  	s14 =	sadd.s32 $0x80, s14  }
0xcf: {  	[tilespmem:s14+$0x0] =	vst v3  }
.LBB2_7:
0xd0: {  	s14 =	sadd.s32 s7, s14;
	s15 =	simm.s32 $0x0  }
0xd1: {  	[tilespmem:s15], [sflag:$0x2] =	stream.linear.gather [hbm4b:s14+s15], $0x50, $0x38;
	[tilespmem:$0x16C80] =	vst v63  }
0xd2: {  	_ =	swait.ge [sflag:s30], $0x50  }
0xd3: {  	[sflag:s30] =	ssyncset.done $0x0  }
0xd4: {  	[sflag:s30] =	ssyncadd.s32 $0xFFFFFFB0  }
0xd5: {  	[tilespmem:s29], [sflag:$0x1] =	stream.indirect.gather [hbm4b:s8+s3], $0x80, s15, s3, $0xb8;
	[tilespmem:$0x16C80] =	vst v63  }
0xd6: {  	_ =	swait.ge [sflag:s6], $0x2800  }
0xd7: {  	v3 =	vmov s15;
	[sflag:s6] =	ssyncset.done $0x0  }
0xd8: {  	s14 =	simm.s32 $0x140;
	[sflag:s6] =	ssyncadd.s32 $0xFFFFD800  }
0xd9: {  	v7 =	vld [tilespmem:s14+$0x30]  }
0xda: {  	v10 =	vld [tilespmem:s14+$0x10]  }
0xdb: {  	v8 =	vld [tilespmem:s14+$0xFFFFFFC0]  }
0xdc: {  	v4 =	vld.idx.msk [tilespmem:v3+s31+$0x0], $0xffff  }
0xdd: {  	v12 =	vld [tilespmem:s14+$0xFFFFFFE0]  }
0xde: {  	v3 =	vld [tilespmem:s14+$0xFFFFFFF0]  }
0xdf: {  	v5 =	vld [tilespmem:s14+$0x20]  }
0xe0: {  	v6 =	vld [tilespmem:s14+$0xFFFFFFD0]  }
0xe1: {  	v11 =	vmul.f32 v7, v4;
	v7 =	vld [tilespmem:s14+$0x0]  }
0xe2: {  	v9 =	vmul.f32 v8, v4  }
0xe3: {  	s16 =	simm.s32 $0x140;
	s15 =	simm.s32 $0x1;
	v8 =	vmul.f32 v12, v4;
	v10 =	vmul.f32 v10, v4  }
.LBB2_8:
0xe4: {  	p1 =	seq.s32 s15, $0x4F  }
0xe5: {  	v6 =	vmul.f32 v6, v4;
	v5 =	vmul.f32 v5, v4;
	[tilespmem:s14+$0x30] =	vst v11;
	s16 =	sadd.s32 $0x80, s16;
	s17 =	smov.u32 s15;
	s15 =	sadd.s32 $0x1, s15  }
0xe6: {  	[tilespmem:s14+$0xFFFFFFC0] =	vst v9;
	v9 =	vmul.f32 v3, v4;
	v4 =	vmul.f32 v7, v4  }
0xe7: {  	[tilespmem:s14+$0x10] =	vst v10  }
0xe8: {  	v7 =	vmov s17;
	[tilespmem:s14+$0xFFFFFFE0] =	vst v8  }
0xe9: {  	v3 =	vld [tilespmem:s16+$0xFFFFFFF0];
	[tilespmem:s14+$0xFFFFFFF0] =	vst v9  }
0xea: {  	v8 =	vld [tilespmem:s16+$0x30];
	[tilespmem:s14+$0x0] =	vst v4  }
0xeb: {  	v10 =	vld [tilespmem:s16+$0x10];
	[tilespmem:s14+$0x20] =	vst v5  }
0xec: {  	v9 =	vld [tilespmem:s16+$0xFFFFFFC0];
	[tilespmem:s14+$0xFFFFFFD0] =	vst v6;
	s14 =	smov.u32 s16  }
0xed: {  	v4 =	vld.idx.msk [tilespmem:v7+s31+$0x0], $0xffff  }
0xee: {  	v12 =	vld [tilespmem:s16+$0xFFFFFFE0]  }
0xef: {  	v5 =	vld [tilespmem:s16+$0x20]  }
.Ltmp9:
0xf0: {  	v6 =	vld [tilespmem:s16+$0xFFFFFFD0];
	(pc) =	sbr.rel @!p1 .LBB2_8-.Ltmp9, $3  }
0xf1: {  	v7 =	vld [tilespmem:s16+$0x0];
	_ =	sdelay $0x1  }
0xf2: {  	v9 =	vmul.f32 v9, v4;
	v11 =	vmul.f32 v8, v4  }
0xf3: {  	v10 =	vmul.f32 v10, v4;
	v8 =	vmul.f32 v12, v4  }
.Ltmp10:
0xf4: {  	_ = 	snop;
	(pc) =	sbr.rel .LBB2_9-.Ltmp10, $1  }
0xf5: {  	_ =	sdelay $0x3  }
.LBB2_15:
0xf6: {  	_ =	sfence.sel $0x180000  }
0xf7: {  	[bflag:$0x0] =	sbarrier.arrive $0xFFFF  }
0xf8: {  	_ =	strace $0x90000050  }
0xf9: {  	s0 =	stileid.u32;
	[bflag:$0x2] =	sbarrier.arrive $0xFFFF  }
0xfa: {  	p0 =	sne.s32 s0, $0x0;
	s0 =	rddreg [dreg:$0x3]  }
0xfb: {  	s0 =	sadd.s32 @!p0 $0x100000, s0  }
0xfc: {  	[sflag:s0] =	ssyncadd.tile.s32 @!p0 $0x1;
	_ =	shalt  }
.Lfunc_end2:
_tile_overlayer_lowered:
.L_overlay_start_2:
0xfd: {  	(tag) =	ssettag $0x2  }
0xfe: {  	s0 =	rddreg [dreg:$0x0];
	s2 =	stileid.u32  }
0xff: {  	s1 =	rddreg [dreg:$0x1];
	p0 =	sne.s32 s2, $0x0  }
0x100: {  	s3 =	rddreg [dreg:$0x2];
	[bflag:$0x3] =	sbarrier.arrive $0xFFFF;
	s2 =	simm.s32 @!p0 $0x1C02  }
0x101: {  	[timem:s3], [sflag:s2] =	dma.local @!p0 [hbm:s0], s1  }
0x102: {  	s0 =	simm.s32 @!p0 $0x2  }
0x103: {  	_ =	swait.ge @!p0 [sflag:s0], s1  }
0x104: {  	s1 =	ssub.s32 @!p0 $0x0, s1;
	[sflag:s0] =	ssyncset.done @!p0 $0x0  }
0x105: {  	[sflag:s0] =	ssyncadd.s32 @!p0 s1  }
0x106: {  	[bflag:$0x3] =	sbarrier.arrive $0xFFFF  }
0x107: {  	_ =	shalt  }

// kernel: kernel.9.cloned.1.call-start
scs
__scs_entry_jumppad:
0x0: {  	(pc) =	sbr.rel $0x88, $3  }
0x1: {  	(tag) =	ssettag $0x0;
	lr =	simm.s32 $0x1  }
0x2: {  	[smem:$0x3F93] =	sst lr;
	_ =	strace $0xD0000000  }
0x3: {  	_ = 	snop  }
0x4: {  	_ = 	snop  }
0x5: {  	_ = 	snop  }
0x6: {  	_ = 	snop  }
0x7: {  	_ = 	snop  }
__scs_overlays_trampoline_lowered:
0x8: {  	[smem:$0x3FA2] =	sst s0  }
0x9: {  	[smem:$0x3FA3] =	sst s1  }
0xa: {  	[smem:$0x3FA4] =	sst s2  }
0xb: {  	[smem:$0x3FA5] =	sst s3  }
0xc: {  	[smem:$0x3FA6] =	sst s4  }
0xd: {  	[smem:$0x3FA7] =	sst s5  }
0xe: {  	[smem:$0x3FA8] =	sst s6  }
0xf: {  	[smem:$0x3FA9] =	sst s7  }
0x10: {  	[smem:$0x3FAA] =	sst s8  }
0x11: {  	[smem:$0x3FAB] =	sst s9;
	s0 =	simm.s32 @!p0 $0x0  }
0x12: {  	s1 =	sld [smem:$0x3F91];
	s0 =	simm.s32 @p0 $0x1  }
0x13: {  	[smem:$0x3FAC] =	sst s0;
	s0 =	simm.s32 @!p1 $0x0  }
0x14: {  	s2 =	sld [smem:$0x3F90];
	s0 =	simm.s32 @p1 $0x1  }
0x15: {  	[smem:$0x3FAD] =	sst s0;
	s0 =	simm.s32 @!p2 $0x0  }
0x16: {  	s3 =	sld [smem:$0x3FDB];
	s0 =	simm.s32 @p2 $0x1  }
0x17: {  	s4 =	simm.s32 $0x1BF5;
	[smem:$0x3FAF] =	sst s0  }
0x18: {  	s0 =	sld [smem:$0x3F92];
	_ =	swait.ge [sflag:s4], $0x0  }
0x19: {  	s7 =	sld [smem:$0x3F93]  }
0x1a: {  	s8 =	sadd.s32 $0xFFFFE003, lr  }
0x1b: {  	s9 =	sadd.s32 $0xFFFFFEF7, lr;
	s5 =	simm.s32 $0xFFFFFFFF;
	p2 =	slt.u32 s8, $0xFFFFF086  }
0x1c: {  	p1 =	slt.u32 s9, $0xF7A;
	s5 =	simm.s32 @!p2 $0x0  }
0x1d: {  	s5 =	simm.s32 @p1 $0x1;
	p0 =	seq.s32 s7, s2  }
0x1e: {  	s7 =	smul.u32 @!p0 $0xF7A, s2;
	p2 =	seq.s32 @!p0 s5, $0x0  }
0x1f: {  	s9 =	smul.u32 $0xF7A, s1;
	s8 =	simm.s32 @!p0 $0x1BF5;
	p2 =	por !p2, p0  }
0x20: {  	[sflag:s8] =	ssyncset.s32 @!p0 $0xFFFFF086;
	s6 =	sadd.s32 @!p0 s3, s7;
	s7 =	simm.s32 @!p0 $0x108  }
0x21: {  	s3 =	sadd.s32 s3, s9;
	s6 =	sadd.s32 @!p0 $0x88, s6;
	s7 =	simm.s32 @p2 $0x1082  }
0x22: {  	[simem:s7], [sflag:s8] =	dma.local @!p0 [hbm:s6], $0xF7A  }
0x23: {  	s9 =	sor.u32 $0xD0000000, s2;
	s6 =	simm.s32 $0x108;
	_ =	swait.ge @!p0 [sflag:s8], $0x0  }
0x24: {  	s3 =	sadd.s32 $0x88, s3;
	s6 =	simm.s32 @!p1 $0x1082;
	[sflag:s4] =	ssyncset.s32 $0xFFFFF086  }
0x25: {  	[simem:s6], [sflag:s4] =	dma.local [hbm:s3], $0xF7A  }
0x26: {  	[smem:$0x3F93] =	sst s1;
	(tag) =	ssettag s2;
	_ =	strace s9  }
0x27: {  	s1 =	sld [smem:$0x3FA3]  }
0x28: {  	s2 =	sld [smem:$0x3FA4]  }
0x29: {  	s4 =	sld [smem:$0x3FA6]  }
0x2a: {  	p0 =	seq.s32 s5, $0x0;
	s5 =	sld [smem:$0x3FA7]  }
0x2b: {  	s6 =	sld [smem:$0x3FA8]  }
0x2c: {  	s7 =	sld [smem:$0x3FA9]  }
0x2d: {  	s3 =	simm.s32 $0x108;
	s8 =	sld [smem:$0x3FAA]  }
0x2e: {  	s3 =	simm.s32 @!p0 $0x1082;
	s9 =	sld [smem:$0x3FAB]  }
0x2f: {  	lr =	sadd.s32 s0, s3;
	s0 =	sld [smem:$0x3FA2]  }
0x30: {  	s3 =	sld [smem:$0x3FA5]  }
0x31: {  	[smem:$0x3FAE] =	sst s10  }
0x32: {  	s10 =	sld [smem:$0x3FAC];
	_ =	sdelay $0x3  }
0x33: {  	p0 =	seq.s32 s10, $0x1;
	s10 =	sld [smem:$0x3FAE];
	_ =	sdelay $0x3  }
0x34: {  	[smem:$0x3FAE] =	sst s10  }
0x35: {  	s10 =	sld [smem:$0x3FAD];
	_ =	sdelay $0x3  }
0x36: {  	p1 =	seq.s32 s10, $0x1;
	s10 =	sld [smem:$0x3FAE];
	_ =	sdelay $0x3  }
0x37: {  	[smem:$0x3FAE] =	sst s10  }
0x38: {  	s10 =	sld [smem:$0x3FAF]  }
0x39: {  	_ = 	snop;
	(pc) =	sbr.ind lr, $3  }
0x3a: {  	_ = 	snop  }
0x3b: {  	_ = 	snop  }
0x3c: {  	p2 =	seq.s32 s10, $0x1;
	s10 =	sld [smem:$0x3FAE]  }
0x3d: {  	_ =	shalt  }
0x3e: {  	_ =	shalt  }
0x3f: {  	_ =	shalt  }
0x40: {  	_ =	shalt  }
0x41: {  	_ =	shalt  }
0x42: {  	_ =	shalt  }
0x43: {  	_ =	shalt  }
0x44: {  	_ =	shalt  }
0x45: {  	_ =	shalt  }
0x46: {  	_ =	shalt  }
0x47: {  	_ =	shalt  }
0x48: {  	_ =	shalt  }
0x49: {  	_ =	shalt  }
0x4a: {  	_ =	shalt  }
0x4b: {  	_ =	shalt  }
0x4c: {  	_ =	shalt  }
0x4d: {  	_ =	shalt  }
0x4e: {  	_ =	shalt  }
0x4f: {  	_ =	shalt  }
0x50: {  	_ =	shalt  }
0x51: {  	_ =	shalt  }
0x52: {  	_ =	shalt  }
0x53: {  	_ =	shalt  }
0x54: {  	_ =	shalt  }
0x55: {  	_ =	shalt  }
0x56: {  	_ =	shalt  }
0x57: {  	_ =	shalt  }
0x58: {  	_ =	shalt  }
0x59: {  	_ =	shalt  }
0x5a: {  	_ =	shalt  }
0x5b: {  	_ =	shalt  }
0x5c: {  	_ =	shalt  }
0x5d: {  	_ =	shalt  }
0x5e: {  	_ =	shalt  }
0x5f: {  	_ =	shalt  }
0x60: {  	_ =	shalt  }
0x61: {  	_ =	shalt  }
0x62: {  	_ =	shalt  }
0x63: {  	_ =	shalt  }
0x64: {  	_ =	shalt  }
0x65: {  	_ =	shalt  }
0x66: {  	_ =	shalt  }
0x67: {  	_ =	shalt  }
0x68: {  	_ =	shalt  }
0x69: {  	_ =	shalt  }
0x6a: {  	_ =	shalt  }
0x6b: {  	_ =	shalt  }
0x6c: {  	_ =	shalt  }
0x6d: {  	_ =	shalt  }
0x6e: {  	_ =	shalt  }
0x6f: {  	_ =	shalt  }
0x70: {  	_ =	shalt  }
0x71: {  	_ =	shalt  }
0x72: {  	_ =	shalt  }
0x73: {  	_ =	shalt  }
0x74: {  	_ =	shalt  }
0x75: {  	_ =	shalt  }
0x76: {  	_ =	shalt  }
0x77: {  	_ =	shalt  }
0x78: {  	_ =	shalt  }
0x79: {  	_ =	shalt  }
0x7a: {  	_ =	shalt  }
0x7b: {  	_ =	shalt  }
0x7c: {  	_ =	shalt  }
0x7d: {  	_ =	shalt  }
0x7e: {  	_ =	shalt  }
0x7f: {  	_ =	shalt  }
0x80: {  	_ =	shalt  }
0x81: {  	_ =	shalt  }
0x82: {  	_ =	shalt  }
0x83: {  	_ =	shalt  }
0x84: {  	_ =	shalt  }
0x85: {  	_ =	shalt  }
0x86: {  	_ =	shalt  }
0x87: {  	_ =	shalt  }
.Lfunc_end0:
.L_simem_size_0:
called_computation_lowered:
.L_overlay_start_0:
0x88: {  	s2 =	sld [smem:$0x3FD9]  }
0x89: {  	s3 =	sld [smem:$0x3FFE];
	_ =	sdelay $0x1  }
0x8a: {  	s1 =	srdreg.scid  }
0x8b: {  	s0 =	sand.u32 $0x1, s1  }
0x8c: {  	s17 =	sshll.u32 s0, $0xA;
	s2 =	sadd.s32 s3, s2  }
0x8d: {  	s2 =	sadd.s32 s2, s17  }
0x8e: {  	[smem:$0x3FBA] =	sst s2  }
0x8f: {  	_ = 	snop  }
0x90: {  	s2 =	sld [smem:$0x3FD0];
	(tm) =	ssettm $0x1  }
0x91: {  	s18 =	sld [smem:$0x3FFB];
	_ =	sdelay $0x3  }
0x92: {  	_ =	strace s18  }
0x93: {  	s3 =	sld [smem:$0x3FFC];
	_ =	sdelay $0x3  }
0x94: {  	_ =	strace s3  }
0x95: {  	s3 =	sld [smem:$0x3FFD];
	_ =	sdelay $0x3  }
0x96: {  	_ =	strace s3  }
0x97: {  	_ =	strace $0x8FFFFFFF  }
0x98: {  	s19 =	sld [smem:$0x3FDB];
	_ =	sdelay $0x1  }
0x99: {  	s4 =	simm.s32 $_scs_section_size  }
0x9a: {  	s5 =	simm.s32 $_size__tile_overlayer_lowered;
	s6 =	simm.s32 $_tile_overlayer_lowered  }
0x9b: {  	s22 =	simm.s32 $0x1BFF;
	s21 =	sshll.u32 s6, $0x1;
	s3 =	sadd.s32 s4, s19  }
0x9c: {  	s7 =	simm.s32 $0x0;
	s20 =	sshll.u32 s5, $0x1;
	s5 =	sadd.s32 s21, s3  }
0x9d: {  	[timem:s7], [sflag:s22] =	dma.local [hbm:s5], s20  }
0x9e: {  	_ =	swait.ge [sflag:s22], s20  }
0x9f: {  	s4 =	ssub.s32 $0x0, s20;
	[sflag:s22] =	ssyncset.done $0x0  }
0xa0: {  	[sflag:s22] =	ssyncadd.s32 s4;
	_ =	sdelay $0x1  }
0xa1: {  	s23 =	simm.s32 $0x1B8B  }
0xa2: {  	_ =	swait.ge [sflag:s23], $0x1  }
0xa3: {  	[sflag:s23] =	ssyncset.done $0x0  }
0xa4: {  	s25 =	simm.s32 $0x1B8E;
	s24 =	sld [smem:$0x3FFE];
	[sflag:s23] =	ssyncadd.s32 $0xFFFFFFFF  }
0xa5: {  	s26 =	simm.s32 $execute0_lowered;
	[smem:$0x3FD2] =	sst s25  }
0xa6: {  	s5 =	sshll.u32 s26, $0x1;
	_ =	strace $0x80000046;
	[dreg:$0x1] =	wrdreg $0xFFFFFFFF  }
0xa7: {  	s28 =	simm.s32 $_size_execute0_lowered;
	s3 =	sadd.s32 s3, s5;
	[dreg:$0x0] =	wrdreg $0x0  }
0xa8: {  	s5 =	sshll.u32 s28, $0x1;
	[dreg:$0x2] =	wrdreg s3  }
0xa9: {  	[dreg:$0x3] =	wrdreg s5  }
0xaa: {  	[dreg:$0x4] =	wrdreg $0xC0  }
0xab: {  	_ =	task [dreg:s7], $0x5FFFF  }
0xac: {  	[dreg:$0x1] =	wrdreg $0xFFFFFFFF  }
0xad: {  	[dreg:$0x0] =	wrdreg $0x60  }
0xae: {  	[dreg:$0x2] =	wrdreg s24  }
0xaf: {  	[dreg:$0x3] =	wrdreg s2  }
0xb0: {  	[dreg:$0x4] =	wrdreg $0x51000  }
0xb1: {  	[dreg:$0x5] =	wrdreg $0x9  }
0xb2: {  	_ =	task.clear_ibuf [dreg:s7], $0x6FFFF;
	_ =	strace $0x90000046  }
0xb3: {  	s29 =	simm.s32 $0x9;
	_ =	strace $0x80000048  }
0xb4: {  	_ =	swait.ge [sflag:s29], $0x1  }
0xb5: {  	[sflag:s29] =	ssyncadd.s32 $0xFFFFFFFF  }
0xb6: {  	_ =	strace $0x90000048  }
0xb7: {  	_ =	sfence  }
0xb8: {  	s30 =	sld [smem:$0x0];
	_ =	sdelay $0x2  }
0xb9: {  	s31 =	sshll.u32 s1, $0xD;
	s1 =	sshrl.u32 s1, $0x2  }
0xba: {  	s3 =	sand.u32 $0x4000, s31;
	s1 =	sadd.s32 s1, s30  }
0xbb: {  	s0 =	sor.u32 s3, s0;
	s1 =	sshll.u32 s1, $0x11  }
0xbc: {  	s0 =	sor.u32 s1, s0  }
0xbd: {  	s0 =	sadd.s32 $0x8F2B, s0  }
0xbe: {  	[sflag:s0] =	ssyncadd.remote.s32 $0x1  }
0xbf: {  	_ =	sfence.sel $0xFFFF  }
0xc0: {  	[dreg:$0x0] =	wrdreg $0xFFFFFFFF;
	(pc) =	sbr.abs _section_cstart, $3  }
0xc1: {  	[dreg:$0x1] =	wrdreg $0xFFFFFFFF  }
0xc2: {  	_ =	task.clear_ibuf [dreg:s7], $0x2FFFF;
	_ =	strace $0x9FFFFFFF  }
0xc3: {  	(tm) =	ssettm $0x7FFFFFFF  }
tec
execute0_lowered:
.L_overlay_start_1:
0x0: {  	(tag) =	ssettag $0x1  }
0x1: {  	s0 =	rddreg [dreg:$0x0]  }
0x2: {  	s1 =	rddreg [dreg:$0x1]  }
0x3: {  	s2 =	rddreg [dreg:$0x2];
	s4 =	simm.s32 $0x0  }
0x4: {  	s3 =	srdreg.scid;
	s12 =	stileid.u32;
	s28 =	simm.s32 $0x100  }
0x5: {  	s29 =	simm.s32 $0x2;
	s30 =	simm.s32 $0x80;
	s31 =	simm.s32 $0x2900  }
0x6: {  	[smem:$0x7FF] =	sst s4;
	s3 =	sand.u32 $0x1, s3;
	s8 =	smul.u32 $0x14000, s12  }
0x7: {  	s5 =	sadd.s32 $0x4EF200, s0;
	s6 =	sadd.s32 $0xD200, s0;
	s10 =	smul.u32 $0x50000, s12  }
0x8: {  	s7 =	smul.u32 $0x140000, s3;
	_ =	strace $0x80000047;
	s9 =	ssub.s32 $0x2, s3  }
0x9: {  	p0 =	seq.s32 s3, $0x1;
	s3 =	simm.s32 $0x1;
	s11 =	sshrl.u32 s9, $0x1  }
0xa: {  	s22 =	sshrl.u32 s10, $0x2;
	s10 =	simm.s32 $0x0;
	s8 =	sadd.s32 s8, s7  }
0xb: {  	s7 =	sadd.s32 $0x3400, s0;
	s11 =	ssub.s32 s9, s11;
	s9 =	sadd.s32 s22, s2  }
0xc: {  	s8 =	sshrl.u32 s8, $0x3;
	s23 =	smax.u32 s11, $0x1;
	s24 =	sadd.s32 $0x1400, s9  }
0xd: {  	s25 =	sadd.s32 $0x2800, s9;
	s26 =	sadd.s32 $0x3C00, s9;
	s15 =	sadd.s32 $0x5000, s9  }
0xe: {  	s16 =	sadd.s32 $0x6400, s9;
	s17 =	sadd.s32 $0x7800, s9;
	s18 =	sadd.s32 $0x8C00, s9  }
0xf: {  	s19 =	sadd.s32 $0xA000, s9;
	s20 =	sadd.s32 $0xB400, s9;
	[dreg:$0x5] =	wrdreg s23  }
.Ltmp0:
0x10: {  	s21 =	sadd.s32 $0xC800, s9;
	[dreg:$0x6] =	wrdreg s24;
	(pc) =	sbr.rel .LBB2_1-.Ltmp0, $4  }
0x11: {  	s22 =	sadd.s32 $0xDC00, s9;
	s0 =	sadd.s32 s8, s0;
	[dreg:$0x7] =	wrdreg s25  }
0x12: {  	s8 =	smul.u32 $0x4E20, s12;
	[dreg:$0x8] =	wrdreg s26;
	s23 =	sadd.s32 $0xF000, s9  }
0x13: {  	v0 =	vimm.f32 $0.0e+00;
	vm0 =	vcmask $0x300;
	s24 =	sadd.s32 $0x10400, s9;
	s25 =	sadd.s32 $0x11800, s9;
	s0 =	sadd.s32 $0x517200, s0  }
0x14: {  	v1 =	vsel vm0, $0x3F800000, v0;
	s26 =	sadd.s32 $0x12C00, s9;
	[dreg:$0x4] =	wrdreg s0;
	s0 =	simm.s32 $0x50  }
.LBB2_10:
0x15: {  	s11 =	stileid.u32  }
0x16: {  	[bflag:$0x0] =	sbarrier.arrive $0xFFFF;
	s11 =	sshll.u32 s11, $0x6  }
0x17: {  	s12 =	sshrl.u32 s9, $0x3;
	s13 =	rddreg [dreg:$0x4];
	s11 =	sor.u32 $0x1C02, s11  }
0x18: {  	[hbm:s13], [sflag:s11] =	dma.local [spmem:s12], $0x2800  }
0x19: {  	_ =	swait.ge [sflag:s29], $0x2800  }
0x1a: {  	s10 =	sadd.s32 $0x1, s10;
	s14 =	rddreg [dreg:$0x5]  }
0x1b: {  	p1 =	sne.s32 s10, s14  }
.Ltmp1:
0x1c: {  	_ = 	snop;
	(pc) =	sbr.rel @!p1 .LBB2_11-.Ltmp1, $3  }
0x1d: {  	_ =	sdelay $0x1  }
0x1e: {  	[sflag:s29] =	ssyncset.done $0x0  }
0x1f: {  	[sflag:s29] =	ssyncadd.s32 $0xFFFFD800  }
.LBB2_1:
0x20: {  	s11 =	simm.s32 $0x0;
	s12 =	simm.s32 $0x200  }
.LBB2_2:
0x21: {  	p1 =	sne.s32 s12, $0x9E00;
	[tilespmem:s11+$0x170] =	vst v0  }
0x22: {  	[tilespmem:s11+$0x100] =	vst v0  }
0x23: {  	[tilespmem:s11+$0x110] =	vst v0  }
.Ltmp2:
0x24: {  	[tilespmem:s11+$0x120] =	vst v0;
	(pc) =	sbr.rel @p1 .LBB2_2-.Ltmp2, $4  }
0x25: {  	[tilespmem:s11+$0x130] =	vst v0  }
0x26: {  	[tilespmem:s11+$0x140] =	vst v0  }
0x27: {  	[tilespmem:s11+$0x150] =	vst v0  }
0x28: {  	[tilespmem:s11+$0x160] =	vst v0;
	s11 =	sshra.s32 s12, $0x2;
	s12 =	sadd.s32 $0x200, s12  }
0x29: {  	[tilespmem:s11+$0x170] =	vst v0  }
0x2a: {  	[tilespmem:s11+$0x100] =	vst v0  }
0x2b: {  	[tilespmem:s11+$0x110] =	vst v0  }
0x2c: {  	[tilespmem:s11+$0x120] =	vst v0  }
0x2d: {  	[tilespmem:s11+$0x130] =	vst v0  }
0x2e: {  	[tilespmem:s11+$0x140] =	vst v0  }
0x2f: {  	[tilespmem:s11+$0x150] =	vst v0  }
0x30: {  	[tilespmem:s11+$0x160] =	vst v0  }
0x31: {  	[spmem:s9] =	stream.linear.scatter [tilespmem:s28], [sflag:$0x2], $0x1400, $0x38;
	[tilespmem:$0x19100] =	vst v63  }
0x32: {  	_ =	swait.ge [sflag:s29], $0x1400  }
0x33: {  	[sflag:s29] =	ssyncset.done $0x0  }
0x34: {  	s12 =	rddreg [dreg:$0x6];
	[sflag:s29] =	ssyncadd.s32 $0xFFFFEC00  }
0x35: {  	[spmem:s12] =	stream.linear.scatter [tilespmem:s28], [sflag:$0x2], $0x1400, $0x38;
	[tilespmem:$0x19100] =	vst v63  }
0x36: {  	_ =	swait.ge [sflag:s29], $0x1400  }
0x37: {  	[sflag:s29] =	ssyncset.done $0x0  }
0x38: {  	s13 =	rddreg [dreg:$0x7];
	[sflag:s29] =	ssyncadd.s32 $0xFFFFEC00  }
0x39: {  	[spmem:s13] =	stream.linear.scatter [tilespmem:s28], [sflag:$0x2], $0x1400, $0x38;
	[tilespmem:$0x19100] =	vst v63  }
0x3a: {  	_ =	swait.ge [sflag:s29], $0x1400  }
0x3b: {  	[sflag:s29] =	ssyncset.done $0x0  }
0x3c: {  	s14 =	rddreg [dreg:$0x8];
	[sflag:s29] =	ssyncadd.s32 $0xFFFFEC00  }
0x3d: {  	[spmem:s14] =	stream.linear.scatter [tilespmem:s28], [sflag:$0x2], $0x1400, $0x38;
	[tilespmem:$0x19100] =	vst v63  }
0x3e: {  	_ =	swait.ge [sflag:s29], $0x1400  }
0x3f: {  	[sflag:s29] =	ssyncset.done $0x0  }
0x40: {  	[sflag:s29] =	ssyncadd.s32 $0xFFFFEC00  }
0x41: {  	[spmem:s15] =	stream.linear.scatter [tilespmem:s28], [sflag:$0x2], $0x1400, $0x38;
	[tilespmem:$0x19100] =	vst v63  }
0x42: {  	_ =	swait.ge [sflag:s29], $0x1400  }
0x43: {  	[sflag:s29] =	ssyncset.done $0x0  }
0x44: {  	[sflag:s29] =	ssyncadd.s32 $0xFFFFEC00  }
0x45: {  	[spmem:s16] =	stream.linear.scatter [tilespmem:s28], [sflag:$0x2], $0x1400, $0x38;
	[tilespmem:$0x19100] =	vst v63  }
0x46: {  	_ =	swait.ge [sflag:s29], $0x1400  }
0x47: {  	[sflag:s29] =	ssyncset.done $0x0  }
0x48: {  	[sflag:s29] =	ssyncadd.s32 $0xFFFFEC00  }
0x49: {  	[spmem:s17] =	stream.linear.scatter [tilespmem:s28], [sflag:$0x2], $0x1400, $0x38;
	[tilespmem:$0x19100] =	vst v63  }
0x4a: {  	_ =	swait.ge [sflag:s29], $0x1400  }
0x4b: {  	[sflag:s29] =	ssyncset.done $0x0  }
0x4c: {  	[sflag:s29] =	ssyncadd.s32 $0xFFFFEC00  }
0x4d: {  	[spmem:s18] =	stream.linear.scatter [tilespmem:s28], [sflag:$0x2], $0x1400, $0x38;
	[tilespmem:$0x19100] =	vst v63  }
0x4e: {  	_ =	swait.ge [sflag:s29], $0x1400  }
0x4f: {  	[sflag:s29] =	ssyncset.done $0x0  }
0x50: {  	[sflag:s29] =	ssyncadd.s32 $0xFFFFEC00  }
0x51: {  	[spmem:s19] =	stream.linear.scatter [tilespmem:s28], [sflag:$0x2], $0x1400, $0x38;
	[tilespmem:$0x19100] =	vst v63  }
0x52: {  	_ =	swait.ge [sflag:s29], $0x1400  }
0x53: {  	[sflag:s29] =	ssyncset.done $0x0  }
0x54: {  	[sflag:s29] =	ssyncadd.s32 $0xFFFFEC00  }
0x55: {  	[spmem:s20] =	stream.linear.scatter [tilespmem:s28], [sflag:$0x2], $0x1400, $0x38;
	[tilespmem:$0x19100] =	vst v63  }
0x56: {  	_ =	swait.ge [sflag:s29], $0x1400  }
0x57: {  	[sflag:s29] =	ssyncset.done $0x0  }
0x58: {  	[sflag:s29] =	ssyncadd.s32 $0xFFFFEC00  }
0x59: {  	[spmem:s21] =	stream.linear.scatter [tilespmem:s28], [sflag:$0x2], $0x1400, $0x38;
	[tilespmem:$0x19100] =	vst v63  }
0x5a: {  	_ =	swait.ge [sflag:s29], $0x1400  }
0x5b: {  	[sflag:s29] =	ssyncset.done $0x0  }
0x5c: {  	[sflag:s29] =	ssyncadd.s32 $0xFFFFEC00  }
0x5d: {  	[spmem:s22] =	stream.linear.scatter [tilespmem:s28], [sflag:$0x2], $0x1400, $0x38;
	[tilespmem:$0x19100] =	vst v63  }
0x5e: {  	_ =	swait.ge [sflag:s29], $0x1400  }
0x5f: {  	[sflag:s29] =	ssyncset.done $0x0  }
0x60: {  	[sflag:s29] =	ssyncadd.s32 $0xFFFFEC00  }
0x61: {  	[spmem:s23] =	stream.linear.scatter [tilespmem:s28], [sflag:$0x2], $0x1400, $0x38;
	[tilespmem:$0x19100] =	vst v63  }
0x62: {  	_ =	swait.ge [sflag:s29], $0x1400  }
0x63: {  	[sflag:s29] =	ssyncset.done $0x0  }
0x64: {  	[sflag:s29] =	ssyncadd.s32 $0xFFFFEC00  }
0x65: {  	[spmem:s24] =	stream.linear.scatter [tilespmem:s28], [sflag:$0x2], $0x1400, $0x38;
	[tilespmem:$0x19100] =	vst v63  }
0x66: {  	_ =	swait.ge [sflag:s29], $0x1400  }
0x67: {  	[sflag:s29] =	ssyncset.done $0x0  }
0x68: {  	[sflag:s29] =	ssyncadd.s32 $0xFFFFEC00  }
0x69: {  	[spmem:s25] =	stream.linear.scatter [tilespmem:s28], [sflag:$0x2], $0x1400, $0x38;
	[tilespmem:$0x19100] =	vst v63  }
0x6a: {  	_ =	swait.ge [sflag:s29], $0x1400  }
0x6b: {  	[sflag:s29] =	ssyncset.done $0x0  }
0x6c: {  	[sflag:s29] =	ssyncadd.s32 $0xFFFFEC00  }
0x6d: {  	[spmem:s26] =	stream.linear.scatter [tilespmem:s28], [sflag:$0x2], $0x1400, $0x38;
	[tilespmem:$0x19100] =	vst v63  }
.Ltmp3:
0x6e: {  	_ =	swait.ge [sflag:s29], $0x1400;
	(pc) =	sbr.rel .LBB2_4-.Ltmp3, $4  }
0x6f: {  	[sflag:s29] =	ssyncset.done $0x0  }
0x70: {  	[sflag:s29] =	ssyncadd.s32 $0xFFFFEC00  }
0x71: {  	[bflag:$0x0] =	sbarrier.arrive $0xFFFF  }
0x72: {  	s11 =	simm.s32 $0x0  }
.LBB2_5:
0x73: {  	s12 =	sadd.s32 s7, s13  }
0x74: {  	[tilespmem:s4], [sflag:$0x2] =	stream.linear.gather [hbm4b:s12+s4], $0x50, $0x38;
	[tilespmem:$0x19100] =	vst v63  }
0x75: {  	_ =	swait.ge [sflag:s29], $0x50  }
0x76: {  	[sflag:s29] =	ssyncset.done $0x0  }
0x77: {  	[sflag:s29] =	ssyncadd.s32 $0xFFFFFFB0  }
0x78: {  	[tilespmem:s28], [sflag:$0x1] =	stream.indirect.gather [hbm4b:s5+s0], $0x80, s4, s0, $0xb8;
	[tilespmem:$0x19100] =	vst v63  }
0x79: {  	_ =	swait.ge [sflag:s3], $0x2800  }
0x7a: {  	[sflag:s3] =	ssyncset.done $0x0  }
0x7b: {  	[sflag:s3] =	ssyncadd.s32 $0xFFFFD800  }
.LBB2_9:
0x7c: {  	s11 =	sadd.s32 $0x1, s11  }
0x7d: {  	p1 =	sne.s32 s11, $0xFA  }
.Ltmp4:
0x7e: {  	_ = 	snop;
	(pc) =	sbr.rel @!p1 .LBB2_10-.Ltmp4, $4  }
0x7f: {  	[spmem:s2] =	stream.indirect.scatter.add.f32 [tilespmem:s28], [sflag:$0x2], $0x80, s30, s0, $0xb8;
	[tilespmem:$0x19100] =	vst v63  }
0x80: {  	_ =	swait.ge [sflag:s29], $0x2800  }
0x81: {  	[sflag:s29] =	ssyncset.done $0x0  }
0x82: {  	[sflag:s29] =	ssyncadd.s32 $0xFFFFD800  }
.LBB2_4:
0x83: {  	s12 =	smul.u32 $0x50, s11;
	_ =	sdelay $0x1  }
0x84: {  	s12 =	sadd.s32 s8, s12  }
0x85: {  	s13 =	sshrl.u32 s12, $0x3  }
.Ltmp5:
0x86: {  	s14 =	sadd.s32 s1, s13;
	(pc) =	sbr.rel @!p0 .LBB2_5-.Ltmp5, $4  }
0x87: {  	[tilespmem:s30], [sflag:$0x2] =	stream.linear.gather [hbm4b:s14+s4], $0x50, $0x38;
	[tilespmem:$0x19100] =	vst v63  }
0x88: {  	_ =	swait.ge [sflag:s29], $0x50  }
0x89: {  	[sflag:s29] =	ssyncset.done $0x0  }
0x8a: {  	[sflag:s29] =	ssyncadd.s32 $0xFFFFFFB0  }
0x8b: {  	s12 =	sshll.u32 s12, $0x4  }
0x8c: {  	s13 =	simm.s32 $0x0;
	s12 =	sadd.s32 s6, s12  }
0x8d: {  	[tilespmem:s31], [sflag:$0x2] =	stream.linear.gather [hbm4b:s12+s13], $0x2800, $0x38;
	[tilespmem:$0x19100] =	vst v63  }
0x8e: {  	_ =	swait.ge [sflag:s29], $0x2800  }
0x8f: {  	[sflag:s29] =	ssyncset.done $0x0  }
0x90: {  	s12 =	simm.s32 $0x0;
	[sflag:s29] =	ssyncadd.s32 $0xFFFFD800  }
0x91: {  	s13 =	simm.s32 $0x200;
	v2 =	vld [tilespmem:s12+$0x2900];
	[tilespmem:s12+$0x110] =	vst v1  }
.LBB2_7:
0x92: {  	p1 =	sne.s32 s13, $0x9E00  }
.Ltmp6:
0x93: {  	_ = 	snop;
	(pc) =	sbr.rel @p1 .LBB2_7-.Ltmp6, $3  }
0x94: {  	_ =	sdelay $0x1  }
0x95: {  	[tilespmem:s12+$0x100] =	vst v2;
	s12 =	sshra.s32 s13, $0x2;
	s13 =	sadd.s32 $0x200, s13  }
0x96: {  	v2 =	vld [tilespmem:s12+$0x2900];
	[tilespmem:s12+$0x110] =	vst v1  }
.Ltmp7:
0x97: {  	_ = 	snop;
	(pc) =	sbr.rel .LBB2_9-.Ltmp7, $2  }
0x98: {  	_ =	sdelay $0x2  }
0x99: {  	[tilespmem:s12+$0x100] =	vst v2  }
.LBB2_11:
0x9a: {  	_ =	sfence.sel $0x180000  }
0x9b: {  	[bflag:$0x0] =	sbarrier.arrive $0xFFFF  }
0x9c: {  	_ =	strace $0x90000047  }
0x9d: {  	s0 =	stileid.u32;
	[bflag:$0x2] =	sbarrier.arrive $0xFFFF  }
0x9e: {  	p0 =	sne.s32 s0, $0x0;
	s0 =	rddreg [dreg:$0x3]  }
0x9f: {  	s0 =	sadd.s32 @!p0 $0x100000, s0  }
0xa0: {  	[sflag:s0] =	ssyncadd.tile.s32 @!p0 $0x1;
	_ =	shalt  }
.Lfunc_end2:
_tile_overlayer_lowered:
.L_overlay_start_2:
0xa1: {  	(tag) =	ssettag $0x2  }
0xa2: {  	s0 =	rddreg [dreg:$0x0];
	s2 =	stileid.u32  }
0xa3: {  	s1 =	rddreg [dreg:$0x1];
	p0 =	sne.s32 s2, $0x0  }
0xa4: {  	s3 =	rddreg [dreg:$0x2];
	[bflag:$0x3] =	sbarrier.arrive $0xFFFF;
	s2 =	simm.s32 @!p0 $0x1C02  }
0xa5: {  	[timem:s3], [sflag:s2] =	dma.local @!p0 [hbm:s0], s1  }
0xa6: {  	s0 =	simm.s32 @!p0 $0x2  }
0xa7: {  	_ =	swait.ge @!p0 [sflag:s0], s1  }
0xa8: {  	s1 =	ssub.s32 @!p0 $0x0, s1;
	[sflag:s0] =	ssyncset.done @!p0 $0x0  }
0xa9: {  	[sflag:s0] =	ssyncadd.s32 @!p0 s1  }
0xaa: {  	[bflag:$0x3] =	sbarrier.arrive $0xFFFF  }
0xab: {  	_ =	shalt  }

</sc_bundles>
